<compile_context>
chip_gen: v7x
topology: tpu7x:2x2x1
jax: 0.10.2.dev20260603
libtpu: 0.0.44.dev20260713+nightly
codegen_flags: <defaults>
</compile_context>

<pallas_src>
import math

import jax
import jax.numpy as jnp
from jax import lax
from jax.experimental import pallas as pl
from jax.experimental.pallas import tpu as pltpu

NA, NPAP, C, H = 10000, 10000, 128, 8
D = C // H
NUM_ET = 2
E_WRITES, E_CITES = 160000, 320000



def _proj_body(xa_ref, xp_ref, wa_ref, ba_ref, wp_ref, bp_ref,
               kva_ref, kvp_ref, qp_ref):
    kva_ref[...] = jnp.dot(xa_ref[...], wa_ref[...],
                           preferred_element_type=jnp.float32) + ba_ref[...]
    t = jnp.dot(xp_ref[...], wp_ref[...],
                preferred_element_type=jnp.float32) + bp_ref[...]
    kvp_ref[...] = t[:, :2 * C]
    qp_ref[...] = t[:, 2 * C:]


def _projections(x_author, x_paper, Wa, ba, Wp, bp):
    BLK = 2000
    grid = (NA // BLK,)
    return pl.pallas_call(
        _proj_body,
        grid=grid,
        in_specs=[
            pl.BlockSpec((BLK, C), lambda i: (i, 0)),
            pl.BlockSpec((BLK, C), lambda i: (i, 0)),
            pl.BlockSpec((C, 2 * C), lambda i: (0, 0)),
            pl.BlockSpec((1, 2 * C), lambda i: (0, 0)),
            pl.BlockSpec((C, 3 * C), lambda i: (0, 0)),
            pl.BlockSpec((1, 3 * C), lambda i: (0, 0)),
        ],
        out_specs=[
            pl.BlockSpec((BLK, 2 * C), lambda i: (i, 0)),
            pl.BlockSpec((BLK, 2 * C), lambda i: (i, 0)),
            pl.BlockSpec((BLK, C), lambda i: (i, 0)),
        ],
        out_shape=[
            jax.ShapeDtypeStruct((NA, 2 * C), jnp.float32),
            jax.ShapeDtypeStruct((NPAP, 2 * C), jnp.float32),
            jax.ShapeDtypeStruct((NPAP, C), jnp.float32),
        ],
    )(x_author, x_paper, Wa, ba, Wp, bp)



def _out_body(num_ref, den_ref, xp_ref, xa_ref, wout_ref, bout_ref,
              attp_ref, atta_ref, scal_ref, out_ref, outp_scr, zp_scr):
    sp = scal_ref[0, 0]
    sa = scal_ref[0, 1]
    ga_dot_atta = scal_ref[0, 2]
    sel = (lax.broadcasted_iota(jnp.int32, (H, C), 1) // D ==
           lax.broadcasted_iota(jnp.int32, (H, C), 0)).astype(jnp.float32)
    den_rep = jnp.dot(den_ref[...], sel, preferred_element_type=jnp.float32)
    aggr = num_ref[...] / (den_rep + 1e-16)
    t = jnp.dot(aggr, wout_ref[...],
                preferred_element_type=jnp.float32) + bout_ref[...]
    out_p = 0.5 * t * (1.0 + lax.erf(t * 0.7071067811865476))
    out_p = sp * out_p + (1.0 - sp) * xp_ref[...]
    outp_scr[...] = out_p
    zp = jnp.dot(out_p, attp_ref[...], preferred_element_type=jnp.float32)
    zp_scr[...] = zp
    wp = jax.nn.softmax(zp, axis=0)
    pooled_p = jnp.dot(wp.T, outp_scr[...], preferred_element_type=jnp.float32)

    za = jnp.dot(xa_ref[...], atta_ref[...], preferred_element_type=jnp.float32)
    za = sa * ga_dot_atta + (1.0 - sa) * za
    wa = jax.nn.softmax(za, axis=0)
    pooled_a = jnp.dot(wa.T, xa_ref[...], preferred_element_type=jnp.float32)
    out_ref[0, :] = pooled_a[0, :] * (1.0 - sa)
    out_ref[1, :] = pooled_p[0, :]


def _output_stage(num, den, x_paper, x_author, Wout_p, bout_p,
                  att_p, att_a, scalars):
    return pl.pallas_call(
        _out_body,
        in_specs=[
            pl.BlockSpec((NPAP, C), lambda: (0, 0)),
            pl.BlockSpec((NPAP, H), lambda: (0, 0)),
            pl.BlockSpec((NPAP, C), lambda: (0, 0)),
            pl.BlockSpec((NA, C), lambda: (0, 0)),
            pl.BlockSpec((C, C), lambda: (0, 0)),
            pl.BlockSpec((1, C), lambda: (0, 0)),
            pl.BlockSpec((C, 1), lambda: (0, 0)),
            pl.BlockSpec((C, 1), lambda: (0, 0)),
            pl.BlockSpec((1, 8), lambda: (0, 0)),
        ],
        out_specs=pl.BlockSpec((2, C), lambda: (0, 0)),
        out_shape=jax.ShapeDtypeStruct((2, C), jnp.float32),
        scratch_shapes=[
            pltpu.VMEM((NPAP, C), jnp.float32),
            pltpu.VMEM((NPAP, 1), jnp.float32),
        ],
    )(num, den, x_paper, x_author, Wout_p, bout_p, att_p, att_a, scalars)



def _fold_weights(Wkqv_a, bkqv_a, Wkqv_p, bkqv_p, k_rel_w, k_rel_b,
                  v_rel_w, v_rel_b, p_rel_writes, p_rel_cites):
    Wk_a, _, Wv_a = Wkqv_a[:, :C], Wkqv_a[:, C:2 * C], Wkqv_a[:, 2 * C:]
    bk_a, _, bv_a = bkqv_a[:C], bkqv_a[C:2 * C], bkqv_a[2 * C:]
    Wk_p, Wq_p, Wv_p = Wkqv_p[:, :C], Wkqv_p[:, C:2 * C], Wkqv_p[:, 2 * C:]
    bk_p, bq_p, bv_p = bkqv_p[:C], bkqv_p[C:2 * C], bkqv_p[2 * C:]

    kw = k_rel_w.reshape(H, NUM_ET, D, D)
    kb = k_rel_b.reshape(H, NUM_ET, D)
    vw = v_rel_w.reshape(H, NUM_ET, D, D)
    vb = v_rel_b.reshape(H, NUM_ET, D)

    s_a = (p_rel_writes.reshape(H) / math.sqrt(D))[:, None]
    s_p = (p_rel_cites.reshape(H) / math.sqrt(D))[:, None]

    def fold(Wpart, bpart, rw, rb, scale):
        Wf = jnp.einsum('chd,hde->che', Wpart.reshape(C, H, D), rw)
        bf = jnp.einsum('hd,hde->he', bpart.reshape(H, D), rw) + rb
        Wf = (Wf * scale[None, :, :]).reshape(C, C)
        bf = (bf * scale).reshape(C)
        return Wf, bf

    one = jnp.ones((H, 1), jnp.float32)
    Wk_af, bk_af = fold(Wk_a, bk_a, kw[:, 0], kb[:, 0], s_a)
    Wv_af, bv_af = fold(Wv_a, bv_a, vw[:, 0], vb[:, 0], one)
    Wk_pf, bk_pf = fold(Wk_p, bk_p, kw[:, 1], kb[:, 1], s_p)
    Wv_pf, bv_pf = fold(Wv_p, bv_p, vw[:, 1], vb[:, 1], one)

    Wa = jnp.concatenate([Wk_af, Wv_af], axis=1)
    ba = jnp.concatenate([bk_af, bv_af])[None, :]
    Wp = jnp.concatenate([Wk_pf, Wv_pf, Wq_p], axis=1)
    bp = jnp.concatenate([bk_pf, bv_pf, bq_p])[None, :]
    return Wa, ba, Wp, bp



def _edge_phase(kv_a, kv_p, q_p, ei_writes, ei_cites):
    k_all = jnp.concatenate([kv_a[:, :C], kv_p[:, :C]], axis=0)
    v_all = jnp.concatenate([kv_a[:, C:], kv_p[:, C:]], axis=0)
    src = jnp.concatenate([ei_writes[0], ei_cites[0] + NA]).astype(jnp.int32)
    dst = jnp.concatenate([ei_writes[1], ei_cites[1]]).astype(jnp.int32)
    qe = q_p[dst].reshape(-1, H, D)
    ke = k_all[src].reshape(-1, H, D)
    ex = jnp.exp(jnp.sum(qe * ke, axis=-1))
    den = jax.ops.segment_sum(ex, dst, num_segments=NPAP)
    num = jax.ops.segment_sum(
        (v_all[src].reshape(-1, H, D) * ex[:, :, None]).reshape(-1, C),
        dst, num_segments=NPAP)
    return num, den



def kernel(x_author, x_paper, edge_index_writes, edge_index_cites,
           Wkqv_author, bkqv_author, Wkqv_paper, bkqv_paper,
           k_rel_w, k_rel_b, v_rel_w, v_rel_b,
           Wout_author, bout_author, Wout_paper, bout_paper,
           skip_author, skip_paper, p_rel_writes, p_rel_cites,
           att_author, att_paper):
    Wa, ba, Wp, bp = _fold_weights(Wkqv_author, bkqv_author, Wkqv_paper,
                                   bkqv_paper, k_rel_w, k_rel_b, v_rel_w,
                                   v_rel_b, p_rel_writes, p_rel_cites)
    kv_a, kv_p, q_p = _projections(x_author, x_paper, Wa, ba, Wp, bp)

    num, den = _edge_phase(kv_a, kv_p, q_p, edge_index_writes,
                           edge_index_cites)

    sa = jax.nn.sigmoid(skip_author[0])
    sp = jax.nn.sigmoid(skip_paper[0])
    g_a = jax.nn.gelu(bout_author, approximate=False)
    ga_dot_atta = jnp.dot(g_a, att_author)
    scalars = jnp.zeros((1, 8), jnp.float32)
    scalars = scalars.at[0, 0].set(sp).at[0, 1].set(sa).at[0, 2].set(ga_dot_atta)

    pooled = _output_stage(num, den, x_paper, x_author, Wout_paper,
                           bout_paper[None, :], att_paper[:, None],
                           att_author[:, None], scalars)
    pooled_a = pooled[0] + sa * g_a
    pooled_p = pooled[1]
    return jnp.concatenate([pooled_a, pooled_p])[None, :]

# --- scband reference (transcript-rebuilt; emitter-appended) ---
"""Pipeline reference for scband-het-sagpooling-33088428048492 (READ-ONLY COPY).

The authoritative reference and input builder live on the scoring server;
editing this copy changes nothing except your own understanding.
"""

import jax, jax.numpy as jnp
import numpy as np
import math

NA, NPAP, C, H = 10000, 10000, 128, 8
D = C // H
NUM_ET = 2
E_WRITES, E_CITES = 160000, 320000


def setup_inputs(seed: int = 0):
    key = jax.random.key(seed)
    ks = jax.random.split(key, 12)
    s = 0.05
    inp = {}
    inp["x_author"] = jax.random.normal(ks[0], (NA, C), dtype=jnp.float32)
    inp["x_paper"] = jax.random.normal(ks[1], (NPAP, C), dtype=jnp.float32)
    inp["edge_index_writes"] = jax.random.randint(ks[2], (2, E_WRITES), 0, NA)
    inp["edge_index_cites"] = jax.random.randint(ks[3], (2, E_CITES), 0, NPAP)
    inp["Wkqv_author"] = jax.random.normal(ks[4], (C, 3 * C), dtype=jnp.float32) * s
    inp["bkqv_author"] = jnp.zeros((3 * C,), jnp.float32)
    inp["Wkqv_paper"] = jax.random.normal(ks[5], (C, 3 * C), dtype=jnp.float32) * s
    inp["bkqv_paper"] = jnp.zeros((3 * C,), jnp.float32)
    inp["k_rel_w"] = jax.random.normal(ks[6], (H * NUM_ET, D, D), dtype=jnp.float32) * s
    inp["k_rel_b"] = jnp.zeros((H * NUM_ET, D), jnp.float32)
    inp["v_rel_w"] = jax.random.normal(ks[7], (H * NUM_ET, D, D), dtype=jnp.float32) * s
    inp["v_rel_b"] = jnp.zeros((H * NUM_ET, D), jnp.float32)
    inp["Wout_author"] = jax.random.normal(ks[8], (C, C), dtype=jnp.float32) * s
    inp["bout_author"] = jnp.zeros((C,), jnp.float32)
    inp["Wout_paper"] = jax.random.normal(ks[9], (C, C), dtype=jnp.float32) * s
    inp["bout_paper"] = jnp.zeros((C,), jnp.float32)
    inp["skip_author"] = jnp.ones((1,), jnp.float32)
    inp["skip_paper"] = jnp.ones((1,), jnp.float32)
    inp["p_rel_writes"] = jnp.ones((1, H), jnp.float32)
    inp["p_rel_cites"] = jnp.ones((1, H), jnp.float32)
    inp["att_author"] = jax.random.normal(ks[10], (C,), dtype=jnp.float32) * s
    inp["att_paper"] = jax.random.normal(ks[11], (C,), dtype=jnp.float32) * s
    return inp


def _forward(x_author, x_paper, Wkqv_author, bkqv_author, Wkqv_paper, bkqv_paper,
             k_rel_w, k_rel_b, v_rel_w, v_rel_b, Wout_author, bout_author,
             Wout_paper, bout_paper, skip_author, skip_paper, p_rel_writes,
             p_rel_cites, att_author, att_paper, ei_writes, ei_cites):
    Ntot = NA + NPAP
    # kqv projection per node type
    kqv_a = x_author @ Wkqv_author + bkqv_author
    kqv_p = x_paper @ Wkqv_paper + bkqv_paper
    k_a, q_a, v_a = [t.reshape(-1, H, D) for t in jnp.split(kqv_a, 3, axis=1)]
    k_p, q_p, v_p = [t.reshape(-1, H, D) for t in jnp.split(kqv_p, 3, axis=1)]
    # _prepare_inputs: concat sources in edge-type order (writes: author, cites: paper)
    ks_flat = jnp.transpose(jnp.concatenate([k_a, k_p], axis=0), (1, 0, 2)).reshape(-1, D)
    vs_flat = jnp.transpose(jnp.concatenate([v_a, v_p], axis=0), (1, 0, 2)).reshape(-1, D)
    tv_w = jnp.tile((jnp.arange(H) * NUM_ET + 0)[:, None], (1, NA))
    tv_c = jnp.tile((jnp.arange(H) * NUM_ET + 1)[:, None], (1, NPAP))
    type_idx = jnp.concatenate([tv_w, tv_c], axis=1).reshape(-1)
    # typed (relation-specific) linear: per-element weight gather
    k_typed = jnp.einsum('nd,ndo->no', ks_flat, k_rel_w[type_idx]) + k_rel_b[type_idx]
    v_typed = jnp.einsum('nd,ndo->no', vs_flat, v_rel_w[type_idx]) + v_rel_b[type_idx]
    k_all = jnp.transpose(k_typed.reshape(H, Ntot, D), (1, 0, 2))
    v_all = jnp.transpose(v_typed.reshape(H, Ntot, D), (1, 0, 2))
    q_all = jnp.concatenate([q_a, q_p], axis=0)
    # construct_bipartite_edge_index: src offsets {writes:0, cites:NA}; dst offsets {author:0, paper:NA}
    src = jnp.concatenate([ei_writes[0], ei_cites[0] + NA])
    dst = jnp.concatenate([ei_writes[1] + NA, ei_cites[1] + NA])
    edge_attr = jnp.concatenate([
        jnp.broadcast_to(p_rel_writes, (E_WRITES, H)),
        jnp.broadcast_to(p_rel_cites, (E_CITES, H))], axis=0)
    # message + softmax over destination segments
    alpha = (q_all[dst] * k_all[src]).sum(-1) * edge_attr / math.sqrt(D)
    amax = jax.ops.segment_max(alpha, dst, num_segments=Ntot)
    amax = jnp.where(jnp.isfinite(amax), amax, 0.0)
    ex = jnp.exp(alpha - amax[dst])
    denom = jax.ops.segment_sum(ex, dst, num_segments=Ntot)
    attn = ex / (denom[dst] + 1e-16)
    msg = (v_all[src] * attn[:, :, None]).reshape(-1, C)
    aggr = jax.ops.segment_sum(msg, dst, num_segments=Ntot)
    # out_lin + gelu + gated skip
    out_a = jax.nn.gelu(aggr[:NA] @ Wout_author + bout_author, approximate=False)
    out_p = jax.nn.gelu(aggr[NA:] @ Wout_paper + bout_paper, approximate=False)
    sa = jax.nn.sigmoid(skip_author)
    sp = jax.nn.sigmoid(skip_paper)
    out_a = sa * out_a + (1.0 - sa) * x_author
    out_p = sp * out_p + (1.0 - sp) * x_paper
    # HetSAGPooling: type-wise attention pooling, concat across node types
    w_a = jax.nn.softmax(out_a @ att_author)
    w_p = jax.nn.softmax(out_p @ att_paper)
    pooled = jnp.concatenate([w_a @ out_a, w_p @ out_p])[None, :]
    return pooled


def reference(x_author, x_paper, edge_index_writes, edge_index_cites,
              Wkqv_author, bkqv_author, Wkqv_paper, bkqv_paper,
              k_rel_w, k_rel_b, v_rel_w, v_rel_b,
              Wout_author, bout_author, Wout_paper, bout_paper,
              skip_author, skip_paper, p_rel_writes, p_rel_cites,
              att_author, att_paper):
    return _forward(x_author, x_paper, Wkqv_author, bkqv_author, Wkqv_paper,
                    bkqv_paper, k_rel_w, k_rel_b, v_rel_w, v_rel_b,
                    Wout_author, bout_author, Wout_paper, bout_paper,
                    skip_author, skip_paper, p_rel_writes, p_rel_cites,
                    att_author, att_paper, edge_index_writes, edge_index_cites)

if __name__ == "__main__":
    import jax
    _d = setup_inputs()
    print(jax.jit(kernel)(*tuple(_d.values())))

</pallas_src>

<mosaic_0001>
module attributes {stable_mosaic.version = 14 : i64} {
  func.func @_proj_body(%arg0: i32, %arg1: memref<2000x128xf32, #tpu.memory_space<vmem>>, %arg2: memref<2000x128xf32, #tpu.memory_space<vmem>>, %arg3: memref<128x256xf32, #tpu.memory_space<vmem>>, %arg4: memref<1x256xf32, #tpu.memory_space<vmem>>, %arg5: memref<128x384xf32, #tpu.memory_space<vmem>>, %arg6: memref<1x384xf32, #tpu.memory_space<vmem>>, %arg7: memref<2000x256xf32, #tpu.memory_space<vmem>>, %arg8: memref<2000x256xf32, #tpu.memory_space<vmem>>, %arg9: memref<2000x128xf32, #tpu.memory_space<vmem>>) attributes {dimension_semantics = [#tpu.dimension_semantics<arbitrary>], iteration_bounds = array<i64: 5>, scalar_prefetch = 0 : i64, scratch_operands = 0 : i64, tpu.core_type = #tpu.core_type<tc>, window_params = [{transform_indices = @transform_0, window_bounds = array<i64: 2000, 128>}, {transform_indices = @transform_1, window_bounds = array<i64: 2000, 128>}, {pipeline_mode = #tpu.pipeline_mode<synchronous>, transform_indices = @transform_2, window_bounds = array<i64: 128, 256>}, {pipeline_mode = #tpu.pipeline_mode<synchronous>, transform_indices = @transform_3, window_bounds = array<i64: 1, 256>}, {pipeline_mode = #tpu.pipeline_mode<synchronous>, transform_indices = @transform_4, window_bounds = array<i64: 128, 384>}, {pipeline_mode = #tpu.pipeline_mode<synchronous>, transform_indices = @transform_5, window_bounds = array<i64: 1, 384>}, {transform_indices = @transform_6, window_bounds = array<i64: 2000, 256>}, {transform_indices = @transform_7, window_bounds = array<i64: 2000, 256>}, {transform_indices = @transform_8, window_bounds = array<i64: 2000, 128>}]} {
    %get3A = arith.constant 0 : index
    %get3A_0 = arith.constant 0 : index
    %get3A_1 = vector.load %arg1[%get3A, %get3A_0] : memref<2000x128xf32, #tpu.memory_space<vmem>>, vector<2000x128xf32>
    %get3A_2 = arith.constant 0 : index
    %get3A_3 = arith.constant 0 : index
    %get3A_4 = vector.load %arg3[%get3A_2, %get3A_3] : memref<128x256xf32, #tpu.memory_space<vmem>>, vector<128x256xf32>
    %dot_general3A = arith.constant dense<0.000000e+00> : vector<2000x256xf32>
    %dot_general3A_5 = tpu.matmul %get3A_1, %get3A_4, %dot_general3A {dimension_numbers = #tpu.dot_dimension_numbers<[1], [0], [0], [1], [0, 0, 1, 1], [], []>, transpose_lhs_hint = false} : vector<2000x128xf32>, vector<128x256xf32>, vector<2000x256xf32> -> vector<2000x256xf32>
    %get3A_6 = arith.constant 0 : index
    %get3A_7 = arith.constant 0 : index
    %get3A_8 = vector.load %arg4[%get3A_6, %get3A_7] : memref<1x256xf32, #tpu.memory_space<vmem>>, vector<1x256xf32>
    %add3A = vector.broadcast %get3A_8 : vector<1x256xf32> to vector<2000x256xf32>
    %add3A_9 = arith.addf %dot_general3A_5, %add3A : vector<2000x256xf32>
    %swap3A = arith.constant 0 : index
    %swap3A_10 = arith.constant 0 : index
    %swap3A_11 = vector.load %arg7[%swap3A, %swap3A_10] : memref<2000x256xf32, #tpu.memory_space<vmem>>, vector<2000x256xf32>
    tpu.vector_store %arg7[%swap3A, %swap3A_10], %add3A_9 {strides = array<i32>} : memref<2000x256xf32, #tpu.memory_space<vmem>>, vector<2000x256xf32>,
    %get3A_12 = arith.constant 0 : index
    %get3A_13 = arith.constant 0 : index
    %get3A_14 = vector.load %arg2[%get3A_12, %get3A_13] : memref<2000x128xf32, #tpu.memory_space<vmem>>, vector<2000x128xf32>
    %get3A_15 = arith.constant 0 : index
    %get3A_16 = arith.constant 0 : index
    %get3A_17 = vector.load %arg5[%get3A_15, %get3A_16] : memref<128x384xf32, #tpu.memory_space<vmem>>, vector<128x384xf32>
    %dot_general3A_18 = arith.constant dense<0.000000e+00> : vector<2000x384xf32>
    %dot_general3A_19 = tpu.matmul %get3A_14, %get3A_17, %dot_general3A_18 {dimension_numbers = #tpu.dot_dimension_numbers<[1], [0], [0], [1], [0, 0, 1, 1], [], []>, transpose_lhs_hint = false} : vector<2000x128xf32>, vector<128x384xf32>, vector<2000x384xf32> -> vector<2000x384xf32>
    %get3A_20 = arith.constant 0 : index
    %get3A_21 = arith.constant 0 : index
    %get3A_22 = vector.load %arg6[%get3A_20, %get3A_21] : memref<1x384xf32, #tpu.memory_space<vmem>>, vector<1x384xf32>
    %add3A_23 = vector.broadcast %get3A_22 : vector<1x384xf32> to vector<2000x384xf32>
    %add3A_24 = arith.addf %dot_general3A_19, %add3A_23 : vector<2000x384xf32>
    %slice3A = vector.extract_strided_slice %add3A_24 {offsets = [0, 0], sizes = [2000, 256], strides = [1, 1]} : vector<2000x384xf32> to vector<2000x256xf32>
    %swap3A_25 = arith.constant 0 : index
    %swap3A_26 = arith.constant 0 : index
    %swap3A_27 = vector.load %arg8[%swap3A_25, %swap3A_26] : memref<2000x256xf32, #tpu.memory_space<vmem>>, vector<2000x256xf32>
    tpu.vector_store %arg8[%swap3A_25, %swap3A_26], %slice3A {strides = array<i32>} : memref<2000x256xf32, #tpu.memory_space<vmem>>, vector<2000x256xf32>,
    %slice3A_28 = vector.extract_strided_slice %add3A_24 {offsets = [0, 256], sizes = [2000, 128], strides = [1, 1]} : vector<2000x384xf32> to vector<2000x128xf32>
    %swap3A_29 = arith.constant 0 : index
    %swap3A_30 = arith.constant 0 : index
    %swap3A_31 = vector.load %arg9[%swap3A_29, %swap3A_30] : memref<2000x128xf32, #tpu.memory_space<vmem>>, vector<2000x128xf32>
    tpu.vector_store %arg9[%swap3A_29, %swap3A_30], %slice3A_28 {strides = array<i32>} : memref<2000x128xf32, #tpu.memory_space<vmem>>, vector<2000x128xf32>,
    return
  }
  func.func @transform_0(%arg0: i32) -> (i32, i32) {
    %c0_i32 = arith.constant 0 : i32
    %c0_i32_0 = arith.constant 0 : i32
    return %arg0, %c0_i32 : i32, i32
  }
  func.func @transform_1(%arg0: i32) -> (i32, i32) {
    %c0_i32 = arith.constant 0 : i32
    %c0_i32_0 = arith.constant 0 : i32
    return %arg0, %c0_i32 : i32, i32
  }
  func.func @transform_2(%arg0: i32) -> (i32, i32) {
    %c0_i32 = arith.constant 0 : i32
    %c0_i32_0 = arith.constant 0 : i32
    %c0_i32_1 = arith.constant 0 : i32
    return %c0_i32, %c0_i32_0 : i32, i32
  }
  func.func @transform_3(%arg0: i32) -> (i32, i32) {
    %c0_i32 = arith.constant 0 : i32
    %c0_i32_0 = arith.constant 0 : i32
    %c0_i32_1 = arith.constant 0 : i32
    return %c0_i32, %c0_i32_0 : i32, i32
  }
  func.func @transform_4(%arg0: i32) -> (i32, i32) {
    %c0_i32 = arith.constant 0 : i32
    %c0_i32_0 = arith.constant 0 : i32
    %c0_i32_1 = arith.constant 0 : i32
    return %c0_i32, %c0_i32_0 : i32, i32
  }
  func.func @transform_5(%arg0: i32) -> (i32, i32) {
    %c0_i32 = arith.constant 0 : i32
    %c0_i32_0 = arith.constant 0 : i32
    %c0_i32_1 = arith.constant 0 : i32
    return %c0_i32, %c0_i32_0 : i32, i32
  }
  func.func @transform_6(%arg0: i32) -> (i32, i32) {
    %c0_i32 = arith.constant 0 : i32
    %c0_i32_0 = arith.constant 0 : i32
    return %arg0, %c0_i32 : i32, i32
  }
  func.func @transform_7(%arg0: i32) -> (i32, i32) {
    %c0_i32 = arith.constant 0 : i32
    %c0_i32_0 = arith.constant 0 : i32
    return %arg0, %c0_i32 : i32, i32
  }
  func.func @transform_8(%arg0: i32) -> (i32, i32) {
    %c0_i32 = arith.constant 0 : i32
    %c0_i32_0 = arith.constant 0 : i32
    return %arg0, %c0_i32 : i32, i32
  }
}

module attributes {stable_mosaic.version = 14 : i64} {
  func.func @_out_body(%arg0: memref<10000x128xf32, #tpu.memory_space<vmem>>, %arg1: memref<10000x8xf32, #tpu.memory_space<vmem>>, %arg2: memref<10000x128xf32, #tpu.memory_space<vmem>>, %arg3: memref<10000x128xf32, #tpu.memory_space<vmem>>, %arg4: memref<128x128xf32, #tpu.memory_space<vmem>>, %arg5: memref<1x128xf32, #tpu.memory_space<vmem>>, %arg6: memref<128x1xf32, #tpu.memory_space<vmem>>, %arg7: memref<128x1xf32, #tpu.memory_space<vmem>>, %arg8: memref<1x8xf32, #tpu.memory_space<vmem>>, %arg9: memref<2x128xf32, #tpu.memory_space<vmem>>, %arg10: memref<10000x128xf32, #tpu.memory_space<vmem>>, %arg11: memref<10000x1xf32, #tpu.memory_space<vmem>>) attributes {dimension_semantics = [], scalar_prefetch = 0 : i64, scratch_operands = 2 : i64, tpu.core_type = #tpu.core_type<tc>} {
    %get3A = arith.constant 0 : index
    %get3A_0 = arith.constant 0 : index
    %get3A_1 = vector.load %arg8[%get3A, %get3A_0] : memref<1x8xf32, #tpu.memory_space<vmem>>, vector<1x1xf32>
    %get3A_2 = vector.extract %get3A_1[0, 0] : f32 from vector<1x1xf32>
    %get3A_3 = arith.constant 0 : index
    %get3A_4 = arith.constant 1 : index
    %get3A_5 = vector.load %arg8[%get3A_3, %get3A_4] : memref<1x8xf32, #tpu.memory_space<vmem>>, vector<1x1xf32>
    %get3A_6 = vector.extract %get3A_5[0, 0] : f32 from vector<1x1xf32>
    %get3A_7 = arith.constant 0 : index
    %get3A_8 = arith.constant 2 : index
    %get3A_9 = vector.load %arg8[%get3A_7, %get3A_8] : memref<1x8xf32, #tpu.memory_space<vmem>>, vector<1x1xf32>
    %get3A_10 = vector.extract %get3A_9[0, 0] : f32 from vector<1x1xf32>
    %iota3A = tpu.iota {dimensions = array<i32: 1>} : vector<8x128xi32>
    %jit3A = arith.constant 16 : i32
    %div3A = vector.broadcast %jit3A : i32 to vector<8x128xi32>
    %div3A_11 = arith.divsi %iota3A, %div3A : vector<8x128xi32>
    %sign3A = arith.constant 0 : i32
    %sign3A_12 = vector.broadcast %sign3A : i32 to vector<8x128xi32>
    %sign3A_13 = arith.cmpi sgt, %iota3A, %sign3A_12 : vector<8x128xi32>
    %sign3A_14 = arith.extui %sign3A_13 : vector<8x128xi1> to vector<8x128xi32>
    %sign3A_15 = arith.constant 0 : i32
    %sign3A_16 = vector.broadcast %sign3A_15 : i32 to vector<8x128xi32>
    %sign3A_17 = arith.cmpi slt, %iota3A, %sign3A_16 : vector<8x128xi32>
    %sign3A_18 = arith.extui %sign3A_17 : vector<8x128xi1> to vector<8x128xi32>
    %sign3A_19 = arith.subi %sign3A_14, %sign3A_18 : vector<8x128xi32>
    %sign3A_20 = arith.constant 0 : i32
    %sign3A_21 = arith.cmpi sgt, %jit3A, %sign3A_20 : i32
    %sign3A_22 = arith.extui %sign3A_21 : i1 to i32
    %sign3A_23 = arith.constant 0 : i32
    %sign3A_24 = arith.cmpi slt, %jit3A, %sign3A_23 : i32
    %sign3A_25 = arith.extui %sign3A_24 : i1 to i32
    %sign3A_26 = arith.subi %sign3A_22, %sign3A_25 : i32
    %ne3A = vector.broadcast %sign3A_26 : i32 to vector<8x128xi32>
    %ne3A_27 = arith.cmpi ne, %sign3A_19, %ne3A : vector<8x128xi32>
    %rem3A = vector.broadcast %jit3A : i32 to vector<8x128xi32>
    %rem3A_28 = arith.remsi %iota3A, %rem3A : vector<8x128xi32>
    %ne3A_29 = arith.constant 0 : i32
    %ne3A_30 = vector.broadcast %ne3A_29 : i32 to vector<8x128xi32>
    %ne3A_31 = arith.cmpi ne, %rem3A_28, %ne3A_30 : vector<8x128xi32>
    %and3A = arith.andi %ne3A_27, %ne3A_31 : vector<8x128xi1>
    %sub3A = arith.constant 1 : i32
    %sub3A_32 = vector.broadcast %sub3A : i32 to vector<8x128xi32>
    %sub3A_33 = arith.subi %div3A_11, %sub3A_32 : vector<8x128xi32>
    %select_n3A = arith.select %and3A, %sub3A_33, %div3A_11 : vector<8x128xi1>, vector<8x128xi32>
    %iota3A_34 = tpu.iota {dimensions = array<i32: 0>} : vector<8x128xi32>
    %eq3A = arith.cmpi eq, %select_n3A, %iota3A_34 : vector<8x128xi32>
    %convert_element_type3A = arith.extui %eq3A : vector<8x128xi1> to vector<8x128xi32>
    %convert_element_type3A_35 = arith.sitofp %convert_element_type3A : vector<8x128xi32> to vector<8x128xf32>
    %get3A_36 = arith.constant 0 : index
    %get3A_37 = arith.constant 0 : index
    %get3A_38 = vector.load %arg1[%get3A_36, %get3A_37] : memref<10000x8xf32, #tpu.memory_space<vmem>>, vector<10000x8xf32>
    %dot_general3A = arith.constant dense<0.000000e+00> : vector<10000x128xf32>
    %dot_general3A_39 = tpu.matmul %get3A_38, %convert_element_type3A_35, %dot_general3A {dimension_numbers = #tpu.dot_dimension_numbers<[1], [0], [0], [1], [0, 0, 1, 1], [], []>, transpose_lhs_hint = false} : vector<10000x8xf32>, vector<8x128xf32>, vector<10000x128xf32> -> vector<10000x128xf32>
    %get3A_40 = arith.constant 0 : index
    %get3A_41 = arith.constant 0 : index
    %get3A_42 = vector.load %arg0[%get3A_40, %get3A_41] : memref<10000x128xf32, #tpu.memory_space<vmem>>, vector<10000x128xf32>
    %add3A = arith.constant 1.000000e-16 : f32
    %add3A_43 = vector.broadcast %add3A : f32 to vector<10000x128xf32>
    %add3A_44 = arith.addf %dot_general3A_39, %add3A_43 : vector<10000x128xf32>
    %div3A_45 = arith.divf %get3A_42, %add3A_44 : vector<10000x128xf32>
    %get3A_46 = arith.constant 0 : index
    %get3A_47 = arith.constant 0 : index
    %get3A_48 = vector.load %arg4[%get3A_46, %get3A_47] : memref<128x128xf32, #tpu.memory_space<vmem>>, vector<128x128xf32>
    %dot_general3A_49 = arith.constant dense<0.000000e+00> : vector<10000x128xf32>
    %dot_general3A_50 = tpu.matmul %div3A_45, %get3A_48, %dot_general3A_49 {dimension_numbers = #tpu.dot_dimension_numbers<[1], [0], [0], [1], [0, 0, 1, 1], [], []>, transpose_lhs_hint = false} : vector<10000x128xf32>, vector<128x128xf32>, vector<10000x128xf32> -> vector<10000x128xf32>
    %get3A_51 = arith.constant 0 : index
    %get3A_52 = arith.constant 0 : index
    %get3A_53 = vector.load %arg5[%get3A_51, %get3A_52] : memref<1x128xf32, #tpu.memory_space<vmem>>, vector<1x128xf32>
    %add3A_54 = vector.broadcast %get3A_53 : vector<1x128xf32> to vector<10000x128xf32>
    %add3A_55 = arith.addf %dot_general3A_50, %add3A_54 : vector<10000x128xf32>
    %mul3A = arith.constant 5.000000e-01 : f32
    %mul3A_56 = vector.broadcast %mul3A : f32 to vector<10000x128xf32>
    %mul3A_57 = arith.mulf %mul3A_56, %add3A_55 : vector<10000x128xf32>
    %mul3A_58 = arith.constant 0.707106769 : f32
    %mul3A_59 = vector.broadcast %mul3A_58 : f32 to vector<10000x128xf32>
    %mul3A_60 = arith.mulf %add3A_55, %mul3A_59 : vector<10000x128xf32>
    %erf3A = math.erf %mul3A_60 : vector<10000x128xf32>
    %add3A_61 = arith.constant 1.000000e+00 : f32
    %add3A_62 = vector.broadcast %add3A_61 : f32 to vector<10000x128xf32>
    %add3A_63 = arith.addf %add3A_62, %erf3A : vector<10000x128xf32>
    %mul3A_64 = arith.mulf %mul3A_57, %add3A_63 : vector<10000x128xf32>
    %mul3A_65 = vector.broadcast %get3A_2 : f32 to vector<10000x128xf32>
    %mul3A_66 = arith.mulf %mul3A_65, %mul3A_64 : vector<10000x128xf32>
    %sub3A_67 = arith.constant 1.000000e+00 : f32
    %sub3A_68 = arith.subf %sub3A_67, %get3A_2 : f32
    %get3A_69 = arith.constant 0 : index
    %get3A_70 = arith.constant 0 : index
    %get3A_71 = vector.load %arg2[%get3A_69, %get3A_70] : memref<10000x128xf32, #tpu.memory_space<vmem>>, vector<10000x128xf32>
    %mul3A_72 = vector.broadcast %sub3A_68 : f32 to vector<10000x128xf32>
    %mul3A_73 = arith.mulf %mul3A_72, %get3A_71 : vector<10000x128xf32>
    %add3A_74 = arith.addf %mul3A_66, %mul3A_73 : vector<10000x128xf32>
    %swap3A = arith.constant 0 : index
    %swap3A_75 = arith.constant 0 : index
    %swap3A_76 = vector.load %arg10[%swap3A, %swap3A_75] : memref<10000x128xf32, #tpu.memory_space<vmem>>, vector<10000x128xf32>
    tpu.vector_store %arg10[%swap3A, %swap3A_75], %add3A_74 {strides = array<i32>} : memref<10000x128xf32, #tpu.memory_space<vmem>>, vector<10000x128xf32>,
    %get3A_77 = arith.constant 0 : index
    %get3A_78 = arith.constant 0 : index
    %get3A_79 = vector.load %arg6[%get3A_77, %get3A_78] : memref<128x1xf32, #tpu.memory_space<vmem>>, vector<128x1xf32>
    %dot_general3A_80 = arith.constant dense<0.000000e+00> : vector<10000x1xf32>
    %dot_general3A_81 = tpu.matmul %add3A_74, %get3A_79, %dot_general3A_80 {dimension_numbers = #tpu.dot_dimension_numbers<[1], [0], [0], [1], [0, 0, 1, 1], [], []>, transpose_lhs_hint = false} : vector<10000x128xf32>, vector<128x1xf32>, vector<10000x1xf32> -> vector<10000x1xf32>
    %swap3A_82 = arith.constant 0 : index
    %swap3A_83 = arith.constant 0 : index
    %swap3A_84 = vector.load %arg11[%swap3A_82, %swap3A_83] : memref<10000x1xf32, #tpu.memory_space<vmem>>, vector<10000x1xf32>
    tpu.vector_store %arg11[%swap3A_82, %swap3A_83], %dot_general3A_81 {strides = array<i32>} : memref<10000x1xf32, #tpu.memory_space<vmem>>, vector<10000x1xf32>,
    %reduce_max3A = arith.constant dense<0xFF800000> : vector<1xf32>
    %reduce_max3A_85 = vector.multi_reduction <maximumf>, %dot_general3A_81, %reduce_max3A [0] : vector<10000x1xf32> to vector<1xf32>
    %max3A = arith.constant 0xFF800000 : f32
    %max3A_86 = vector.broadcast %max3A : f32 to vector<1xf32>
    %max3A_87 = arith.maximumf %max3A_86, %reduce_max3A_85 : vector<1xf32>
    %broadcast_in_dim3A = vector.shape_cast %max3A_87 : vector<1xf32> to vector<1x1xf32>
    %sub3A_88 = vector.broadcast %broadcast_in_dim3A : vector<1x1xf32> to vector<10000x1xf32>
    %sub3A_89 = arith.subf %dot_general3A_81, %sub3A_88 : vector<10000x1xf32>
    %exp3A = math.exp %sub3A_89 : vector<10000x1xf32>
    %reduce_sum3A = arith.constant dense<0.000000e+00> : vector<1xf32>
    %reduce_sum3A_90 = vector.multi_reduction <add>, %exp3A, %reduce_sum3A [0] : vector<10000x1xf32> to vector<1xf32>
    %broadcast_in_dim3A_91 = vector.shape_cast %reduce_sum3A_90 : vector<1xf32> to vector<1x1xf32>
    %div3A_92 = vector.broadcast %broadcast_in_dim3A_91 : vector<1x1xf32> to vector<10000x1xf32>
    %div3A_93 = arith.divf %exp3A, %div3A_92 : vector<10000x1xf32>
    %transpose3A = tpu.transpose %div3A_93, [1, 0] : vector<10000x1xf32> -> vector<1x10000xf32>
    %get3A_94 = arith.constant 0 : index
    %get3A_95 = arith.constant 0 : index
    %get3A_96 = vector.load %arg10[%get3A_94, %get3A_95] : memref<10000x128xf32, #tpu.memory_space<vmem>>, vector<10000x128xf32>
    %dot_general3A_97 = arith.constant dense<0.000000e+00> : vector<1x128xf32>
    %dot_general3A_98 = tpu.matmul %transpose3A, %get3A_96, %dot_general3A_97 {dimension_numbers = #tpu.dot_dimension_numbers<[1], [0], [0], [1], [0, 0, 1, 1], [], []>, transpose_lhs_hint = false} : vector<1x10000xf32>, vector<10000x128xf32>, vector<1x128xf32> -> vector<1x128xf32>
    %get3A_99 = arith.constant 0 : index
    %get3A_100 = arith.constant 0 : index
    %get3A_101 = vector.load %arg3[%get3A_99, %get3A_100] : memref<10000x128xf32, #tpu.memory_space<vmem>>, vector<10000x128xf32>
    %get3A_102 = arith.constant 0 : index
    %get3A_103 = arith.constant 0 : index
    %get3A_104 = vector.load %arg7[%get3A_102, %get3A_103] : memref<128x1xf32, #tpu.memory_space<vmem>>, vector<128x1xf32>
    %dot_general3A_105 = arith.constant dense<0.000000e+00> : vector<10000x1xf32>
    %dot_general3A_106 = tpu.matmul %get3A_101, %get3A_104, %dot_general3A_105 {dimension_numbers = #tpu.dot_dimension_numbers<[1], [0], [0], [1], [0, 0, 1, 1], [], []>, transpose_lhs_hint = false} : vector<10000x128xf32>, vector<128x1xf32>, vector<10000x1xf32> -> vector<10000x1xf32>
    %mul3A_107 = arith.mulf %get3A_6, %get3A_10 : f32
    %sub3A_108 = arith.constant 1.000000e+00 : f32
    %sub3A_109 = arith.subf %sub3A_108, %get3A_6 : f32
    %mul3A_110 = vector.broadcast %sub3A_109 : f32 to vector<10000x1xf32>
    %mul3A_111 = arith.mulf %mul3A_110, %dot_general3A_106 : vector<10000x1xf32>
    %add3A_112 = vector.broadcast %mul3A_107 : f32 to vector<10000x1xf32>
    %add3A_113 = arith.addf %add3A_112, %mul3A_111 : vector<10000x1xf32>
    %reduce_max3A_114 = arith.constant dense<0xFF800000> : vector<1xf32>
    %reduce_max3A_115 = vector.multi_reduction <maximumf>, %add3A_113, %reduce_max3A_114 [0] : vector<10000x1xf32> to vector<1xf32>
    %max3A_116 = arith.constant 0xFF800000 : f32
    %max3A_117 = vector.broadcast %max3A_116 : f32 to vector<1xf32>
    %max3A_118 = arith.maximumf %max3A_117, %reduce_max3A_115 : vector<1xf32>
    %broadcast_in_dim3A_119 = vector.shape_cast %max3A_118 : vector<1xf32> to vector<1x1xf32>
    %sub3A_120 = vector.broadcast %broadcast_in_dim3A_119 : vector<1x1xf32> to vector<10000x1xf32>
    %sub3A_121 = arith.subf %add3A_113, %sub3A_120 : vector<10000x1xf32>
    %exp3A_122 = math.exp %sub3A_121 : vector<10000x1xf32>
    %reduce_sum3A_123 = arith.constant dense<0.000000e+00> : vector<1xf32>
    %reduce_sum3A_124 = vector.multi_reduction <add>, %exp3A_122, %reduce_sum3A_123 [0] : vector<10000x1xf32> to vector<1xf32>
    %broadcast_in_dim3A_125 = vector.shape_cast %reduce_sum3A_124 : vector<1xf32> to vector<1x1xf32>
    %div3A_126 = vector.broadcast %broadcast_in_dim3A_125 : vector<1x1xf32> to vector<10000x1xf32>
    %div3A_127 = arith.divf %exp3A_122, %div3A_126 : vector<10000x1xf32>
    %transpose3A_128 = tpu.transpose %div3A_127, [1, 0] : vector<10000x1xf32> -> vector<1x10000xf32>
    %get3A_129 = arith.constant 0 : index
    %get3A_130 = arith.constant 0 : index
    %get3A_131 = vector.load %arg3[%get3A_129, %get3A_130] : memref<10000x128xf32, #tpu.memory_space<vmem>>, vector<10000x128xf32>
    %dot_general3A_132 = arith.constant dense<0.000000e+00> : vector<1x128xf32>
    %dot_general3A_133 = tpu.matmul %transpose3A_128, %get3A_131, %dot_general3A_132 {dimension_numbers = #tpu.dot_dimension_numbers<[1], [0], [0], [1], [0, 0, 1, 1], [], []>, transpose_lhs_hint = false} : vector<1x10000xf32>, vector<10000x128xf32>, vector<1x128xf32> -> vector<1x128xf32>
    %squeeze3A = vector.shape_cast %dot_general3A_133 : vector<1x128xf32> to vector<128xf32>
    %sub3A_134 = arith.constant 1.000000e+00 : f32
    %sub3A_135 = arith.subf %sub3A_134, %get3A_6 : f32
    %mul3A_136 = vector.broadcast %sub3A_135 : f32 to vector<128xf32>
    %mul3A_137 = arith.mulf %squeeze3A, %mul3A_136 : vector<128xf32>
    %swap3A_138 = arith.constant 0 : index
    %swap3A_139 = arith.constant 0 : index
    %swap3A_140 = vector.load %arg9[%swap3A_138, %swap3A_139] : memref<2x128xf32, #tpu.memory_space<vmem>>, vector<1x128xf32>
    %swap3A_141 = vector.shape_cast %swap3A_140 : vector<1x128xf32> to vector<128xf32>
    %swap3A_142 = vector.shape_cast %mul3A_137 : vector<128xf32> to vector<1x128xf32>
    tpu.vector_store %arg9[%swap3A_138, %swap3A_139], %swap3A_142 {strides = array<i32>} : memref<2x128xf32, #tpu.memory_space<vmem>>, vector<1x128xf32>,
    %squeeze3A_143 = vector.shape_cast %dot_general3A_98 : vector<1x128xf32> to vector<128xf32>
    %swap3A_144 = arith.constant 1 : index
    %swap3A_145 = arith.constant 0 : index
    %swap3A_146 = vector.load %arg9[%swap3A_144, %swap3A_145] : memref<2x128xf32, #tpu.memory_space<vmem>>, vector<1x128xf32>
    %swap3A_147 = vector.shape_cast %swap3A_146 : vector<1x128xf32> to vector<128xf32>
    %swap3A_148 = vector.shape_cast %squeeze3A_143 : vector<128xf32> to vector<1x128xf32>
    tpu.vector_store %arg9[%swap3A_144, %swap3A_145], %swap3A_148 {strides = array<i32>} : memref<2x128xf32, #tpu.memory_space<vmem>>, vector<1x128xf32>,
    return
  }
}

</mosaic_0001>

<sc_bundles>
// kernel: scatter_offload_async_start.1
scs
__scs_entry_jumppad:
0x0: {  	(pc) =	sbr.rel $0x88, $3  }
0x1: {  	(tag) =	ssettag $0x0;
	lr =	simm.s32 $0x1  }
0x2: {  	[smem:$0x3F8C] =	sst lr;
	_ =	strace $0xD0000000  }
0x3: {  	_ = 	snop  }
0x4: {  	_ = 	snop  }
0x5: {  	_ = 	snop  }
0x6: {  	_ = 	snop  }
0x7: {  	_ = 	snop  }
__scs_overlays_trampoline_lowered:
0x8: {  	[smem:$0x3F9B] =	sst s0  }
0x9: {  	[smem:$0x3F9C] =	sst s1  }
0xa: {  	[smem:$0x3F9D] =	sst s2  }
0xb: {  	[smem:$0x3F9E] =	sst s3  }
0xc: {  	[smem:$0x3F9F] =	sst s4  }
0xd: {  	[smem:$0x3FA0] =	sst s5  }
0xe: {  	[smem:$0x3FA1] =	sst s6  }
0xf: {  	[smem:$0x3FA2] =	sst s7  }
0x10: {  	[smem:$0x3FA3] =	sst s8  }
0x11: {  	[smem:$0x3FA4] =	sst s9;
	s0 =	simm.s32 @!p0 $0x0  }
0x12: {  	s1 =	sld [smem:$0x3F8A];
	s0 =	simm.s32 @p0 $0x1  }
0x13: {  	[smem:$0x3FA5] =	sst s0;
	s0 =	simm.s32 @!p1 $0x0  }
0x14: {  	s2 =	sld [smem:$0x3F89];
	s0 =	simm.s32 @p1 $0x1  }
0x15: {  	[smem:$0x3FA6] =	sst s0;
	s0 =	simm.s32 @!p2 $0x0  }
0x16: {  	s3 =	sld [smem:$0x3FDB];
	s0 =	simm.s32 @p2 $0x1  }
0x17: {  	s4 =	simm.s32 $0x1BF5;
	[smem:$0x3FA8] =	sst s0  }
0x18: {  	s0 =	sld [smem:$0x3F8B];
	_ =	swait.ge [sflag:s4], $0x0  }
0x19: {  	s7 =	sld [smem:$0x3F8C]  }
0x1a: {  	s8 =	sadd.s32 $0xFFFFE003, lr  }
0x1b: {  	s9 =	sadd.s32 $0xFFFFFEF7, lr;
	s5 =	simm.s32 $0xFFFFFFFF;
	p2 =	slt.u32 s8, $0xFFFFF086  }
0x1c: {  	p1 =	slt.u32 s9, $0xF7A;
	s5 =	simm.s32 @!p2 $0x0  }
0x1d: {  	s5 =	simm.s32 @p1 $0x1;
	p0 =	seq.s32 s7, s2  }
0x1e: {  	s7 =	smul.u32 @!p0 $0xF7A, s2;
	p2 =	seq.s32 @!p0 s5, $0x0  }
0x1f: {  	s9 =	smul.u32 $0xF7A, s1;
	s8 =	simm.s32 @!p0 $0x1BF5;
	p2 =	por !p2, p0  }
0x20: {  	[sflag:s8] =	ssyncset.s32 @!p0 $0xFFFFF086;
	s6 =	sadd.s32 @!p0 s3, s7;
	s7 =	simm.s32 @!p0 $0x108  }
0x21: {  	s3 =	sadd.s32 s3, s9;
	s6 =	sadd.s32 @!p0 $0x88, s6;
	s7 =	simm.s32 @p2 $0x1082  }
0x22: {  	[simem:s7], [sflag:s8] =	dma.local @!p0 [hbm:s6], $0xF7A  }
0x23: {  	s9 =	sor.u32 $0xD0000000, s2;
	s6 =	simm.s32 $0x108;
	_ =	swait.ge @!p0 [sflag:s8], $0x0  }
0x24: {  	s3 =	sadd.s32 $0x88, s3;
	s6 =	simm.s32 @!p1 $0x1082;
	[sflag:s4] =	ssyncset.s32 $0xFFFFF086  }
0x25: {  	[simem:s6], [sflag:s4] =	dma.local [hbm:s3], $0xF7A  }
0x26: {  	[smem:$0x3F8C] =	sst s1;
	(tag) =	ssettag s2;
	_ =	strace s9  }
0x27: {  	s1 =	sld [smem:$0x3F9C]  }
0x28: {  	s2 =	sld [smem:$0x3F9D]  }
0x29: {  	s4 =	sld [smem:$0x3F9F]  }
0x2a: {  	p0 =	seq.s32 s5, $0x0;
	s5 =	sld [smem:$0x3FA0]  }
0x2b: {  	s6 =	sld [smem:$0x3FA1]  }
0x2c: {  	s7 =	sld [smem:$0x3FA2]  }
0x2d: {  	s3 =	simm.s32 $0x108;
	s8 =	sld [smem:$0x3FA3]  }
0x2e: {  	s3 =	simm.s32 @!p0 $0x1082;
	s9 =	sld [smem:$0x3FA4]  }
0x2f: {  	lr =	sadd.s32 s0, s3;
	s0 =	sld [smem:$0x3F9B]  }
0x30: {  	s3 =	sld [smem:$0x3F9E]  }
0x31: {  	[smem:$0x3FA7] =	sst s10  }
0x32: {  	s10 =	sld [smem:$0x3FA5];
	_ =	sdelay $0x3  }
0x33: {  	p0 =	seq.s32 s10, $0x1;
	s10 =	sld [smem:$0x3FA7];
	_ =	sdelay $0x3  }
0x34: {  	[smem:$0x3FA7] =	sst s10  }
0x35: {  	s10 =	sld [smem:$0x3FA6];
	_ =	sdelay $0x3  }
0x36: {  	p1 =	seq.s32 s10, $0x1;
	s10 =	sld [smem:$0x3FA7];
	_ =	sdelay $0x3  }
0x37: {  	[smem:$0x3FA7] =	sst s10  }
0x38: {  	s10 =	sld [smem:$0x3FA8]  }
0x39: {  	_ = 	snop;
	(pc) =	sbr.ind lr, $3  }
0x3a: {  	_ = 	snop  }
0x3b: {  	_ = 	snop  }
0x3c: {  	p2 =	seq.s32 s10, $0x1;
	s10 =	sld [smem:$0x3FA7]  }
0x3d: {  	_ =	shalt  }
0x3e: {  	_ =	shalt  }
0x3f: {  	_ =	shalt  }
0x40: {  	_ =	shalt  }
0x41: {  	_ =	shalt  }
0x42: {  	_ =	shalt  }
0x43: {  	_ =	shalt  }
0x44: {  	_ =	shalt  }
0x45: {  	_ =	shalt  }
0x46: {  	_ =	shalt  }
0x47: {  	_ =	shalt  }
0x48: {  	_ =	shalt  }
0x49: {  	_ =	shalt  }
0x4a: {  	_ =	shalt  }
0x4b: {  	_ =	shalt  }
0x4c: {  	_ =	shalt  }
0x4d: {  	_ =	shalt  }
0x4e: {  	_ =	shalt  }
0x4f: {  	_ =	shalt  }
0x50: {  	_ =	shalt  }
0x51: {  	_ =	shalt  }
0x52: {  	_ =	shalt  }
0x53: {  	_ =	shalt  }
0x54: {  	_ =	shalt  }
0x55: {  	_ =	shalt  }
0x56: {  	_ =	shalt  }
0x57: {  	_ =	shalt  }
0x58: {  	_ =	shalt  }
0x59: {  	_ =	shalt  }
0x5a: {  	_ =	shalt  }
0x5b: {  	_ =	shalt  }
0x5c: {  	_ =	shalt  }
0x5d: {  	_ =	shalt  }
0x5e: {  	_ =	shalt  }
0x5f: {  	_ =	shalt  }
0x60: {  	_ =	shalt  }
0x61: {  	_ =	shalt  }
0x62: {  	_ =	shalt  }
0x63: {  	_ =	shalt  }
0x64: {  	_ =	shalt  }
0x65: {  	_ =	shalt  }
0x66: {  	_ =	shalt  }
0x67: {  	_ =	shalt  }
0x68: {  	_ =	shalt  }
0x69: {  	_ =	shalt  }
0x6a: {  	_ =	shalt  }
0x6b: {  	_ =	shalt  }
0x6c: {  	_ =	shalt  }
0x6d: {  	_ =	shalt  }
0x6e: {  	_ =	shalt  }
0x6f: {  	_ =	shalt  }
0x70: {  	_ =	shalt  }
0x71: {  	_ =	shalt  }
0x72: {  	_ =	shalt  }
0x73: {  	_ =	shalt  }
0x74: {  	_ =	shalt  }
0x75: {  	_ =	shalt  }
0x76: {  	_ =	shalt  }
0x77: {  	_ =	shalt  }
0x78: {  	_ =	shalt  }
0x79: {  	_ =	shalt  }
0x7a: {  	_ =	shalt  }
0x7b: {  	_ =	shalt  }
0x7c: {  	_ =	shalt  }
0x7d: {  	_ =	shalt  }
0x7e: {  	_ =	shalt  }
0x7f: {  	_ =	shalt  }
0x80: {  	_ =	shalt  }
0x81: {  	_ =	shalt  }
0x82: {  	_ =	shalt  }
0x83: {  	_ =	shalt  }
0x84: {  	_ =	shalt  }
0x85: {  	_ =	shalt  }
0x86: {  	_ =	shalt  }
0x87: {  	_ =	shalt  }
.Lfunc_end0:
.L_simem_size_0:
called_computation.1_lowered:
.L_overlay_start_0:
0x88: {  	s2 =	sld [smem:$0x3FD9]  }
0x89: {  	s3 =	sld [smem:$0x3FFE];
	_ =	sdelay $0x1  }
0x8a: {  	s1 =	srdreg.scid  }
0x8b: {  	s0 =	sand.u32 $0x1, s1  }
0x8c: {  	s17 =	sshll.u32 s0, $0xA;
	s2 =	sadd.s32 s3, s2  }
0x8d: {  	s2 =	sadd.s32 s2, s17  }
0x8e: {  	[smem:$0x3FB3] =	sst s2  }
0x8f: {  	_ = 	snop  }
0x90: {  	(tm) =	ssettm $0x1  }
0x91: {  	s18 =	sld [smem:$0x3FFB];
	_ =	sdelay $0x3  }
0x92: {  	_ =	strace s18  }
0x93: {  	s2 =	sld [smem:$0x3FFC];
	_ =	sdelay $0x3  }
0x94: {  	_ =	strace s2  }
0x95: {  	s2 =	sld [smem:$0x3FFD];
	_ =	sdelay $0x3  }
0x96: {  	_ =	strace s2  }
0x97: {  	_ =	strace $0x8FFFFFFF  }
0x98: {  	s19 =	sld [smem:$0x3FDB];
	_ =	sdelay $0x1  }
0x99: {  	s20 =	simm.s32 $_scs_section_size  }
0x9a: {  	s4 =	simm.s32 $_size__tile_overlayer_lowered;
	s5 =	simm.s32 $_tile_overlayer_lowered  }
0x9b: {  	s6 =	simm.s32 $0x1BFF;
	s21 =	sshll.u32 s5, $0x1;
	s3 =	sadd.s32 s20, s19  }
0x9c: {  	s22 =	simm.s32 $0x0;
	s4 =	sshll.u32 s4, $0x1;
	s5 =	sadd.s32 s21, s3  }
0x9d: {  	[timem:s22], [sflag:s6] =	dma.local [hbm:s5], s4  }
0x9e: {  	_ =	swait.ge [sflag:s6], s4  }
0x9f: {  	s4 =	ssub.s32 $0x0, s4;
	[sflag:s6] =	ssyncset.done $0x0  }
0xa0: {  	[sflag:s6] =	ssyncadd.s32 s4;
	_ =	sdelay $0x1  }
0xa1: {  	s23 =	simm.s32 $0x1B8B  }
0xa2: {  	_ =	swait.ge [sflag:s23], $0x1  }
0xa3: {  	[sflag:s23] =	ssyncset.done $0x0  }
0xa4: {  	[sflag:s23] =	ssyncadd.s32 $0xFFFFFFFF  }
0xa5: {  	s4 =	sld [smem:$0x0]  }
0xa6: {  	s5 =	sand.u32 $0xFFFFFFFE, s1  }
0xa7: {  	p0 =	sne.s32 s1, s5  }
0xa8: {  	s5 =	sshll.u32 @p0 s5, $0xE  }
0xa9: {  	s5 =	sadd.s32 @p0 $0x11B8D, s5;
	s6 =	sshll.u32 @p0 s4, $0x11  }
0xaa: {  	s5 =	sor.u32 @p0 s6, s5  }
0xab: {  	[sflag:s5] =	ssyncadd.remote.s32 @p0 $0x1;
	_ =	sdelay $0x1  }
0xac: {  	s5 =	simm.s32 @p0 $0x1B8D  }
0xad: {  	_ =	swait.eq @p0 [sflag:s5], $0x1  }
0xae: {  	[sflag:s5] =	ssyncadd.s32 @p0 $0xFFFFFFFF  }
0xaf: {  	s6 =	sshll.u32 @!p0 s1, $0xE  }
0xb0: {  	s6 =	sor.u32 @!p0 $0x4000, s6;
	s5 =	simm.s32 @!p0 $0x1B8D  }
0xb1: {  	s7 =	sshll.u32 @!p0 s4, $0x11;
	s6 =	sadd.s32 @!p0 $0x11B8D, s6;
	_ =	swait.eq @!p0 [sflag:s5], $0x1  }
0xb2: {  	[sflag:s5] =	ssyncadd.s32 @!p0 $0xFFFFFFFF;
	s5 =	sor.u32 @!p0 s7, s6  }
0xb3: {  	s25 =	simm.s32 $0x1B8E;
	s24 =	sld [smem:$0x3FFE];
	[sflag:s5] =	ssyncadd.remote.s32 @!p0 $0x1  }
0xb4: {  	s26 =	simm.s32 $execute0_lowered;
	[smem:$0x3FD2] =	sst s25  }
0xb5: {  	s6 =	sshll.u32 s26, $0x1;
	_ =	strace $0x8000004F;
	[dreg:$0x1] =	wrdreg $0xFFFFFFFF  }
0xb6: {  	s28 =	simm.s32 $_size_execute0_lowered;
	s3 =	sadd.s32 s3, s6;
	[dreg:$0x0] =	wrdreg $0x0  }
0xb7: {  	s6 =	sshll.u32 s28, $0x1;
	[dreg:$0x2] =	wrdreg s3  }
0xb8: {  	[dreg:$0x3] =	wrdreg s6  }
0xb9: {  	[dreg:$0x4] =	wrdreg $0xC0  }
0xba: {  	_ =	task [dreg:s22], $0x5FFFF  }
0xbb: {  	[dreg:$0x1] =	wrdreg $0xFFFFFFFF  }
0xbc: {  	[dreg:$0x0] =	wrdreg $0x60  }
0xbd: {  	[dreg:$0x2] =	wrdreg s24  }
0xbe: {  	[dreg:$0x3] =	wrdreg s1  }
0xbf: {  	[dreg:$0x4] =	wrdreg s4  }
0xc0: {  	[dreg:$0x5] =	wrdreg $0xA  }
0xc1: {  	_ =	task.clear_ibuf [dreg:s22], $0x6FFFF;
	_ =	strace $0x9000004F  }
0xc2: {  	s29 =	simm.s32 $0xA;
	_ =	strace $0x80000051  }
0xc3: {  	_ =	swait.ge [sflag:s29], $0x1  }
0xc4: {  	[sflag:s29] =	ssyncadd.s32 $0xFFFFFFFF  }
0xc5: {  	_ =	strace $0x90000051  }
0xc6: {  	_ =	sfence  }
0xc7: {  	s30 =	sld [smem:$0x0];
	_ =	sdelay $0x2  }
0xc8: {  	s31 =	sshll.u32 s1, $0xD;
	s1 =	sshrl.u32 s1, $0x2  }
0xc9: {  	s4 =	sand.u32 $0x4000, s31;
	s1 =	sadd.s32 s1, s30  }
0xca: {  	s0 =	sor.u32 s4, s0;
	s1 =	sshll.u32 s1, $0x11  }
0xcb: {  	s0 =	sor.u32 s1, s0  }
0xcc: {  	s0 =	sadd.s32 $0x8F2B, s0  }
0xcd: {  	[sflag:s0] =	ssyncadd.remote.s32 $0x1  }
0xce: {  	_ =	sfence.sel $0xFFFF  }
0xcf: {  	[dreg:$0x0] =	wrdreg $0xFFFFFFFF;
	(pc) =	sbr.abs _section_cstart, $3  }
0xd0: {  	[dreg:$0x1] =	wrdreg $0xFFFFFFFF  }
0xd1: {  	_ =	task.clear_ibuf [dreg:s22], $0x2FFFF;
	_ =	strace $0x9FFFFFFF  }
0xd2: {  	(tm) =	ssettm $0x7FFFFFFF  }
0xd3: {  	_ =	shalt  }
tec
execute0_lowered:
.L_overlay_start_1:
0x0: {  	(tag) =	ssettag $0x1  }
0x1: {  	s2 =	rddreg [dreg:$0x0]  }
0x2: {  	s3 =	rddreg [dreg:$0x1];
	_ =	strace $0x80000050;
	s0 =	simm.s32 $0x1  }
0x3: {  	v0 =	vimm.s32 $0x0;
	[sflag:s0] =	ssyncpa.u1 $0x0;
	s0 =	simm.s32 $0x108  }
0x4: {  	[tilespmem:s0+$0x70] =	vst v0  }
0x5: {  	[tilespmem:s0+$0x60] =	vst v0  }
0x6: {  	[tilespmem:s0+$0x50] =	vst v0  }
0x7: {  	[tilespmem:s0+$0x40] =	vst v0  }
0x8: {  	[tilespmem:s0+$0x30] =	vst v0  }
0x9: {  	s1 =	sadd.s32 $0x10000, s2;
	s15 =	sadd.s32 $0x1400, s2;
	s6 =	sadd.s32 $0x1738400, s2;
	[tilespmem:s0+$0x20] =	vst v0  }
0xa: {  	s14 =	sadd.s32 $0x94200, s2;
	s5 =	sand.u32 $0x1, s3;
	s3 =	simm.s32 $0x40;
	[tilespmem:s0+$0x10] =	vst v0  }
.LBB2_1:
0xb: {  	s3 =	sadd.s32 $0x40, s3;
	[tilespmem:s0+$0x0] =	vst v0;
	s0 =	sadd.s32 $0x80, s0  }
0xc: {  	p0 =	slt.u32 s3, $0x3C40;
	[tilespmem:s0+$0x70] =	vst v0  }
0xd: {  	[tilespmem:s0+$0x60] =	vst v0  }
.Ltmp0:
0xe: {  	[tilespmem:s0+$0x50] =	vst v0;
	(pc) =	sbr.rel @p0 .LBB2_1-.Ltmp0, $4  }
0xf: {  	[tilespmem:s0+$0x40] =	vst v0  }
0x10: {  	[tilespmem:s0+$0x30] =	vst v0  }
0x11: {  	[tilespmem:s0+$0x20] =	vst v0  }
0x12: {  	[tilespmem:s0+$0x10] =	vst v0  }
0x13: {  	s9 =	stileid.u32  }
0x14: {  	s2 =	smul.u32 $0x3E, s9  }
0x15: {  	s3 =	smin.u32 s9, $0x8  }
0x16: {  	s2 =	sadd.s32 s3, s2  }
0x17: {  	p0 =	slt.u32 s9, $0x8;
	s7 =	smul.u32 $0xF0, s2;
	s2 =	simm.s32 $0x3B10  }
0x18: {  	s2 =	simm.s32 @!p0 $0x3A20  }
0x19: {  	s2 =	sadd.s32 s2, s7  }
0x1a: {  	s8 =	smin.u32 s2, $0x3A980  }
0x1b: {  	s2 =	ssub.s32 s8, s7  }
0x1c: {  	p0 =	sgt.s32 s2, $0x0  }
0x1d: {  	s29 =	simm.s32 $0x2;
	s10 =	simm.s32 $0x9;
	s2 =	simm.s32 @!p0 $0x0  }
0x1e: {  	s4 =	simm.s32 $0xA;
	s11 =	simm.s32 $0xB;
	s28 =	smulhi.u32 $0x88888889, s2  }
0x1f: {  	[dreg:$0x4] =	wrdreg s5;
	s31 =	smul.u32 $0x7530, s5;
	s12 =	simm.s32 $0x1  }
0x20: {  	s22 =	simm.s32 $0x0;
	s18 =	simm.s32 $0xC;
	s30 =	sshrl.u32 s28, $0x7  }
0x21: {  	s20 =	simm.s32 $0x0;
	s21 =	simm.s32 $0x0;
	s3 =	smul.u32 $0xF0, s30  }
.Ltmp1:
0x22: {  	[tilespmem:s0+$0x0] =	vst v0;
	v0 =	vimm.s32 $0xFFFFFFFF;
	[sflag:s29] =	ssyncpa.u1 $0x0;
	s16 =	sshll.u32 s9, $0x8;
	(pc) =	sbr.rel .LBB2_3-.Ltmp1, $4  }
0x23: {  	[tilespmem:$0xF208] =	vst v0;
	[sflag:s10] =	ssyncpa.u1 $0x0;
	p0 =	sne.s32 s2, s3;
	s2 =	simm.s32 $0x1  }
0x24: {  	s14 =	sadd.s32 s31, s14;
	[sflag:s4] =	ssyncpa.u1 $0x0;
	s2 =	simm.s32 @!p0 $0x0  }
0x25: {  	s15 =	sadd.s32 s31, s15;
	[sflag:s11] =	ssyncpa.u1 $0x0;
	s13 =	sadd.s32 s2, s30  }
0x26: {  	v0 =	vlaneseq.u32;
	s19 =	smov.u32 s7;
	p0 =	por $0x0, $0x0;
	s17 =	sadd.s32 $0x1, s13  }
.LBB2_18:
0x27: {  	s0 =	sshrl.u32 s31, $0x2  }
.LBB2_20:
0x28: {  	_ =	swait.ge [sflag:s18], s0  }
0x29: {  	s31 =	ssub.s32 $0x0, s0;
	v1 =	vmov s24;
	vm0 =	veq.s32 v0, $0x0;
	[sflag:s18] =	ssyncset.done $0x0  }
0x2a: {  	vm15 =	veq.s32 v0, $0x2;
	v1 =	vsel vm0, s30, v1;
	[sflag:s18] =	ssyncadd.s32 s31  }
0x2b: {  	v1 =	vsel vm15, s22, v1;
	[sflag:s18] =	ssyncpa.u1 $0x1  }
0x2c: {  	[tilespmem:$0xF208] =	vst v1  }
.LBB2_21:
0x2d: {  	s0 =	sadd.s32 $0xF0, s19  }
0x2e: {  	s2 =	smov.u32 s7;
	p1 =	slt.s32 s0, s8  }
0x2f: {  	s2 =	smov.u32 @p1 s0;
	p1 =	sne.s32 s21, s17  }
.Ltmp2:
0x30: {  	_ = 	snop;
	(pc) =	sbr.rel @!p1 .LBB2_22-.Ltmp2, $3  }
0x31: {  	_ =	sdelay $0x1  }
0x32: {  	s22 =	smov.u32 s20;
	s31 =	sadd.s32 $0x1, s21;
	s20 =	smov.u32 s19  }
0x33: {  	p0 =	por !p0, !p0;
	s21 =	smov.u32 s31;
	s19 =	smov.u32 s2  }
.LBB2_3:
0x34: {  	p1 =	sge.u32 s21, s13  }
0x35: {  	s0 =	smulhi.u32 @!p1 $0xAAAAAAAB, s21  }
0x36: {  	s2 =	smov.u32 s19;
	p2 =	sgt.s32 @!p1 s19, $0x3A890  }
0x37: {  	s3 =	sshra.s32 @!p1 s19, $0x1F;
	p2 =	por !p2, p1;
	s0 =	sshrl.u32 @!p1 s0, $0x1  }
0x38: {  	s3 =	sand.u32 @!p1 s3, s19;
	s2 =	simm.s32 @p2 $0x3A890;
	s0 =	smul.u32 @!p1 $0x3, s0  }
0x39: {  	s2 =	ssub.s32 @!p1 s2, s3  }
0x3a: {  	s2 =	sadd.s32 @!p1 $0xFFFC5770, s2;
	s0 =	ssub.s32 @!p1 s21, s0  }
0x3b: {  	s3 =	sshll.u32 @!p1 s2, $0x2;
	p2 =	sgt.s32 @!p1 s2, $0xEF;
	s0 =	smul.u32 @!p1 $0x3C0, s0  }
0x3c: {  	s4 =	sand.u32 @!p1 $0x7, s19;
	s2 =	ssub.s32 @!p1 $0x3C0, s3;
	p2 =	por !p2, p1  }
0x3d: {  	s3 =	sshrl.u32 @!p1 s19, $0x3;
	s2 =	sshrl.u32 @!p1 s2, $0x2;
	s0 =	sshrl.u32 @!p1 s0, $0x2  }
0x3e: {  	s3 =	sadd.s32 @!p1 s3, s14;
	s2 =	simm.s32 @!p2 $0x0;
	s0 =	sadd.s32 @!p1 $0x10248, s0  }
0x3f: {  	[tilespmem:s0], [sflag:$0xA] =	stream.linear.gather @!p1 [hbm4b:s3+s4], s2, $0x38;
	[tilespmem:$0x1F6F8] =	vst v63  }
0x40: {  	s0 =	sadd.s32 $0xFFFFFFFF, s21  }
0x41: {  	p1 =	sge.u32 s0, s13  }
0x42: {  	p2 =	sgt.s32 @!p1 s20, $0x3A890  }
0x43: {  	s2 =	smov.u32 s20;
	s3 =	sshra.s32 @!p1 s20, $0x1F;
	p2 =	por !p2, p1  }
0x44: {  	s3 =	sand.u32 @!p1 s3, s20;
	s2 =	simm.s32 @p2 $0x3A890  }
0x45: {  	s2 =	ssub.s32 @!p1 s2, s3  }
0x46: {  	s2 =	sadd.s32 @!p1 $0xFFFC5770, s2  }
0x47: {  	s4 =	smulhi.u32 @!p1 $0xAAAAAAAB, s0;
	s5 =	sand.u32 @!p1 $0x1, s0;
	s3 =	sshll.u32 @!p1 s2, $0x2  }
0x48: {  	s24 =	smul.u32 @!p1 $0x3C0, s5;
	p2 =	sgt.s32 @!p1 s2, $0xEF;
	s2 =	ssub.s32 @!p1 $0x3C0, s3  }
0x49: {  	p2 =	por !p2, p1;
	s3 =	sshrl.u32 @!p1 s4, $0x1;
	s2 =	sshrl.u32 @!p1 s2, $0x2  }
0x4a: {  	s4 =	simm.s32 @!p1 $0xA;
	s3 =	smul.u32 @!p1 $0x3, s3;
	s2 =	simm.s32 @!p2 $0x0  }
0x4b: {  	s5 =	smul.u32 @!p1 $0x1E000, s5;
	_ =	swait.ge @!p1 [sflag:s4], s2;
	s23 =	ssub.s32 @!p1 $0x0, s2  }
0x4c: {  	s0 =	ssub.s32 @!p1 s0, s3;
	s3 =	sshrl.u32 @!p1 s20, $0x3;
	[sflag:s4] =	ssyncset.done @!p1 $0x0  }
0x4d: {  	s3 =	sadd.s32 @!p1 s3, s15;
	[sflag:s4] =	ssyncadd.s32 @!p1 s23;
	s4 =	sshrl.u32 @!p1 s24, $0x2  }
0x4e: {  	s0 =	smul.u32 @!p1 $0x3C0, s0;
	s23 =	sand.u32 @!p1 $0x7, s20;
	s4 =	sadd.s32 @!p1 $0x10518, s4  }
0x4f: {  	[tilespmem:s4], [sflag:$0xB] =	stream.linear.gather @!p1 [hbm4b:s3+s23], s2, $0x38;
	[tilespmem:$0x1F6F8] =	vst v63  }
0x50: {  	s0 =	sshrl.u32 @!p1 s0, $0x2;
	s2 =	sshrl.u32 @!p1 s5, $0x2  }
0x51: {  	s0 =	sadd.s32 @!p1 $0x10248, s0;
	s3 =	simm.s32 @!p1 $0xF0;
	s2 =	sor.u32 @!p1 $0x106F8, s2  }
0x52: {  	[tilespmem:s2], [sflag:$0x9] =	stream.indirect.gather @!p1 [hbm4b:s6+s3], $0x80, s0, s3, $0xb8;
	[tilespmem:$0x1F6F8] =	vst v63  }
0x53: {  	p1 =	slt.u32 s21, $0x2  }
.Ltmp3:
0x54: {  	_ = 	snop;
	(pc) =	sbr.rel @p1 .LBB2_21-.Ltmp3, $1  }
0x55: {  	_ =	sdelay $0x3  }
0x56: {  	p1 =	sgt.s32 s22, $0x3A890;
	s0 =	smov.u32 s22;
	s2 =	sshra.s32 s22, $0x1F  }
0x57: {  	s0 =	simm.s32 @!p1 $0x3A890;
	s2 =	sand.u32 s2, s22  }
0x58: {  	s0 =	ssub.s32 s0, s2  }
0x59: {  	s0 =	sadd.s32 $0xFFFC5770, s0  }
0x5a: {  	s29 =	sshll.u32 s0, $0x2  }
0x5b: {  	_ =	swait.ge [sflag:s10], $0x7800;
	s2 =	ssub.s32 $0x3C0, s29  }
0x5c: {  	[sflag:s10] =	ssyncset.done $0x0;
	p1 =	sgt.s32 s0, $0xEF;
	s0 =	sshrl.u32 s2, $0x2  }
0x5d: {  	[sflag:s10] =	ssyncadd.s32 $0xFFFF8800;
	s0 =	simm.s32 @p1 $0x0  }
0x5e: {  	_ =	swait.ge [sflag:s11], s0  }
0x5f: {  	s0 =	ssub.s32 $0x0, s0;
	[sflag:s11] =	ssyncset.done $0x0  }
0x60: {  	[sflag:s11] =	ssyncadd.s32 s0  }
0x61: {  	v1 =	vld [tilespmem:$0xF208];
	_ =	sdelay $0x4  }
0x62: {  	(v2sf) =	vpush v1, $0x0  }
0x63: {  	(v2sf) =	vpush v1, $0x1  }
0x64: {  	(v2sf) =	vpush v1, $0x2;
	_ =	sdelay $0x3  }
0x65: {  	s0 =	sadd.s32 $0xF0, s22  }
0x66: {  	s2 =	ssub.s32 $0x75300, s22;
	p1 =	slt.s32 s8, s0  }
0x67: {  	s0 =	smov.u32 @p1 s8;
	p1 =	sgt.s32 s2, $0x0  }
0x68: {  	s26 =	ssub.s32 s0, s22;
	s2 =	simm.s32 @!p1 $0x0  }
0x69: {  	p1 =	slt.s32 s2, s26  }
0x6a: {  	s26 =	smov.u32 @p1 s2  }
0x6b: {  	s25 =	simm.s32 $0x1;
	p1 =	slt.s32 s26, $0x1  }
.Ltmp4:
0x6c: {  	s25 =	simm.s32 @!p0 $0x0;
	(pc) =	sbr.rel @p1 .LBB2_8-.Ltmp4, $4  }
0x6d: {  	s31 =	smul.u32 $0x3C0, s25  }
0x6e: {  	s28 =	spop (v2sf)  }
0x6f: {  	s0 =	sshrl.u32 s31, $0x2;
	s30 =	spop (v2sf)  }
0x70: {  	s23 =	sadd.s32 $0x10518, s0;
	s22 =	spop (v2sf)  }
0x71: {  	s0 =	smin.u32 s26, $0x10  }
0x72: {  	v1 =	vmov s0  }
0x73: {  	p2 =	sgt.s32 s26, $0x10;
	vm1 =	vgt.u32 v1, v0  }
.Ltmp5:
0x74: {  	_ = 	snop;
	(pc) =	sbr.rel @!p2 .LBB2_7-.Ltmp5, $2  }
0x75: {  	_ =	sdelay $0x2  }
0x76: {  	s4 =	simm.s32 $0x10;
	s24 =	sadd.s32 $0xFFFFFFF0, s26;
	s0 =	smov.u32 s23;
	vm0 =	vmmov vm1  }
.LBB2_6:
0x77: {  	s2 =	smin.u32 s24, $0x10;
	s4 =	sadd.s32 $0x10, s4;
	v1 =	vld.msk [tilespmem:s0+$0x0 ss:$0x1], vm1  }
0x78: {  	v2 =	vmov s2;
	p2 =	slt.s32 s4, s26  }
0x79: {  	vm1 =	vgt.u32 v2, v0  }
.Ltmp6:
0x7a: {  	(pc) =	sbr.rel @p2 .LBB2_6-.Ltmp6, $3  }
0x7b: {  	_ =	sdelay $0x1  }
0x7c: {  	v1 =	vshll.u32 v1, $0x4  }
0x7d: {  	s24 =	sadd.s32 $0xFFFFFFF0, s24;
	[tilespmem:s0+$0x0] =	vst.msk vm0, v1;
	s0 =	sadd.s32 $0x10, s0;
	vm0 =	vmmov vm1  }
.LBB2_7:
0x7e: {  	_ =	sdelay $0x4  }
0x7f: {  	v1 =	vld.msk [tilespmem:s0+$0x0 ss:$0x1], vm1;
	_ =	sdelay $0x4  }
0x80: {  	v1 =	vshll.u32 v1, $0x4  }
0x81: {  	[tilespmem:s0+$0x0] =	vst.msk vm0, v1  }
.LBB2_8:
0x82: {  	s0 =	sand.u32 $0x1, s21  }
0x83: {  	s0 =	smul.u32 $0xF0, s0  }
0x84: {  	p2 =	sne.s32 s30, $0xFFFFFFFF  }
0x85: {  	v1 =	vld.msk @!p2 [tilespmem:s0+$0x10518], $0x1;
	_ =	sdelay $0x4  }
0x86: {  	(v2sf) =	vpush @!p2 v1, $0x0;
	_ =	sdelay $0xc  }
.Ltmp7:
0x87: {  	_ = 	snop;
	(pc) =	sbr.rel @p1 .LBB2_19-.Ltmp7, $4  }
0x88: {  	_ = 	snop  }
0x89: {  	s29 =	spop @!p2 (v2sf)  }
0x8a: {  	s22 =	simm.s32 @!p2 $0x0;
	s24 =	smov.u32 s29  }
0x8b: {  	[sflag:s18] =	ssyncpa.u1 $0x0;
	s29 =	smov.u32 @p2 s28;
	s24 =	smov.u32 @p2 s30  }
0x8c: {  	v1 =	vld.msk [tilespmem:s23+$0x0], $0x1;
	_ =	sdelay $0x4  }
0x8d: {  	(v2sf) =	vpush v1, $0x0;
	_ =	sdelay $0xe  }
0x8e: {  	s2 =	smul.u32 $0x1E000, s25;
	s0 =	spop (v2sf)  }
0x8f: {  	s26 =	ssub.s32 $0x0, s26;
	p1 =	seq.s32 s29, s0  }
0x90: {  	s30 =	sadd.s32 $0x1, s26;
	s2 =	sshrl.u32 s2, $0x2;
	p2 =	sgt.s32 @!p1 s29, $0x0  }
0x91: {  	s25 =	sor.u32 $0x10738, s2;
	s2 =	smov.u32 s29;
	p2 =	por !p2, p1  }
0x92: {  	s2 =	simm.s32 @p2 $0x0;
	p2 =	seq.s32 s30, $0x0  }
.Ltmp8:
0x93: {  	_ = 	snop;
	(pc) =	sbr.rel @p2 .LBB2_11-.Ltmp8, $4  }
0x94: {  	_ = 	snop  }
0x95: {  	s28 =	simm.s32 $0x0;
	s31 =	sadd.s32 $0x1, s23;
	s2 =	smin.u32 @!p1 s2, $0x270F0  }
0x96: {  	s4 =	simm.s32 @!p1 $0x1;
	s5 =	simm.s32 @!p1 $0x7988;
	s3 =	sand.u32 @!p1 $0x3FFF8, s2  }
0x97: {  	s4 =	smov.u32 @p1 s28;
	s2 =	sand.u32 @!p1 $0x7, s2;
	s3 =	sadd.s32 @!p1 s1, s3  }
.LBB2_10:
0x98: {  	s9 =	smov.u32 s4  }
0x99: {  	[tilespmem:s5], [sflag:$0x2] =	stream.linear.gather @!p1 [hbm4b:s3+s2], $0x80, $0x38;
	[tilespmem:$0x1F6F8] =	vst v63  }
0x9a: {  	s30 =	sadd.s32 $0x1, s30;
	s2 =	smov.u32 s0;
	v1 =	vld.msk [tilespmem:s31+$0x0], $0x1  }
0x9b: {  	p2 =	seq.s32 s30, $0x0;
	_ =	sdelay $0x3  }
0x9c: {  	(v2sf) =	vpush v1, $0x0;
	_ =	sdelay $0xe  }
0x9d: {  	s0 =	spop (v2sf)  }
0x9e: {  	p1 =	seq.s32 s2, s0  }
0x9f: {  	p3 =	sgt.s32 @!p1 s2, $0x0;
	s3 =	sshll.u32 @!p1 s4, $0x9;
	s4 =	sadd.s32 @!p1 $0x1, s4  }
.Ltmp9:
0xa0: {  	p3 =	por !p3, p1;
	s3 =	sshra.s32 @!p1 s3, $0x2;
	(pc) =	sbr.rel @!p2 .LBB2_10-.Ltmp9, $4  }
0xa1: {  	s4 =	smov.u32 @p1 s9;
	s2 =	simm.s32 @p3 $0x0;
	s5 =	sadd.s32 @!p1 $0x7988, s3  }
0xa2: {  	s2 =	smin.u32 @!p1 s2, $0x270F0  }
0xa3: {  	s3 =	sand.u32 @!p1 $0x3FFF8, s2;
	s2 =	sand.u32 @!p1 $0x7, s2  }
0xa4: {  	s31 =	sadd.s32 $0x1, s31;
	s3 =	sadd.s32 @!p1 s1, s3  }
.LBB2_11:
0xa5: {  	[tilespmem:s5], [sflag:$0x2] =	stream.linear.gather @!p1 [hbm4b:s3+s2], $0x80, $0x38;
	[tilespmem:$0x1F6F8] =	vst v63  }
.Ltmp10:
0xa6: {  	s0 =	sshll.u32 s4, $0x7;
	(pc) =	sbr.rel .LBB2_12-.Ltmp10, $4  }
0xa7: {  	s30 =	simm.s32 $0x2;
	s0 =	sand.u32 $0x3FFFFF80, s0  }
0xa8: {  	_ =	swait.ge [sflag:s30], s0  }
0xa9: {  	s0 =	ssub.s32 $0x0, s0;
	[sflag:s30] =	ssyncset.done $0x0  }
0xaa: {  	s31 =	simm.s32 $0x0;
	[sflag:s30] =	ssyncadd.s32 s0  }
.LBB2_13:
0xab: {  	v1 =	vld [tilespmem:s25+$0xFFFFFFC0];
	_ =	sdelay $0x3  }
0xac: {  	s0 =	sshra.s32 s0, $0x2  }
0xad: {  	[tilespmem:s0+$0x108] =	vst.add.f32.msk $0xffff, v1  }
0xae: {  	v1 =	vld [tilespmem:s25+$0xFFFFFFD0];
	_ =	sdelay $0x4  }
0xaf: {  	[tilespmem:s0+$0x118] =	vst.add.f32.msk $0xffff, v1  }
0xb0: {  	v1 =	vld [tilespmem:s25+$0xFFFFFFE0];
	_ =	sdelay $0x4  }
0xb1: {  	[tilespmem:s0+$0x128] =	vst.add.f32.msk $0xffff, v1  }
0xb2: {  	v1 =	vld [tilespmem:s25+$0xFFFFFFF0];
	_ =	sdelay $0x4  }
0xb3: {  	[tilespmem:s0+$0x138] =	vst.add.f32.msk $0xffff, v1  }
0xb4: {  	v1 =	vld [tilespmem:s25+$0x0];
	_ =	sdelay $0x4  }
0xb5: {  	[tilespmem:s0+$0x148] =	vst.add.f32.msk $0xffff, v1  }
0xb6: {  	v1 =	vld [tilespmem:s25+$0x10];
	_ =	sdelay $0x4  }
0xb7: {  	[tilespmem:s0+$0x158] =	vst.add.f32.msk $0xffff, v1  }
0xb8: {  	v1 =	vld [tilespmem:s25+$0x20];
	_ =	sdelay $0x4  }
0xb9: {  	[tilespmem:s0+$0x168] =	vst.add.f32.msk $0xffff, v1  }
0xba: {  	v1 =	vld [tilespmem:s25+$0x30];
	_ =	sdelay $0x4  }
0xbb: {  	[tilespmem:s0+$0x178] =	vst.add.f32.msk $0xffff, v1  }
.LBB2_17:
0xbc: {  	s26 =	sadd.s32 $0x1, s26  }
0xbd: {  	p1 =	seq.s32 s26, $0x0  }
.Ltmp11:
0xbe: {  	_ = 	snop;
	(pc) =	sbr.rel @p1 .LBB2_18-.Ltmp11, $2  }
0xbf: {  	_ =	sdelay $0x2  }
0xc0: {  	s23 =	sadd.s32 $0x1, s23;
	s25 =	sadd.s32 $0x80, s25;
	s29 =	smov.u32 s30  }
.LBB2_12:
0xc1: {  	v1 =	vld.msk [tilespmem:s23+$0x0], $0x1;
	_ =	sdelay $0x4  }
0xc2: {  	(v2sf) =	vpush v1, $0x0;
	_ =	sdelay $0xe  }
0xc3: {  	s30 =	spop (v2sf)  }
0xc4: {  	p1 =	sne.s32 s29, s30  }
.Ltmp12:
0xc5: {  	_ = 	snop;
	(pc) =	sbr.rel @!p1 .LBB2_13-.Ltmp12, $2  }
0xc6: {  	_ =	sdelay $0x2  }
0xc7: {  	s0 =	sshll.u32 s22, $0x9  }
0xc8: {  	p1 =	seq.s32 s29, s24  }
.Ltmp13:
0xc9: {  	_ = 	snop;
	(pc) =	sbr.rel @!p1 .LBB2_15-.Ltmp13, $1  }
0xca: {  	_ =	sdelay $0x3  }
0xcb: {  	s0 =	sshra.s32 s0, $0x2  }
.Ltmp14:
0xcc: {  	s0 =	sadd.s32 $0x108, s0;
	(pc) =	sbr.rel .LBB2_16-.Ltmp14, $4  }
0xcd: {  	[spmem:s16] =	stream.linear.scatter [tilespmem:s0], [sflag:$0x1], $0x80, $0x38;
	[tilespmem:$0x1F6F8] =	vst v63  }
0xce: {  	_ =	swait.ge [sflag:s12], $0x80  }
0xcf: {  	[sflag:s12] =	ssyncset.done $0x0  }
0xd0: {  	[sflag:s12] =	ssyncadd.s32 $0xFFFFFF80  }
.LBB2_15:
0xd1: {  	s2 =	sshll.u32 s28, $0x9  }
0xd2: {  	s2 =	sshra.s32 s2, $0x2  }
0xd3: {  	v1 =	vld [tilespmem:s2+$0x7988];
	_ =	sdelay $0x3  }
0xd4: {  	s0 =	sshra.s32 s0, $0x2  }
0xd5: {  	[tilespmem:s0+$0x108] =	vst.add.f32.msk $0xffff, v1  }
0xd6: {  	v1 =	vld [tilespmem:s2+$0x7998];
	_ =	sdelay $0x4  }
0xd7: {  	[tilespmem:s0+$0x118] =	vst.add.f32.msk $0xffff, v1  }
0xd8: {  	v1 =	vld [tilespmem:s2+$0x79A8];
	_ =	sdelay $0x4  }
0xd9: {  	[tilespmem:s0+$0x128] =	vst.add.f32.msk $0xffff, v1  }
0xda: {  	v1 =	vld [tilespmem:s2+$0x79B8];
	_ =	sdelay $0x4  }
0xdb: {  	[tilespmem:s0+$0x138] =	vst.add.f32.msk $0xffff, v1  }
0xdc: {  	v1 =	vld [tilespmem:s2+$0x79C8];
	_ =	sdelay $0x4  }
0xdd: {  	[tilespmem:s0+$0x148] =	vst.add.f32.msk $0xffff, v1  }
0xde: {  	v1 =	vld [tilespmem:s2+$0x79D8];
	_ =	sdelay $0x4  }
0xdf: {  	[tilespmem:s0+$0x158] =	vst.add.f32.msk $0xffff, v1  }
0xe0: {  	v1 =	vld [tilespmem:s2+$0x79E8];
	_ =	sdelay $0x4  }
0xe1: {  	[tilespmem:s0+$0x168] =	vst.add.f32.msk $0xffff, v1  }
0xe2: {  	v1 =	vld [tilespmem:s2+$0x79F8];
	_ =	sdelay $0x2  }
0xe3: {  	p1 =	sgt.u32 s29, $0x270F0  }
0xe4: {  	s2 =	sand.u32 @!p1 $0x3FFF8, s29  }
0xe5: {  	s3 =	sadd.s32 $0x108, s0;
	[tilespmem:s0+$0x178] =	vst.add.f32.msk $0xffff, v1;
	s0 =	sadd.s32 @!p1 s1, s2;
	s2 =	sand.u32 @!p1 $0x7, s29  }
0xe6: {  	[hbm4b:s0+s2] =	stream.linear.scatter @!p1 [tilespmem:s3], [sflag:$0xC], $0x80, $0x38;
	[tilespmem:$0x1F6F8] =	vst v63  }
0xe7: {  	s0 =	simm.s32 $0x0  }
0xe8: {  	s0 =	simm.s32 @!p1 $0x200  }
0xe9: {  	s31 =	sadd.s32 s0, s31  }
.LBB2_16:
0xea: {  	s0 =	sadd.s32 $0x1, s22  }
0xeb: {  	s2 =	smulhi.u32 $0x88888889, s0;
	_ =	sdelay $0x1  }
0xec: {  	v1 =	vld [tilespmem:s25+$0xFFFFFFC0];
	s2 =	sshrl.u32 s2, $0x7  }
0xed: {  	s2 =	smul.u32 $0xF0, s2;
	_ =	sdelay $0x1  }
0xee: {  	s22 =	ssub.s32 s0, s2  }
0xef: {  	s0 =	sshll.u32 s22, $0x7  }
0xf0: {  	[tilespmem:s0+$0x108] =	vst v1  }
0xf1: {  	v1 =	vld [tilespmem:s25+$0xFFFFFFD0];
	_ =	sdelay $0x4  }
0xf2: {  	[tilespmem:s0+$0x118] =	vst v1  }
0xf3: {  	v1 =	vld [tilespmem:s25+$0xFFFFFFE0];
	_ =	sdelay $0x4  }
0xf4: {  	[tilespmem:s0+$0x128] =	vst v1  }
0xf5: {  	v1 =	vld [tilespmem:s25+$0xFFFFFFF0];
	_ =	sdelay $0x4  }
0xf6: {  	[tilespmem:s0+$0x138] =	vst v1  }
0xf7: {  	v1 =	vld [tilespmem:s25+$0x0];
	_ =	sdelay $0x4  }
0xf8: {  	[tilespmem:s0+$0x148] =	vst v1  }
0xf9: {  	v1 =	vld [tilespmem:s25+$0x10];
	_ =	sdelay $0x4  }
0xfa: {  	[tilespmem:s0+$0x158] =	vst v1  }
0xfb: {  	v1 =	vld [tilespmem:s25+$0x20];
	_ =	sdelay $0x4  }
0xfc: {  	[tilespmem:s0+$0x168] =	vst v1  }
0xfd: {  	v1 =	vld [tilespmem:s25+$0x30]  }
.Ltmp15:
0xfe: {  	_ = 	snop;
	(pc) =	sbr.rel .LBB2_17-.Ltmp15, $2  }
0xff: {  	_ =	sdelay $0x2  }
0x100: {  	s28 =	sadd.s32 $0x1, s28;
	[tilespmem:s0+$0x178] =	vst v1  }
.LBB2_19:
.Ltmp16:
0x101: {  	(pc) =	sbr.rel .LBB2_20-.Ltmp16, $4  }
0x102: {  	_ = 	snop  }
0x103: {  	s0 =	simm.s32 $0x2  }
0x104: {  	_ =	swait.ge [sflag:s0], $0x0  }
0x105: {  	s30 =	smov.u32 s29;
	[sflag:s0] =	ssyncset.done $0x0;
	s0 =	simm.s32 $0x0  }
.LBB2_22:
0x106: {  	_ =	sfence.sel $0x180000  }
0x107: {  	s0 =	simm.s32 $0x9;
	[bflag:$0x0] =	sbarrier.arrive $0xFFFF  }
0x108: {  	s24 =	simm.s32 $0xA;
	[sflag:s0] =	ssyncpa.u1 $0x1  }
0x109: {  	s25 =	simm.s32 $0xB;
	[sflag:s24] =	ssyncpa.u1 $0x1  }
0x10a: {  	s26 =	simm.s32 $0x2;
	[sflag:s25] =	ssyncpa.u1 $0x1  }
0x10b: {  	[sflag:s26] =	ssyncpa.u1 $0x1  }
0x10c: {  	v0 =	vld [tilespmem:$0xF208];
	_ =	sdelay $0x4  }
0x10d: {  	(v2sf) =	vpush v0, $0x0  }
0x10e: {  	(v2sf) =	vpush v0, $0x1;
	_ =	sdelay $0x1  }
0x10f: {  	(v2sf) =	vpush v0, $0x2;
	_ =	sdelay $0xb  }
0x110: {  	s0 =	spop (v2sf)  }
0x111: {  	s2 =	spop (v2sf)  }
0x112: {  	s3 =	smov.u32 s0;
	p0 =	sne.s32 s0, s2  }
0x113: {  	s4 =	spop (v2sf);
	s3 =	simm.s32 @!p0 $0xFFFFFFFF  }
0x114: {  	v2 =	vimm.s32 $0x1;
	v3 =	vlaneseq.u32;
	p0 =	seq.s32 s4, $0xFFFFFFFF;
	v1 =	vmov s3  }
0x115: {  	s16 =	stileid.u32;
	v0 =	vperm.xlane v0, v2;
	p1 =	sne.s32 @!p0 s0, s2;
	v1 =	vperm.xlane v1, v3  }
0x116: {  	vm0 =	vcmask $0x3F04;
	s6 =	simm.s32 $0xF208;
	s0 =	simm.s32 @!p0 $0x1;
	p1 =	por !p1, p0  }
0x117: {  	s3 =	sshll.u32 s16, $0x1;
	s2 =	sshll.u32 @!p0 s4, $0x9;
	s0 =	simm.s32 @p1 $0x0;
	v0 =	vsel vm0, v1, v0  }
0x118: {  	s5 =	sor.u32 $0x1000, s3;
	s2 =	sshra.s32 @!p0 s2, $0x2;
	s0 =	sor.u32 @!p0 s0, s3;
	[tilespmem:$0xF208] =	vst v0  }
0x119: {  	[spmem:s5] =	stream.linear.scatter [tilespmem:s6], [sflag:$0x1], $0x2, $0x38;
	[tilespmem:$0x1F6F8] =	vst v63  }
0x11a: {  	s2 =	sadd.s32 @!p0 $0x108, s2;
	s0 =	sshll.u32 @!p0 s0, $0x7  }
0x11b: {  	[spmem:s0] =	stream.linear.scatter @!p0 [tilespmem:s2], [sflag:$0x1], $0x80, $0x38;
	[tilespmem:$0x1F6F8] =	vst v63  }
0x11c: {  	s0 =	simm.s32 @!p0 $0x82  }
0x11d: {  	s28 =	simm.s32 $0x1;
	s0 =	simm.s32 @p0 $0x2  }
0x11e: {  	_ =	swait.ge [sflag:s28], s0  }
0x11f: {  	s0 =	ssub.s32 $0x0, s0;
	[sflag:s28] =	ssyncset.done $0x0  }
0x120: {  	p0 =	sne.s32 s16, $0x0;
	[sflag:s28] =	ssyncadd.s32 s0  }
.Ltmp17:
0x121: {  	_ =	sfence.stream.spmem;
	(pc) =	sbr.rel @p0 .LBB2_39-.Ltmp17, $4  }
0x122: {  	s29 =	simm.s32 $0x3;
	[bflag:$0x0] =	sbarrier.arrive $0xFFFF  }
0x123: {  	s30 =	simm.s32 $0x4;
	[sflag:s29] =	ssyncpa.u1 $0x1  }
0x124: {  	s31 =	simm.s32 $0x3C;
	[sflag:s30] =	ssyncpa.u1 $0x1  }
0x125: {  	s15 =	rddreg [dreg:$0x4];
	[sflag:s31] =	ssyncpa.u1 $0x1  }
0x126: {  	_ =	sfence.stream.spmem;
	s0 =	simm.s32 $0x5  }
0x127: {  	s2 =	simm.s32 $0x1000;
	s3 =	simm.s32 $0xF218;
	[sflag:s0] =	ssyncpa.u1 $0x0  }
0x128: {  	[tilespmem:s3], [sflag:$0x5] =	stream.linear.gather [spmem:s2], $0x20, $0x38;
	[tilespmem:$0x1F6F8] =	vst v63  }
0x129: {  	s26 =	simm.s32 $0x0;
	s28 =	simm.s32 $0xF238  }
0x12a: {  	[tilespmem:s28], [sflag:$0x5] =	stream.linear.gather [spmem:s26], $0x1000, $0x38;
	[tilespmem:$0x1F6F8] =	vst v63  }
0x12b: {  	_ =	swait.ge [sflag:s0], $0x1020  }
0x12c: {  	[sflag:s0] =	ssyncset.done $0x0  }
0x12d: {  	s29 =	simm.s32 $0x0;
	[sflag:s0] =	ssyncadd.s32 $0xFFFFEFE0  }
0x12e: {  	v0 =	vld.msk [tilespmem:s29+$0xF218], $0x1;
	_ =	sdelay $0x1  }
0x12f: {  	s30 =	simm.s32 $0x1  }
0x130: {  	v1 =	vld.msk [tilespmem:s30+$0xF218], $0x1;
	_ =	sdelay $0x1  }
0x131: {  	(v2sf) =	vpush v0, $0x0;
	_ =	sdelay $0x2  }
0x132: {  	(v2sf) =	vpush v1, $0x0;
	_ =	sdelay $0x2  }
0x133: {  	s31 =	simm.s32 $0x2  }
0x134: {  	v0 =	vld.msk [tilespmem:s31+$0xF218], $0x1;
	_ =	sdelay $0x2  }
0x135: {  	s4 =	simm.s32 $0xFFFFFFFF;
	s5 =	simm.s32 $0xFFFFFFFF;
	s0 =	simm.s32 $0xC  }
.LBB2_24:
0x136: {  	s2 =	smov.u32 s5;
	s3 =	smov.u32 s4  }
0x137: {  	s4 =	sshra.s32 s0, $0x2;
	p1 =	sne.s32 s0, $0x7C;
	s0 =	sadd.s32 $0x4, s0;
	(v2sf) =	vpush v0, $0x0  }
0x138: {  	v0 =	vld.msk [tilespmem:s4+$0xF218], $0x1  }
.Ltmp18:
0x139: {  	(pc) =	sbr.rel @p1 .LBB2_24-.Ltmp18, $4  }
0x13a: {  	s5 =	spop (v2sf)  }
0x13b: {  	p2 =	sne.s32 s3, $0xFFFFFFFF;
	s4 =	smov.u32 s5  }
0x13c: {  	p3 =	seq.s32 s5, $0xFFFFFFFF;
	s4 =	smov.u32 @p2 s3  }
0x13d: {  	s5 =	smov.u32 @p3 s2;
	s4 =	smov.u32 @p3 s3  }
0x13e: {  	(v2sf) =	vpush v0, $0x0;
	_ =	sdelay $0x8  }
0x13f: {  	s0 =	spop (v2sf)  }
0x140: {  	p1 =	sne.s32 s4, $0xFFFFFFFF;
	s2 =	smov.u32 s0  }
0x141: {  	s9 =	simm.s32 $0x6;
	p2 =	seq.s32 s0, $0xFFFFFFFF;
	s2 =	smov.u32 @p1 s4  }
0x142: {  	s6 =	simm.s32 $0x0;
	s2 =	smov.u32 @p2 s4;
	s3 =	spop (v2sf)  }
0x143: {  	s0 =	smov.u32 @p2 s5;
	p1 =	sne.s32 s2, $0xFFFFFFFF;
	s4 =	smov.u32 s3  }
.Ltmp19:
0x144: {  	p2 =	seq.s32 s3, $0xFFFFFFFF;
	s4 =	smov.u32 @p1 s2;
	(pc) =	sbr.rel .LBB2_26-.Ltmp19, $4  }
0x145: {  	s10 =	simm.s32 $0xF188;
	s4 =	smov.u32 @p2 s2;
	s7 =	spop (v2sf)  }
0x146: {  	s11 =	simm.s32 $0x0;
	p1 =	sne.s32 s4, $0xFFFFFFFF;
	s8 =	smov.u32 s7  }
0x147: {  	s3 =	smov.u32 @p2 s0;
	p2 =	seq.s32 s7, $0xFFFFFFFF;
	s8 =	smov.u32 @p1 s4  }
0x148: {  	[sflag:s9] =	ssyncpa.u1 $0x0;
	s7 =	smov.u32 @p2 s3;
	s8 =	smov.u32 @p2 s4  }
.LBB2_32:
0x149: {  	p1 =	sgt.u32 s12, $0x270F0  }
0x14a: {  	p2 =	seq.s32 @!p1 s12, s8  }
0x14b: {  	p1 =	por p1, p2  }
0x14c: {  	p2 =	sne.s32 @!p1 s12, s7  }
0x14d: {  	p1 =	por p1, !p2  }
0x14e: {  	s0 =	sshll.u32 @p1 s11, $0x9  }
0x14f: {  	s0 =	sand.u32 @!p1 $0x3FFF8, s12  }
0x150: {  	s2 =	sand.u32 @!p1 $0x7, s12;
	s0 =	sadd.s32 @!p1 s1, s0  }
0x151: {  	[tilespmem:s10], [sflag:$0x6] =	stream.linear.gather @!p1 [hbm4b:s0+s2], $0x80, $0x38;
	[tilespmem:$0x1F6F8] =	vst v63  }
0x152: {  	_ =	swait.ge @!p1 [sflag:s9], $0x80  }
0x153: {  	[sflag:s9] =	ssyncset.done @!p1 $0x0  }
0x154: {  	[sflag:s9] =	ssyncadd.s32 @!p1 $0xFFFFFF80  }
0x155: {  	v1 =	vld @!p1 [tilespmem:$0xF188];
	_ =	sdelay $0x2  }
0x156: {  	s0 =	sshll.u32 @!p1 s11, $0x9  }
0x157: {  	s2 =	sshrl.u32 @!p1 s0, $0x2  }
0x158: {  	[tilespmem:s2+$0xF238] =	vst.add.f32.msk @!p1 $0xffff, v1  }
0x159: {  	v1 =	vld @!p1 [tilespmem:$0xF198];
	_ =	sdelay $0x4  }
0x15a: {  	[tilespmem:s2+$0xF248] =	vst.add.f32.msk @!p1 $0xffff, v1  }
0x15b: {  	v1 =	vld @!p1 [tilespmem:$0xF1A8];
	_ =	sdelay $0x4  }
0x15c: {  	[tilespmem:s2+$0xF258] =	vst.add.f32.msk @!p1 $0xffff, v1  }
0x15d: {  	v1 =	vld @!p1 [tilespmem:$0xF1B8];
	_ =	sdelay $0x4  }
0x15e: {  	[tilespmem:s2+$0xF268] =	vst.add.f32.msk @!p1 $0xffff, v1  }
0x15f: {  	v1 =	vld @!p1 [tilespmem:$0xF1C8];
	_ =	sdelay $0x4  }
0x160: {  	[tilespmem:s2+$0xF278] =	vst.add.f32.msk @!p1 $0xffff, v1  }
0x161: {  	v1 =	vld @!p1 [tilespmem:$0xF1D8];
	_ =	sdelay $0x4  }
0x162: {  	[tilespmem:s2+$0xF288] =	vst.add.f32.msk @!p1 $0xffff, v1  }
0x163: {  	v1 =	vld @!p1 [tilespmem:$0xF1E8];
	_ =	sdelay $0x4  }
0x164: {  	[tilespmem:s2+$0xF298] =	vst.add.f32.msk @!p1 $0xffff, v1  }
0x165: {  	v1 =	vld @!p1 [tilespmem:$0xF1F8];
	_ =	sdelay $0x4  }
0x166: {  	[tilespmem:s2+$0xF2A8] =	vst.add.f32.msk @!p1 $0xffff, v1  }
0x167: {  	s0 =	sshrl.u32 s0, $0x2;
	[tilespmem:s6+$0xF218] =	vst.msk $0x1, v0  }
0x168: {  	v0 =	vld [tilespmem:s0+$0xF238];
	_ =	sdelay $0x2  }
0x169: {  	s31 =	sshll.u32 s6, $0x9  }
0x16a: {  	s2 =	sshra.s32 s31, $0x2  }
0x16b: {  	[tilespmem:s2+$0xF238] =	vst v0  }
0x16c: {  	v0 =	vld [tilespmem:s0+$0xF248];
	_ =	sdelay $0x4  }
0x16d: {  	[tilespmem:s2+$0xF248] =	vst v0  }
0x16e: {  	v0 =	vld [tilespmem:s0+$0xF258];
	_ =	sdelay $0x4  }
0x16f: {  	[tilespmem:s2+$0xF258] =	vst v0  }
0x170: {  	v0 =	vld [tilespmem:s0+$0xF268];
	_ =	sdelay $0x4  }
0x171: {  	[tilespmem:s2+$0xF268] =	vst v0  }
0x172: {  	v0 =	vld [tilespmem:s0+$0xF278];
	_ =	sdelay $0x4  }
0x173: {  	[tilespmem:s2+$0xF278] =	vst v0  }
0x174: {  	v0 =	vld [tilespmem:s0+$0xF288];
	_ =	sdelay $0x4  }
0x175: {  	[tilespmem:s2+$0xF288] =	vst v0  }
0x176: {  	v0 =	vld [tilespmem:s0+$0xF298];
	_ =	sdelay $0x4  }
0x177: {  	[tilespmem:s2+$0xF298] =	vst v0  }
0x178: {  	v0 =	vld [tilespmem:s0+$0xF2A8];
	_ =	sdelay $0x4  }
0x179: {  	s6 =	sadd.s32 $0x1, s6;
	[tilespmem:s2+$0xF2A8] =	vst v0  }
.LBB2_33:
0x17a: {  	s11 =	sadd.s32 $0x1, s11  }
0x17b: {  	p1 =	sne.s32 s11, $0x20  }
.Ltmp20:
0x17c: {  	_ = 	snop;
	(pc) =	sbr.rel @!p1 .LBB2_34-.Ltmp20, $1  }
0x17d: {  	_ =	sdelay $0x3  }
.LBB2_26:
0x17e: {  	v0 =	vld.msk [tilespmem:s11+$0xF218], $0x1;
	_ =	sdelay $0x4  }
0x17f: {  	(v2sf) =	vpush v0, $0x0;
	_ =	sdelay $0xe  }
0x180: {  	s12 =	spop (v2sf)  }
0x181: {  	p1 =	seq.s32 s12, $0xFFFFFFFF  }
.Ltmp21:
0x182: {  	_ = 	snop;
	(pc) =	sbr.rel @p1 .LBB2_33-.Ltmp21, $1  }
0x183: {  	_ =	sdelay $0x3  }
0x184: {  	p1 =	slt.s32 s6, $0x1  }
.Ltmp22:
0x185: {  	_ = 	snop;
	(pc) =	sbr.rel @p1 .LBB2_32-.Ltmp22, $1  }
0x186: {  	_ =	sdelay $0x3  }
0x187: {  	s13 =	simm.s32 $0xF218;
	p1 =	por $0x0, $0x0  }
0x188: {  	v1 =	vld.msk @!p1 [tilespmem:s13+$0x0], $0x1;
	_ =	sdelay $0x4  }
0x189: {  	(v2sf) =	vpush @!p1 v1, $0x0;
	_ =	sdelay $0xd  }
0x18a: {  	p3 =	sne.s32 s6, $0x1  }
.Ltmp23:
0x18b: {  	s0 =	spop @!p1 (v2sf);
	(pc) =	sbr.rel @!p3 .LBB2_30-.Ltmp23, $4  }
0x18c: {  	p2 =	seq.s32 @!p1 s12, s0  }
0x18d: {  	s14 =	simm.s32 $0x0;
	p2 =	por !p2, p1  }
0x18e: {  	s2 =	simm.s32 $0xFFFFFFFF;
	s14 =	simm.s32 @p2 $0xFFFFFFFF  }
0x18f: {  	s0 =	simm.s32 $0x1;
	s14 =	smov.u32 @p1 s2  }
.LBB2_29:
0x190: {  	s2 =	smov.u32 s14;
	p1 =	sne.s32 s14, $0xFFFFFFFF  }
0x191: {  	s13 =	sadd.s32 $0x1, s13;
	s14 =	smov.u32 s0;
	s0 =	sadd.s32 $0x1, s0  }
0x192: {  	p2 =	sne.s32 s6, s0;
	v1 =	vld.msk @!p1 [tilespmem:s13+$0x0], $0x1;
	_ =	sdelay $0x4  }
0x193: {  	(v2sf) =	vpush @!p1 v1, $0x0;
	_ =	sdelay $0xe  }
.Ltmp24:
0x194: {  	s3 =	spop @!p1 (v2sf);
	(pc) =	sbr.rel @p2 .LBB2_29-.Ltmp24, $4  }
0x195: {  	p3 =	seq.s32 @!p1 s12, s3  }
0x196: {  	p3 =	por !p3, p1  }
0x197: {  	s14 =	simm.s32 @p3 $0xFFFFFFFF  }
0x198: {  	s14 =	smov.u32 @p1 s2  }
.LBB2_30:
0x199: {  	p1 =	seq.s32 s14, $0xFFFFFFFF  }
.Ltmp25:
0x19a: {  	_ = 	snop;
	(pc) =	sbr.rel @p1 .LBB2_32-.Ltmp25, $1  }
0x19b: {  	_ =	sdelay $0x3  }
0x19c: {  	s0 =	sshll.u32 s11, $0x7  }
0x19d: {  	s0 =	sand.u32 $0x3FFFFF80, s0  }
0x19e: {  	v0 =	vld [tilespmem:s0+$0xF238];
	_ =	sdelay $0x2  }
0x19f: {  	s2 =	sshll.u32 s14, $0x9  }
0x1a0: {  	s2 =	sshra.s32 s2, $0x2  }
0x1a1: {  	[tilespmem:s2+$0xF238] =	vst.add.f32.msk $0xffff, v0  }
0x1a2: {  	v0 =	vld [tilespmem:s0+$0xF248];
	_ =	sdelay $0x4  }
0x1a3: {  	[tilespmem:s2+$0xF248] =	vst.add.f32.msk $0xffff, v0  }
0x1a4: {  	v0 =	vld [tilespmem:s0+$0xF258];
	_ =	sdelay $0x4  }
0x1a5: {  	[tilespmem:s2+$0xF258] =	vst.add.f32.msk $0xffff, v0  }
0x1a6: {  	v0 =	vld [tilespmem:s0+$0xF268];
	_ =	sdelay $0x4  }
0x1a7: {  	[tilespmem:s2+$0xF268] =	vst.add.f32.msk $0xffff, v0  }
0x1a8: {  	v0 =	vld [tilespmem:s0+$0xF278];
	_ =	sdelay $0x4  }
0x1a9: {  	[tilespmem:s2+$0xF278] =	vst.add.f32.msk $0xffff, v0  }
0x1aa: {  	v0 =	vld [tilespmem:s0+$0xF288];
	_ =	sdelay $0x4  }
0x1ab: {  	[tilespmem:s2+$0xF288] =	vst.add.f32.msk $0xffff, v0  }
0x1ac: {  	v0 =	vld [tilespmem:s0+$0xF298];
	_ =	sdelay $0x4  }
0x1ad: {  	[tilespmem:s2+$0xF298] =	vst.add.f32.msk $0xffff, v0  }
0x1ae: {  	v0 =	vld [tilespmem:s0+$0xF2A8]  }
.Ltmp26:
0x1af: {  	_ = 	snop;
	(pc) =	sbr.rel .LBB2_33-.Ltmp26, $2  }
0x1b0: {  	_ =	sdelay $0x2  }
0x1b1: {  	[tilespmem:s2+$0xF2A8] =	vst.add.f32.msk $0xffff, v0  }
.LBB2_34:
0x1b2: {  	s0 =	simm.s32 $0x6;
	p1 =	seq.s32 s6, $0x0  }
0x1b3: {  	[sflag:s0] =	ssyncpa.u1 $0x1;
	v0 =	vimm.s32 @p1 $0xFFFFFFFF  }
0x1b4: {  	s9 =	sadd.s32 $0xFFFFFFFF, s6;
	[tilespmem:$0x10238] =	vst @p1 v0  }
0x1b5: {  	v0 =	vld.msk @!p1 [tilespmem:s9+$0xF218], $0x1;
	_ =	sdelay $0x1  }
0x1b6: {  	v1 =	vld.msk @!p1 [tilespmem:$0xF218], $0x1;
	_ =	sdelay $0x2  }
0x1b7: {  	p2 =	seq.s32 @!p1 s9, $0x0;
	v0 =	vbroadcast @!p1 v0, $0x0  }
0x1b8: {  	vm0 =	vmmov @!p1 $0x1;
	p2 =	por !p2, p1  }
0x1b9: {  	v1 =	vnsel @!p1 vm0, $0xFFFFFFFF, v1;
	vm0 =	vcmask @!p1 $0x308;
	v0 =	vpsel !p2, $0xFFFFFFFF, v0  }
0x1ba: {  	p2 =	sne.s32 @!p1 s8, s7;
	v0 =	vsel @!p1 vm0, v1, v0  }
0x1bb: {  	s0 =	simm.s32 @!p1 $0xF238;
	s2 =	simm.s32 @!p1 $0x0;
	p3 =	por !p2, p1;
	[tilespmem:$0x10238] =	vst @!p1 v0  }
0x1bc: {  	[spmem:s2] =	stream.linear.scatter @!p1 [tilespmem:s0], [sflag:$0x1], $0x80, $0x38;
	[tilespmem:$0x1F6F8] =	vst v63  }
0x1bd: {  	s0 =	sshll.u32 @!p3 s9, $0x9  }
0x1be: {  	s0 =	sshra.s32 @!p3 s0, $0x2  }
0x1bf: {  	s2 =	simm.s32 @!p3 $0x80;
	s0 =	sadd.s32 @!p3 $0xF238, s0  }
0x1c0: {  	[spmem:s2] =	stream.linear.scatter @!p3 [tilespmem:s0], [sflag:$0x1], $0x80, $0x38;
	[tilespmem:$0x1F6F8] =	vst v63  }
0x1c1: {  	s0 =	simm.s32 @!p3 $0x1  }
0x1c2: {  	_ =	swait.ge @!p3 [sflag:s0], $0x100  }
0x1c3: {  	p1 =	por p2, p1;
	[sflag:s0] =	ssyncset.done @!p3 $0x0  }
0x1c4: {  	[sflag:s0] =	ssyncadd.s32 @!p3 $0xFFFFFF00;
	s0 =	simm.s32 @!p1 $0x1  }
0x1c5: {  	_ =	swait.ge @!p1 [sflag:s0], $0x80  }
0x1c6: {  	s29 =	simm.s32 $0x10238;
	[sflag:s0] =	ssyncset.done @!p1 $0x0  }
0x1c7: {  	s30 =	simm.s32 $0x1000;
	s31 =	simm.s32 $0x1;
	[sflag:s0] =	ssyncadd.s32 @!p1 $0xFFFFFF80  }
0x1c8: {  	[spmem:s30] =	stream.linear.scatter [tilespmem:s29], [sflag:$0x1], $0x10, $0x38;
	[tilespmem:$0x1F6F8] =	vst v63  }
0x1c9: {  	_ =	swait.ge [sflag:s31], $0x10  }
0x1ca: {  	[sflag:s31] =	ssyncset.done $0x0  }
0x1cb: {  	p1 =	seq.s32 s15, $0x0;
	s8 =	rddreg [dreg:$0x1];
	[sflag:s31] =	ssyncadd.s32 $0xFFFFFFF0  }
0x1cc: {  	s2 =	sshll.u32 @p1 s8, $0xE;
	s7 =	rddreg [dreg:$0x2]  }
0x1cd: {  	s0 =	sadd.s32 @p1 $0x15C3C, s2;
	s2 =	sshll.u32 @p1 s7, $0x11  }
0x1ce: {  	_ =	sfence.stream.spmem;
	s0 =	sor.u32 @p1 s2, s0  }
0x1cf: {  	[sflag:s0] =	ssyncadd.remote.s32 @p1 $0x1;
	s0 =	simm.s32 @p1 $0x4  }
0x1d0: {  	s3 =	simm.s32 @!p1 $0x3C;
	s2 =	sand.u32 $0xFFFFFFFE, s8;
	_ =	swait.ge @p1 [sflag:s0], $0x22  }
0x1d1: {  	s4 =	simm.s32 @!p1 $0x0;
	s2 =	sadd.s32 @!p1 $0x4, s2;
	[sflag:s0] =	ssyncset.done @p1 $0x0  }
0x1d2: {  	s5 =	simm.s32 @!p1 $0x100;
	[sflag:s0] =	ssyncadd.s32 @p1 $0xFFFFFFDE;
	s0 =	sshll.u32 @!p1 s2, $0x1A  }
0x1d3: {  	s2 =	sshll.u32 @!p1 s2, $0xD;
	s0 =	sor.u32 @!p1 s0, s7;
	_ =	swait.eq @!p1 [sflag:s3], $0x1  }
0x1d4: {  	s2 =	sor.u32 @!p1 $0x1C04, s2;
	s3 =	simm.s32 @!p1 $0x1C03;
	s0 =	sor.u32 @!p1 $0x80004000, s0  }
0x1d5: {  	[spmem:s5], [sflag:s2] =	dma.general @!p1 [spmem:s4], [sflag:s3], length:$0x20, [dreg:$0x0], stride_count:$0x0, ici_dest:s0, dma_misc:DstOpCode:WRITE  }
0x1d6: {  	p2 =	slt.s32 s9, $0x2;
	s4 =	simm.s32 @!p1 $0x200;
	s5 =	simm.s32 @!p1 $0x202  }
0x1d7: {  	[spmem:s5], [sflag:s2] =	dma.general @!p1 [spmem:s4], [sflag:s3], length:$0x2, [dreg:$0x0], stride_count:$0x0, ici_dest:s0, dma_misc:DstOpCode:WRITE  }
.Ltmp27:
0x1d8: {  	s0 =	simm.s32 @!p1 $0x3;
	(pc) =	sbr.rel @p2 .LBB2_38-.Ltmp27, $4  }
0x1d9: {  	s2 =	sshll.u32 @!p1 s8, $0xE;
	_ =	swait.ge @!p1 [sflag:s0], $0x22  }
0x1da: {  	s3 =	sshll.u32 @!p1 s7, $0x11;
	s2 =	sadd.s32 @!p1 $0x11C3C, s2;
	[sflag:s0] =	ssyncset.done @!p1 $0x0  }
0x1db: {  	[sflag:s0] =	ssyncadd.s32 @!p1 $0xFFFFFFDE;
	s0 =	sor.u32 @!p1 s3, s2  }
0x1dc: {  	[sflag:s0] =	ssyncadd.remote.s32 @!p1 $0xFFFFFFFF;
	s0 =	simm.s32 $0x0  }
0x1dd: {  	s0 =	simm.s32 $0xF219  }
0x1de: {  	v0 =	vld.msk [tilespmem:s0+$0x0], $0x1;
	_ =	sdelay $0x4  }
0x1df: {  	(v2sf) =	vpush v0, $0x0;
	_ =	sdelay $0xb  }
0x1e0: {  	s31 =	sadd.s32 $0xFFFFFFFE, s6  }
0x1e1: {  	s0 =	sadd.s32 $0xFFFFFFFF, s31  }
0x1e2: {  	p2 =	sne.s32 s0, $0x0  }
.Ltmp28:
0x1e3: {  	s2 =	spop (v2sf);
	(pc) =	sbr.rel @!p2 .LBB2_37-.Ltmp28, $4  }
0x1e4: {  	s4 =	simm.s32 $0xF2B8;
	s7 =	simm.s32 $0x0;
	p1 =	sgt.u32 s2, $0x270F0  }
0x1e5: {  	s5 =	simm.s32 $0x0;
	s6 =	simm.s32 $0xF21A;
	s3 =	sand.u32 @!p1 $0x3FFF8, s2  }
0x1e6: {  	s2 =	sand.u32 @!p1 $0x7, s2;
	s7 =	simm.s32 @!p1 $0x200;
	s3 =	sadd.s32 @!p1 s1, s3  }
0x1e7: {  	[hbm4b:s3+s2] =	stream.linear.scatter @!p1 [tilespmem:s4], [sflag:$0x5], $0x80, $0x38;
	[tilespmem:$0x1F6F8] =	vst v63  }
.LBB2_36:
0x1e8: {  	v0 =	vld.msk [tilespmem:s6+$0x0], $0x1;
	s0 =	sadd.s32 $0xFFFFFFFF, s0;
	s5 =	sadd.s32 s5, s7  }
0x1e9: {  	p1 =	sne.s32 s0, $0x0;
	_ =	sdelay $0x3  }
0x1ea: {  	(v2sf) =	vpush v0, $0x0;
	_ =	sdelay $0xe  }
.Ltmp29:
0x1eb: {  	s2 =	spop (v2sf);
	(pc) =	sbr.rel @p1 .LBB2_36-.Ltmp29, $4  }
0x1ec: {  	s7 =	simm.s32 $0x0;
	p2 =	sgt.u32 s2, $0x270F0  }
0x1ed: {  	s4 =	sadd.s32 $0x80, s4;
	s7 =	simm.s32 @!p2 $0x200;
	s3 =	sand.u32 @!p2 $0x3FFF8, s2  }
0x1ee: {  	s6 =	sadd.s32 $0x1, s6;
	s2 =	sand.u32 @!p2 $0x7, s2;
	s3 =	sadd.s32 @!p2 s1, s3  }
0x1ef: {  	[hbm4b:s3+s2] =	stream.linear.scatter @!p2 [tilespmem:s4], [sflag:$0x5], $0x80, $0x38;
	[tilespmem:$0x1F6F8] =	vst v63  }
.LBB2_37:
0x1f0: {  	s0 =	sadd.s32 s5, s7  }
0x1f1: {  	s0 =	sshrl.u32 s0, $0x2  }
.LBB2_38:
0x1f2: {  	s2 =	simm.s32 $0x5  }
0x1f3: {  	_ =	swait.ge [sflag:s2], s0  }
0x1f4: {  	s31 =	ssub.s32 $0x0, s0;
	[sflag:s2] =	ssyncset.done $0x0  }
0x1f5: {  	[sflag:s2] =	ssyncadd.s32 s31  }
0x1f6: {  	[sflag:s2] =	ssyncpa.u1 $0x1  }
.LBB2_39:
0x1f7: {  	s0 =	sor.u32 s15, s16  }
0x1f8: {  	p1 =	sne.s32 s0, $0x0  }
.Ltmp30:
0x1f9: {  	_ = 	snop;
	(pc) =	sbr.rel @p1 .LBB2_54-.Ltmp30, $3  }
0x1fa: {  	_ =	sdelay $0x1  }
0x1fb: {  	[bflag:$0x0] =	sbarrier.arrive $0xFFFF  }
0x1fc: {  	_ =	sfence  }
0x1fd: {  	s0 =	simm.s32 $0x7  }
0x1fe: {  	s2 =	simm.s32 $0x1000;
	s3 =	simm.s32 $0xF218;
	[sflag:s0] =	ssyncpa.u1 $0x0  }
0x1ff: {  	[tilespmem:s3], [sflag:$0x7] =	stream.linear.gather [spmem:s2], $0x20, $0x38;
	[tilespmem:$0x1F6F8] =	vst v63  }
0x200: {  	s30 =	simm.s32 $0xF238;
	s2 =	simm.s32 $0x0  }
0x201: {  	[tilespmem:s30], [sflag:$0x7] =	stream.linear.gather [spmem:s2], $0x1000, $0x38;
	[tilespmem:$0x1F6F8] =	vst v63  }
.Ltmp31:
0x202: {  	_ = 	snop;
	(pc) =	sbr.rel .LBB2_41-.Ltmp31, $4  }
0x203: {  	_ =	swait.ge [sflag:s0], $0x1020  }
0x204: {  	[sflag:s0] =	ssyncset.done $0x0  }
0x205: {  	s31 =	simm.s32 $0x8;
	[sflag:s0] =	ssyncadd.s32 $0xFFFFEFE0  }
0x206: {  	s3 =	simm.s32 $0x0;
	[sflag:s31] =	ssyncpa.u1 $0x0  }
.LBB2_47:
0x207: {  	p1 =	slt.u32 s4, $0x270F1  }
0x208: {  	s0 =	sand.u32 @p1 $0x3FFF8, s4  }
0x209: {  	s4 =	sand.u32 @p1 $0x7, s4;
	s5 =	simm.s32 @p1 $0xF188;
	s0 =	sadd.s32 @p1 s1, s0  }
0x20a: {  	[tilespmem:s5], [sflag:$0x8] =	stream.linear.gather @p1 [hbm4b:s0+s4], $0x80, $0x38;
	[tilespmem:$0x1F6F8] =	vst v63  }
0x20b: {  	s0 =	simm.s32 @p1 $0x8  }
0x20c: {  	_ =	swait.ge @p1 [sflag:s0], $0x80  }
0x20d: {  	[sflag:s0] =	ssyncset.done @p1 $0x0  }
0x20e: {  	[sflag:s0] =	ssyncadd.s32 @p1 $0xFFFFFF80  }
0x20f: {  	v1 =	vld @p1 [tilespmem:$0xF188];
	_ =	sdelay $0x2  }
0x210: {  	s0 =	sshll.u32 @p1 s3, $0x9  }
0x211: {  	s4 =	sshrl.u32 @p1 s0, $0x2  }
0x212: {  	[tilespmem:s4+$0xF238] =	vst.add.f32.msk @p1 $0xffff, v1  }
0x213: {  	v1 =	vld @p1 [tilespmem:$0xF198];
	_ =	sdelay $0x4  }
0x214: {  	[tilespmem:s4+$0xF248] =	vst.add.f32.msk @p1 $0xffff, v1  }
0x215: {  	v1 =	vld @p1 [tilespmem:$0xF1A8];
	_ =	sdelay $0x4  }
0x216: {  	[tilespmem:s4+$0xF258] =	vst.add.f32.msk @p1 $0xffff, v1  }
0x217: {  	v1 =	vld @p1 [tilespmem:$0xF1B8];
	_ =	sdelay $0x4  }
0x218: {  	[tilespmem:s4+$0xF268] =	vst.add.f32.msk @p1 $0xffff, v1  }
0x219: {  	v1 =	vld @p1 [tilespmem:$0xF1C8];
	_ =	sdelay $0x4  }
0x21a: {  	[tilespmem:s4+$0xF278] =	vst.add.f32.msk @p1 $0xffff, v1  }
0x21b: {  	v1 =	vld @p1 [tilespmem:$0xF1D8];
	_ =	sdelay $0x4  }
0x21c: {  	[tilespmem:s4+$0xF288] =	vst.add.f32.msk @p1 $0xffff, v1  }
0x21d: {  	v1 =	vld @p1 [tilespmem:$0xF1E8];
	_ =	sdelay $0x4  }
0x21e: {  	[tilespmem:s4+$0xF298] =	vst.add.f32.msk @p1 $0xffff, v1  }
0x21f: {  	v1 =	vld @p1 [tilespmem:$0xF1F8];
	_ =	sdelay $0x3  }
0x220: {  	s5 =	sshll.u32 @!p1 s3, $0x9  }
0x221: {  	s5 =	smov.u32 @p1 s0;
	[tilespmem:s4+$0xF2A8] =	vst.add.f32.msk @p1 $0xffff, v1  }
0x222: {  	s0 =	sshrl.u32 s5, $0x2;
	[tilespmem:s2+$0xF218] =	vst.msk $0x1, v0  }
0x223: {  	v0 =	vld [tilespmem:s0+$0xF238];
	_ =	sdelay $0x2  }
0x224: {  	s31 =	sshll.u32 s2, $0x9  }
0x225: {  	s4 =	sshra.s32 s31, $0x2  }
0x226: {  	[tilespmem:s4+$0xF238] =	vst v0  }
0x227: {  	v0 =	vld [tilespmem:s0+$0xF248];
	_ =	sdelay $0x4  }
0x228: {  	[tilespmem:s4+$0xF248] =	vst v0  }
0x229: {  	v0 =	vld [tilespmem:s0+$0xF258];
	_ =	sdelay $0x4  }
0x22a: {  	[tilespmem:s4+$0xF258] =	vst v0  }
0x22b: {  	v0 =	vld [tilespmem:s0+$0xF268];
	_ =	sdelay $0x4  }
0x22c: {  	[tilespmem:s4+$0xF268] =	vst v0  }
0x22d: {  	v0 =	vld [tilespmem:s0+$0xF278];
	_ =	sdelay $0x4  }
0x22e: {  	[tilespmem:s4+$0xF278] =	vst v0  }
0x22f: {  	v0 =	vld [tilespmem:s0+$0xF288];
	_ =	sdelay $0x4  }
0x230: {  	[tilespmem:s4+$0xF288] =	vst v0  }
0x231: {  	v0 =	vld [tilespmem:s0+$0xF298];
	_ =	sdelay $0x4  }
0x232: {  	[tilespmem:s4+$0xF298] =	vst v0  }
0x233: {  	v0 =	vld [tilespmem:s0+$0xF2A8];
	_ =	sdelay $0x4  }
0x234: {  	s2 =	sadd.s32 $0x1, s2;
	[tilespmem:s4+$0xF2A8] =	vst v0  }
.LBB2_48:
0x235: {  	s3 =	sadd.s32 $0x1, s3  }
0x236: {  	p1 =	sne.s32 s3, $0x20  }
.Ltmp32:
0x237: {  	_ = 	snop;
	(pc) =	sbr.rel @!p1 .LBB2_49-.Ltmp32, $1  }
0x238: {  	_ =	sdelay $0x3  }
.LBB2_41:
0x239: {  	v0 =	vld.msk [tilespmem:s3+$0xF218], $0x1;
	_ =	sdelay $0x4  }
0x23a: {  	(v2sf) =	vpush v0, $0x0;
	_ =	sdelay $0xe  }
0x23b: {  	s4 =	spop (v2sf)  }
0x23c: {  	p1 =	seq.s32 s4, $0xFFFFFFFF  }
.Ltmp33:
0x23d: {  	_ = 	snop;
	(pc) =	sbr.rel @p1 .LBB2_48-.Ltmp33, $1  }
0x23e: {  	_ =	sdelay $0x3  }
0x23f: {  	p1 =	slt.s32 s2, $0x1  }
.Ltmp34:
0x240: {  	_ = 	snop;
	(pc) =	sbr.rel @p1 .LBB2_47-.Ltmp34, $1  }
0x241: {  	_ =	sdelay $0x3  }
0x242: {  	s5 =	simm.s32 $0xF218;
	p1 =	por $0x0, $0x0  }
0x243: {  	v1 =	vld.msk @!p1 [tilespmem:s5+$0x0], $0x1;
	_ =	sdelay $0x4  }
0x244: {  	(v2sf) =	vpush @!p1 v1, $0x0;
	_ =	sdelay $0xd  }
0x245: {  	p3 =	sne.s32 s2, $0x1  }
.Ltmp35:
0x246: {  	s0 =	spop @!p1 (v2sf);
	(pc) =	sbr.rel @!p3 .LBB2_45-.Ltmp35, $4  }
0x247: {  	p2 =	seq.s32 @!p1 s4, s0  }
0x248: {  	s6 =	simm.s32 $0x0;
	p2 =	por !p2, p1  }
0x249: {  	s7 =	simm.s32 $0xFFFFFFFF;
	s6 =	simm.s32 @p2 $0xFFFFFFFF  }
0x24a: {  	s0 =	simm.s32 $0x1;
	s6 =	smov.u32 @p1 s7  }
.LBB2_44:
0x24b: {  	s7 =	smov.u32 s6;
	p1 =	sne.s32 s6, $0xFFFFFFFF  }
0x24c: {  	s5 =	sadd.s32 $0x1, s5;
	s6 =	smov.u32 s0;
	s0 =	sadd.s32 $0x1, s0  }
0x24d: {  	p2 =	sne.s32 s2, s0;
	v1 =	vld.msk @!p1 [tilespmem:s5+$0x0], $0x1;
	_ =	sdelay $0x4  }
0x24e: {  	(v2sf) =	vpush @!p1 v1, $0x0;
	_ =	sdelay $0xe  }
.Ltmp36:
0x24f: {  	s8 =	spop @!p1 (v2sf);
	(pc) =	sbr.rel @p2 .LBB2_44-.Ltmp36, $4  }
0x250: {  	p3 =	seq.s32 @!p1 s4, s8  }
0x251: {  	p3 =	por !p3, p1  }
0x252: {  	s6 =	simm.s32 @p3 $0xFFFFFFFF  }
0x253: {  	s6 =	smov.u32 @p1 s7  }
.LBB2_45:
0x254: {  	p1 =	seq.s32 s6, $0xFFFFFFFF  }
.Ltmp37:
0x255: {  	_ = 	snop;
	(pc) =	sbr.rel @p1 .LBB2_47-.Ltmp37, $1  }
0x256: {  	_ =	sdelay $0x3  }
0x257: {  	s0 =	sshll.u32 s3, $0x7  }
0x258: {  	s0 =	sand.u32 $0x3FFFFF80, s0  }
0x259: {  	v0 =	vld [tilespmem:s0+$0xF238];
	_ =	sdelay $0x2  }
0x25a: {  	s4 =	sshll.u32 s6, $0x9  }
0x25b: {  	s4 =	sshra.s32 s4, $0x2  }
0x25c: {  	[tilespmem:s4+$0xF238] =	vst.add.f32.msk $0xffff, v0  }
0x25d: {  	v0 =	vld [tilespmem:s0+$0xF248];
	_ =	sdelay $0x4  }
0x25e: {  	[tilespmem:s4+$0xF248] =	vst.add.f32.msk $0xffff, v0  }
0x25f: {  	v0 =	vld [tilespmem:s0+$0xF258];
	_ =	sdelay $0x4  }
0x260: {  	[tilespmem:s4+$0xF258] =	vst.add.f32.msk $0xffff, v0  }
0x261: {  	v0 =	vld [tilespmem:s0+$0xF268];
	_ =	sdelay $0x4  }
0x262: {  	[tilespmem:s4+$0xF268] =	vst.add.f32.msk $0xffff, v0  }
0x263: {  	v0 =	vld [tilespmem:s0+$0xF278];
	_ =	sdelay $0x4  }
0x264: {  	[tilespmem:s4+$0xF278] =	vst.add.f32.msk $0xffff, v0  }
0x265: {  	v0 =	vld [tilespmem:s0+$0xF288];
	_ =	sdelay $0x4  }
0x266: {  	[tilespmem:s4+$0xF288] =	vst.add.f32.msk $0xffff, v0  }
0x267: {  	v0 =	vld [tilespmem:s0+$0xF298];
	_ =	sdelay $0x4  }
0x268: {  	[tilespmem:s4+$0xF298] =	vst.add.f32.msk $0xffff, v0  }
0x269: {  	v0 =	vld [tilespmem:s0+$0xF2A8]  }
.Ltmp38:
0x26a: {  	_ = 	snop;
	(pc) =	sbr.rel .LBB2_48-.Ltmp38, $2  }
0x26b: {  	_ =	sdelay $0x2  }
0x26c: {  	[tilespmem:s4+$0xF2A8] =	vst.add.f32.msk $0xffff, v0  }
.LBB2_49:
0x26d: {  	p1 =	slt.s32 s2, $0x1  }
.Ltmp39:
0x26e: {  	_ = 	snop;
	(pc) =	sbr.rel @p1 .LBB2_53-.Ltmp39, $3  }
0x26f: {  	_ =	sdelay $0x1  }
0x270: {  	s0 =	simm.s32 $0x8  }
0x271: {  	s3 =	simm.s32 $0x0;
	[sflag:s0] =	ssyncpa.u1 $0x1  }
0x272: {  	s0 =	simm.s32 $0xF218  }
0x273: {  	v0 =	vld.msk [tilespmem:s0+$0x0], $0x1;
	_ =	sdelay $0x4  }
0x274: {  	(v2sf) =	vpush v0, $0x0;
	_ =	sdelay $0xe  }
0x275: {  	s0 =	sadd.s32 $0xFFFFFFFF, s2;
	s5 =	spop (v2sf)  }
0x276: {  	p2 =	sne.s32 s0, $0x0;
	p1 =	sgt.u32 s5, $0x270F0  }
.Ltmp40:
0x277: {  	s6 =	sand.u32 @!p1 $0x3FFF8, s5;
	(pc) =	sbr.rel @!p2 .LBB2_52-.Ltmp40, $4  }
0x278: {  	s4 =	simm.s32 $0xF238;
	s5 =	sand.u32 @!p1 $0x7, s5;
	s2 =	sadd.s32 @!p1 s1, s6  }
0x279: {  	[hbm4b:s2+s5] =	stream.linear.scatter @!p1 [tilespmem:s4], [sflag:$0x7], $0x80, $0x38;
	[tilespmem:$0x1F6F8] =	vst v63  }
0x27a: {  	s5 =	simm.s32 $0x0  }
0x27b: {  	s2 =	simm.s32 $0xF219;
	s5 =	simm.s32 @!p1 $0x200  }
.LBB2_51:
0x27c: {  	v0 =	vld.msk [tilespmem:s2+$0x0], $0x1;
	s0 =	sadd.s32 $0xFFFFFFFF, s0;
	s3 =	sadd.s32 s3, s5  }
0x27d: {  	p1 =	sne.s32 s0, $0x0;
	_ =	sdelay $0x3  }
0x27e: {  	(v2sf) =	vpush v0, $0x0;
	_ =	sdelay $0xe  }
.Ltmp41:
0x27f: {  	s6 =	spop (v2sf);
	(pc) =	sbr.rel @p1 .LBB2_51-.Ltmp41, $4  }
0x280: {  	s5 =	simm.s32 $0x0;
	p2 =	sgt.u32 s6, $0x270F0  }
0x281: {  	s4 =	sadd.s32 $0x80, s4;
	s5 =	simm.s32 @!p2 $0x200;
	s7 =	sand.u32 @!p2 $0x3FFF8, s6  }
0x282: {  	s2 =	sadd.s32 $0x1, s2;
	s6 =	sand.u32 @!p2 $0x7, s6;
	s7 =	sadd.s32 @!p2 s1, s7  }
0x283: {  	[hbm4b:s7+s6] =	stream.linear.scatter @!p2 [tilespmem:s4], [sflag:$0x7], $0x80, $0x38;
	[tilespmem:$0x1F6F8] =	vst v63  }
.LBB2_52:
0x284: {  	s0 =	sadd.s32 s3, s5  }
0x285: {  	s3 =	sshrl.u32 s0, $0x2  }
.LBB2_53:
0x286: {  	s0 =	simm.s32 $0x7  }
0x287: {  	_ =	swait.ge [sflag:s0], s3  }
0x288: {  	s1 =	ssub.s32 $0x0, s3;
	[sflag:s0] =	ssyncset.done $0x0  }
0x289: {  	[sflag:s0] =	ssyncadd.s32 s1  }
0x28a: {  	[sflag:s0] =	ssyncpa.u1 $0x1  }
.LBB2_54:
0x28b: {  	_ =	sfence;
	s0 =	simm.s32 $0x1  }
0x28c: {  	[sflag:s0] =	ssyncpa.u1 $0x1  }
0x28d: {  	_ =	strace $0x90000050  }
0x28e: {  	[bflag:$0x2] =	sbarrier.arrive $0xFFFF  }
0x28f: {  	s0 =	rddreg [dreg:$0x3]  }
0x290: {  	s0 =	sadd.s32 @!p0 $0x100000, s0  }
0x291: {  	[sflag:s0] =	ssyncadd.tile.s32 @!p0 $0x1;
	_ =	shalt  }
.Lfunc_end2:
_tile_overlayer_lowered:
.L_overlay_start_2:
0x292: {  	(tag) =	ssettag $0x2  }
0x293: {  	s0 =	rddreg [dreg:$0x0];
	s2 =	stileid.u32  }
0x294: {  	s1 =	rddreg [dreg:$0x1];
	p0 =	sne.s32 s2, $0x0  }
0x295: {  	s3 =	rddreg [dreg:$0x2];
	[bflag:$0x3] =	sbarrier.arrive $0xFFFF;
	s2 =	simm.s32 @!p0 $0x1C01  }
0x296: {  	[timem:s3], [sflag:s2] =	dma.local @!p0 [hbm:s0], s1  }
0x297: {  	s0 =	simm.s32 @!p0 $0x1  }
0x298: {  	_ =	swait.ge @!p0 [sflag:s0], s1  }
0x299: {  	s1 =	ssub.s32 @!p0 $0x0, s1;
	[sflag:s0] =	ssyncset.done @!p0 $0x0  }
0x29a: {  	[sflag:s0] =	ssyncadd.s32 @!p0 s1  }
0x29b: {  	[bflag:$0x3] =	sbarrier.arrive $0xFFFF  }
0x29c: {  	_ =	shalt  }

// kernel: scatter_offload_async_start
scs
__scs_entry_jumppad:
0x0: {  	(pc) =	sbr.rel $0x88, $3  }
0x1: {  	(tag) =	ssettag $0x0;
	lr =	simm.s32 $0x1  }
0x2: {  	[smem:$0x3F8C] =	sst lr;
	_ =	strace $0xD0000000  }
0x3: {  	_ = 	snop  }
0x4: {  	_ = 	snop  }
0x5: {  	_ = 	snop  }
0x6: {  	_ = 	snop  }
0x7: {  	_ = 	snop  }
__scs_overlays_trampoline_lowered:
0x8: {  	[smem:$0x3F9B] =	sst s0  }
0x9: {  	[smem:$0x3F9C] =	sst s1  }
0xa: {  	[smem:$0x3F9D] =	sst s2  }
0xb: {  	[smem:$0x3F9E] =	sst s3  }
0xc: {  	[smem:$0x3F9F] =	sst s4  }
0xd: {  	[smem:$0x3FA0] =	sst s5  }
0xe: {  	[smem:$0x3FA1] =	sst s6  }
0xf: {  	[smem:$0x3FA2] =	sst s7  }
0x10: {  	[smem:$0x3FA3] =	sst s8  }
0x11: {  	[smem:$0x3FA4] =	sst s9;
	s0 =	simm.s32 @!p0 $0x0  }
0x12: {  	s1 =	sld [smem:$0x3F8A];
	s0 =	simm.s32 @p0 $0x1  }
0x13: {  	[smem:$0x3FA5] =	sst s0;
	s0 =	simm.s32 @!p1 $0x0  }
0x14: {  	s2 =	sld [smem:$0x3F89];
	s0 =	simm.s32 @p1 $0x1  }
0x15: {  	[smem:$0x3FA6] =	sst s0;
	s0 =	simm.s32 @!p2 $0x0  }
0x16: {  	s3 =	sld [smem:$0x3FDB];
	s0 =	simm.s32 @p2 $0x1  }
0x17: {  	s4 =	simm.s32 $0x1BF5;
	[smem:$0x3FA8] =	sst s0  }
0x18: {  	s0 =	sld [smem:$0x3F8B];
	_ =	swait.ge [sflag:s4], $0x0  }
0x19: {  	s7 =	sld [smem:$0x3F8C]  }
0x1a: {  	s8 =	sadd.s32 $0xFFFFE003, lr  }
0x1b: {  	s9 =	sadd.s32 $0xFFFFFEF7, lr;
	s5 =	simm.s32 $0xFFFFFFFF;
	p2 =	slt.u32 s8, $0xFFFFF086  }
0x1c: {  	p1 =	slt.u32 s9, $0xF7A;
	s5 =	simm.s32 @!p2 $0x0  }
0x1d: {  	s5 =	simm.s32 @p1 $0x1;
	p0 =	seq.s32 s7, s2  }
0x1e: {  	s7 =	smul.u32 @!p0 $0xF7A, s2;
	p2 =	seq.s32 @!p0 s5, $0x0  }
0x1f: {  	s9 =	smul.u32 $0xF7A, s1;
	s8 =	simm.s32 @!p0 $0x1BF5;
	p2 =	por !p2, p0  }
0x20: {  	[sflag:s8] =	ssyncset.s32 @!p0 $0xFFFFF086;
	s6 =	sadd.s32 @!p0 s3, s7;
	s7 =	simm.s32 @!p0 $0x108  }
0x21: {  	s3 =	sadd.s32 s3, s9;
	s6 =	sadd.s32 @!p0 $0x88, s6;
	s7 =	simm.s32 @p2 $0x1082  }
0x22: {  	[simem:s7], [sflag:s8] =	dma.local @!p0 [hbm:s6], $0xF7A  }
0x23: {  	s9 =	sor.u32 $0xD0000000, s2;
	s6 =	simm.s32 $0x108;
	_ =	swait.ge @!p0 [sflag:s8], $0x0  }
0x24: {  	s3 =	sadd.s32 $0x88, s3;
	s6 =	simm.s32 @!p1 $0x1082;
	[sflag:s4] =	ssyncset.s32 $0xFFFFF086  }
0x25: {  	[simem:s6], [sflag:s4] =	dma.local [hbm:s3], $0xF7A  }
0x26: {  	[smem:$0x3F8C] =	sst s1;
	(tag) =	ssettag s2;
	_ =	strace s9  }
0x27: {  	s1 =	sld [smem:$0x3F9C]  }
0x28: {  	s2 =	sld [smem:$0x3F9D]  }
0x29: {  	s4 =	sld [smem:$0x3F9F]  }
0x2a: {  	p0 =	seq.s32 s5, $0x0;
	s5 =	sld [smem:$0x3FA0]  }
0x2b: {  	s6 =	sld [smem:$0x3FA1]  }
0x2c: {  	s7 =	sld [smem:$0x3FA2]  }
0x2d: {  	s3 =	simm.s32 $0x108;
	s8 =	sld [smem:$0x3FA3]  }
0x2e: {  	s3 =	simm.s32 @!p0 $0x1082;
	s9 =	sld [smem:$0x3FA4]  }
0x2f: {  	lr =	sadd.s32 s0, s3;
	s0 =	sld [smem:$0x3F9B]  }
0x30: {  	s3 =	sld [smem:$0x3F9E]  }
0x31: {  	[smem:$0x3FA7] =	sst s10  }
0x32: {  	s10 =	sld [smem:$0x3FA5];
	_ =	sdelay $0x3  }
0x33: {  	p0 =	seq.s32 s10, $0x1;
	s10 =	sld [smem:$0x3FA7];
	_ =	sdelay $0x3  }
0x34: {  	[smem:$0x3FA7] =	sst s10  }
0x35: {  	s10 =	sld [smem:$0x3FA6];
	_ =	sdelay $0x3  }
0x36: {  	p1 =	seq.s32 s10, $0x1;
	s10 =	sld [smem:$0x3FA7];
	_ =	sdelay $0x3  }
0x37: {  	[smem:$0x3FA7] =	sst s10  }
0x38: {  	s10 =	sld [smem:$0x3FA8]  }
0x39: {  	_ = 	snop;
	(pc) =	sbr.ind lr, $3  }
0x3a: {  	_ = 	snop  }
0x3b: {  	_ = 	snop  }
0x3c: {  	p2 =	seq.s32 s10, $0x1;
	s10 =	sld [smem:$0x3FA7]  }
0x3d: {  	_ =	shalt  }
0x3e: {  	_ =	shalt  }
0x3f: {  	_ =	shalt  }
0x40: {  	_ =	shalt  }
0x41: {  	_ =	shalt  }
0x42: {  	_ =	shalt  }
0x43: {  	_ =	shalt  }
0x44: {  	_ =	shalt  }
0x45: {  	_ =	shalt  }
0x46: {  	_ =	shalt  }
0x47: {  	_ =	shalt  }
0x48: {  	_ =	shalt  }
0x49: {  	_ =	shalt  }
0x4a: {  	_ =	shalt  }
0x4b: {  	_ =	shalt  }
0x4c: {  	_ =	shalt  }
0x4d: {  	_ =	shalt  }
0x4e: {  	_ =	shalt  }
0x4f: {  	_ =	shalt  }
0x50: {  	_ =	shalt  }
0x51: {  	_ =	shalt  }
0x52: {  	_ =	shalt  }
0x53: {  	_ =	shalt  }
0x54: {  	_ =	shalt  }
0x55: {  	_ =	shalt  }
0x56: {  	_ =	shalt  }
0x57: {  	_ =	shalt  }
0x58: {  	_ =	shalt  }
0x59: {  	_ =	shalt  }
0x5a: {  	_ =	shalt  }
0x5b: {  	_ =	shalt  }
0x5c: {  	_ =	shalt  }
0x5d: {  	_ =	shalt  }
0x5e: {  	_ =	shalt  }
0x5f: {  	_ =	shalt  }
0x60: {  	_ =	shalt  }
0x61: {  	_ =	shalt  }
0x62: {  	_ =	shalt  }
0x63: {  	_ =	shalt  }
0x64: {  	_ =	shalt  }
0x65: {  	_ =	shalt  }
0x66: {  	_ =	shalt  }
0x67: {  	_ =	shalt  }
0x68: {  	_ =	shalt  }
0x69: {  	_ =	shalt  }
0x6a: {  	_ =	shalt  }
0x6b: {  	_ =	shalt  }
0x6c: {  	_ =	shalt  }
0x6d: {  	_ =	shalt  }
0x6e: {  	_ =	shalt  }
0x6f: {  	_ =	shalt  }
0x70: {  	_ =	shalt  }
0x71: {  	_ =	shalt  }
0x72: {  	_ =	shalt  }
0x73: {  	_ =	shalt  }
0x74: {  	_ =	shalt  }
0x75: {  	_ =	shalt  }
0x76: {  	_ =	shalt  }
0x77: {  	_ =	shalt  }
0x78: {  	_ =	shalt  }
0x79: {  	_ =	shalt  }
0x7a: {  	_ =	shalt  }
0x7b: {  	_ =	shalt  }
0x7c: {  	_ =	shalt  }
0x7d: {  	_ =	shalt  }
0x7e: {  	_ =	shalt  }
0x7f: {  	_ =	shalt  }
0x80: {  	_ =	shalt  }
0x81: {  	_ =	shalt  }
0x82: {  	_ =	shalt  }
0x83: {  	_ =	shalt  }
0x84: {  	_ =	shalt  }
0x85: {  	_ =	shalt  }
0x86: {  	_ =	shalt  }
0x87: {  	_ =	shalt  }
.Lfunc_end0:
.L_simem_size_0:
called_computation_lowered:
.L_overlay_start_0:
0x88: {  	s2 =	sld [smem:$0x3FD9]  }
0x89: {  	s3 =	sld [smem:$0x3FFE];
	_ =	sdelay $0x1  }
0x8a: {  	s1 =	srdreg.scid  }
0x8b: {  	s0 =	sand.u32 $0x1, s1  }
0x8c: {  	s17 =	sshll.u32 s0, $0xA;
	s2 =	sadd.s32 s3, s2  }
0x8d: {  	s2 =	sadd.s32 s2, s17  }
0x8e: {  	[smem:$0x3FB3] =	sst s2  }
0x8f: {  	_ = 	snop  }
0x90: {  	(tm) =	ssettm $0x1  }
0x91: {  	s18 =	sld [smem:$0x3FFB];
	_ =	sdelay $0x3  }
0x92: {  	_ =	strace s18  }
0x93: {  	s2 =	sld [smem:$0x3FFC];
	_ =	sdelay $0x3  }
0x94: {  	_ =	strace s2  }
0x95: {  	s2 =	sld [smem:$0x3FFD];
	_ =	sdelay $0x3  }
0x96: {  	_ =	strace s2  }
0x97: {  	_ =	strace $0x8FFFFFFF  }
0x98: {  	s19 =	sld [smem:$0x3FDB];
	_ =	sdelay $0x1  }
0x99: {  	s20 =	simm.s32 $_scs_section_size  }
0x9a: {  	s4 =	simm.s32 $_size__tile_overlayer_lowered;
	s5 =	simm.s32 $_tile_overlayer_lowered  }
0x9b: {  	s6 =	simm.s32 $0x1BFF;
	s21 =	sshll.u32 s5, $0x1;
	s3 =	sadd.s32 s20, s19  }
0x9c: {  	s22 =	simm.s32 $0x0;
	s4 =	sshll.u32 s4, $0x1;
	s5 =	sadd.s32 s21, s3  }
0x9d: {  	[timem:s22], [sflag:s6] =	dma.local [hbm:s5], s4  }
0x9e: {  	_ =	swait.ge [sflag:s6], s4  }
0x9f: {  	s4 =	ssub.s32 $0x0, s4;
	[sflag:s6] =	ssyncset.done $0x0  }
0xa0: {  	[sflag:s6] =	ssyncadd.s32 s4;
	_ =	sdelay $0x1  }
0xa1: {  	s23 =	simm.s32 $0x1B8B  }
0xa2: {  	_ =	swait.ge [sflag:s23], $0x1  }
0xa3: {  	[sflag:s23] =	ssyncset.done $0x0  }
0xa4: {  	[sflag:s23] =	ssyncadd.s32 $0xFFFFFFFF  }
0xa5: {  	s4 =	sld [smem:$0x0]  }
0xa6: {  	s5 =	sand.u32 $0xFFFFFFFE, s1  }
0xa7: {  	p0 =	sne.s32 s1, s5  }
0xa8: {  	s5 =	sshll.u32 @p0 s5, $0xE  }
0xa9: {  	s5 =	sadd.s32 @p0 $0x11B8D, s5;
	s6 =	sshll.u32 @p0 s4, $0x11  }
0xaa: {  	s5 =	sor.u32 @p0 s6, s5  }
0xab: {  	[sflag:s5] =	ssyncadd.remote.s32 @p0 $0x1;
	_ =	sdelay $0x1  }
0xac: {  	s5 =	simm.s32 @p0 $0x1B8D  }
0xad: {  	_ =	swait.eq @p0 [sflag:s5], $0x1  }
0xae: {  	[sflag:s5] =	ssyncadd.s32 @p0 $0xFFFFFFFF  }
0xaf: {  	s6 =	sshll.u32 @!p0 s1, $0xE  }
0xb0: {  	s6 =	sor.u32 @!p0 $0x4000, s6;
	s5 =	simm.s32 @!p0 $0x1B8D  }
0xb1: {  	s7 =	sshll.u32 @!p0 s4, $0x11;
	s6 =	sadd.s32 @!p0 $0x11B8D, s6;
	_ =	swait.eq @!p0 [sflag:s5], $0x1  }
0xb2: {  	[sflag:s5] =	ssyncadd.s32 @!p0 $0xFFFFFFFF;
	s5 =	sor.u32 @!p0 s7, s6  }
0xb3: {  	s25 =	simm.s32 $0x1B8E;
	s24 =	sld [smem:$0x3FFE];
	[sflag:s5] =	ssyncadd.remote.s32 @!p0 $0x1  }
0xb4: {  	s26 =	simm.s32 $execute0_lowered;
	[smem:$0x3FD2] =	sst s25  }
0xb5: {  	s6 =	sshll.u32 s26, $0x1;
	_ =	strace $0x8000004C;
	[dreg:$0x1] =	wrdreg $0xFFFFFFFF  }
0xb6: {  	s28 =	simm.s32 $_size_execute0_lowered;
	s3 =	sadd.s32 s3, s6;
	[dreg:$0x0] =	wrdreg $0x0  }
0xb7: {  	s6 =	sshll.u32 s28, $0x1;
	[dreg:$0x2] =	wrdreg s3  }
0xb8: {  	[dreg:$0x3] =	wrdreg s6  }
0xb9: {  	[dreg:$0x4] =	wrdreg $0xC0  }
0xba: {  	_ =	task [dreg:s22], $0x5FFFF  }
0xbb: {  	[dreg:$0x1] =	wrdreg $0xFFFFFFFF  }
0xbc: {  	[dreg:$0x0] =	wrdreg $0x60  }
0xbd: {  	[dreg:$0x2] =	wrdreg s24  }
0xbe: {  	[dreg:$0x3] =	wrdreg s1  }
0xbf: {  	[dreg:$0x4] =	wrdreg s4  }
0xc0: {  	[dreg:$0x5] =	wrdreg $0x9  }
0xc1: {  	_ =	task.clear_ibuf [dreg:s22], $0x6FFFF;
	_ =	strace $0x9000004C  }
0xc2: {  	s29 =	simm.s32 $0x9;
	_ =	strace $0x8000004E  }
0xc3: {  	_ =	swait.ge [sflag:s29], $0x1  }
0xc4: {  	[sflag:s29] =	ssyncadd.s32 $0xFFFFFFFF  }
0xc5: {  	_ =	strace $0x9000004E  }
0xc6: {  	_ =	sfence  }
0xc7: {  	s30 =	sld [smem:$0x0];
	_ =	sdelay $0x2  }
0xc8: {  	s31 =	sshll.u32 s1, $0xD;
	s1 =	sshrl.u32 s1, $0x2  }
0xc9: {  	s4 =	sand.u32 $0x4000, s31;
	s1 =	sadd.s32 s1, s30  }
0xca: {  	s0 =	sor.u32 s4, s0;
	s1 =	sshll.u32 s1, $0x11  }
0xcb: {  	s0 =	sor.u32 s1, s0  }
0xcc: {  	s0 =	sadd.s32 $0x8F2B, s0  }
0xcd: {  	[sflag:s0] =	ssyncadd.remote.s32 $0x1  }
0xce: {  	_ =	sfence.sel $0xFFFF  }
0xcf: {  	[dreg:$0x0] =	wrdreg $0xFFFFFFFF;
	(pc) =	sbr.abs _section_cstart, $3  }
0xd0: {  	[dreg:$0x1] =	wrdreg $0xFFFFFFFF  }
0xd1: {  	_ =	task.clear_ibuf [dreg:s22], $0x2FFFF;
	_ =	strace $0x9FFFFFFF  }
0xd2: {  	(tm) =	ssettm $0x7FFFFFFF  }
0xd3: {  	_ =	shalt  }
tec
execute0_lowered:
.L_overlay_start_1:
0x0: {  	(tag) =	ssettag $0x1  }
0x1: {  	s11 =	rddreg [dreg:$0x0]  }
0x2: {  	s2 =	rddreg [dreg:$0x1];
	_ =	strace $0x8000004D;
	s12 =	simm.s32 $0x1  }
0x3: {  	v0 =	vimm.s32 $0x0;
	[sflag:s12] =	ssyncpa.u1 $0x0  }
0x4: {  	[tilespmem:$0x28] =	vst v0  }
0x5: {  	[tilespmem:$0x38] =	vst v0  }
0x6: {  	[tilespmem:$0x48] =	vst v0  }
0x7: {  	[tilespmem:$0x58] =	vst v0  }
0x8: {  	[tilespmem:$0x68] =	vst v0  }
0x9: {  	[tilespmem:$0x78] =	vst v0  }
0xa: {  	[tilespmem:$0x88] =	vst v0  }
0xb: {  	[tilespmem:$0x98] =	vst v0  }
0xc: {  	[tilespmem:$0xA8] =	vst v0  }
0xd: {  	[tilespmem:$0xB8] =	vst v0  }
0xe: {  	[tilespmem:$0xC8] =	vst v0  }
0xf: {  	[tilespmem:$0xD8] =	vst v0  }
0x10: {  	[tilespmem:$0xE8] =	vst v0  }
0x11: {  	[tilespmem:$0xF8] =	vst v0  }
0x12: {  	[tilespmem:$0x108] =	vst v0  }
0x13: {  	[tilespmem:$0x118] =	vst v0  }
0x14: {  	[tilespmem:$0x128] =	vst v0  }
0x15: {  	[tilespmem:$0x138] =	vst v0  }
0x16: {  	[tilespmem:$0x148] =	vst v0  }
0x17: {  	[tilespmem:$0x158] =	vst v0  }
0x18: {  	[tilespmem:$0x168] =	vst v0  }
0x19: {  	[tilespmem:$0x178] =	vst v0  }
0x1a: {  	[tilespmem:$0x188] =	vst v0  }
0x1b: {  	[tilespmem:$0x198] =	vst v0  }
0x1c: {  	[tilespmem:$0x1A8] =	vst v0  }
0x1d: {  	[tilespmem:$0x1B8] =	vst v0  }
0x1e: {  	[tilespmem:$0x1C8] =	vst v0  }
0x1f: {  	[tilespmem:$0x1D8] =	vst v0  }
0x20: {  	[tilespmem:$0x1E8] =	vst v0  }
0x21: {  	[tilespmem:$0x1F8] =	vst v0  }
0x22: {  	[tilespmem:$0x208] =	vst v0  }
0x23: {  	[tilespmem:$0x218] =	vst v0  }
0x24: {  	[tilespmem:$0x228] =	vst v0  }
0x25: {  	[tilespmem:$0x238] =	vst v0  }
0x26: {  	[tilespmem:$0x248] =	vst v0  }
0x27: {  	[tilespmem:$0x258] =	vst v0  }
0x28: {  	[tilespmem:$0x268] =	vst v0  }
0x29: {  	[tilespmem:$0x278] =	vst v0  }
0x2a: {  	[tilespmem:$0x288] =	vst v0  }
0x2b: {  	[tilespmem:$0x298] =	vst v0  }
0x2c: {  	[tilespmem:$0x2A8] =	vst v0  }
0x2d: {  	[tilespmem:$0x2B8] =	vst v0  }
0x2e: {  	[tilespmem:$0x2C8] =	vst v0  }
0x2f: {  	[tilespmem:$0x2D8] =	vst v0  }
0x30: {  	[tilespmem:$0x2E8] =	vst v0  }
0x31: {  	[tilespmem:$0x2F8] =	vst v0  }
0x32: {  	[tilespmem:$0x308] =	vst v0  }
0x33: {  	[tilespmem:$0x318] =	vst v0  }
0x34: {  	[tilespmem:$0x328] =	vst v0  }
0x35: {  	[tilespmem:$0x338] =	vst v0  }
0x36: {  	[tilespmem:$0x348] =	vst v0  }
0x37: {  	[tilespmem:$0x358] =	vst v0  }
0x38: {  	[tilespmem:$0x368] =	vst v0  }
0x39: {  	[tilespmem:$0x378] =	vst v0  }
0x3a: {  	[tilespmem:$0x388] =	vst v0  }
0x3b: {  	[tilespmem:$0x398] =	vst v0  }
0x3c: {  	[tilespmem:$0x3A8] =	vst v0  }
0x3d: {  	[tilespmem:$0x3B8] =	vst v0  }
0x3e: {  	[tilespmem:$0x3C8] =	vst v0  }
0x3f: {  	[tilespmem:$0x3D8] =	vst v0  }
0x40: {  	[tilespmem:$0x3E8] =	vst v0  }
0x41: {  	[tilespmem:$0x3F8] =	vst v0  }
0x42: {  	[tilespmem:$0x408] =	vst v0  }
0x43: {  	[tilespmem:$0x418] =	vst v0  }
0x44: {  	[tilespmem:$0x428] =	vst v0  }
0x45: {  	[tilespmem:$0x438] =	vst v0  }
0x46: {  	[tilespmem:$0x448] =	vst v0  }
0x47: {  	[tilespmem:$0x458] =	vst v0  }
0x48: {  	[tilespmem:$0x468] =	vst v0  }
0x49: {  	[tilespmem:$0x478] =	vst v0  }
0x4a: {  	[tilespmem:$0x488] =	vst v0  }
0x4b: {  	[tilespmem:$0x498] =	vst v0  }
0x4c: {  	[tilespmem:$0x4A8] =	vst v0  }
0x4d: {  	[tilespmem:$0x4B8] =	vst v0  }
0x4e: {  	[tilespmem:$0x4C8] =	vst v0  }
0x4f: {  	[tilespmem:$0x4D8] =	vst v0  }
0x50: {  	[tilespmem:$0x4E8] =	vst v0  }
0x51: {  	[tilespmem:$0x4F8] =	vst v0  }
0x52: {  	[tilespmem:$0x508] =	vst v0  }
0x53: {  	[tilespmem:$0x518] =	vst v0  }
0x54: {  	[tilespmem:$0x528] =	vst v0  }
0x55: {  	[tilespmem:$0x538] =	vst v0  }
0x56: {  	[tilespmem:$0x548] =	vst v0  }
0x57: {  	[tilespmem:$0x558] =	vst v0  }
0x58: {  	[tilespmem:$0x568] =	vst v0  }
0x59: {  	[tilespmem:$0x578] =	vst v0  }
0x5a: {  	[tilespmem:$0x588] =	vst v0  }
0x5b: {  	[tilespmem:$0x598] =	vst v0  }
0x5c: {  	[tilespmem:$0x5A8] =	vst v0  }
0x5d: {  	[tilespmem:$0x5B8] =	vst v0  }
0x5e: {  	[tilespmem:$0x5C8] =	vst v0  }
0x5f: {  	[tilespmem:$0x5D8] =	vst v0  }
0x60: {  	[tilespmem:$0x5E8] =	vst v0  }
0x61: {  	[tilespmem:$0x5F8] =	vst v0  }
0x62: {  	[tilespmem:$0x608] =	vst v0  }
0x63: {  	[tilespmem:$0x618] =	vst v0  }
0x64: {  	[tilespmem:$0x628] =	vst v0  }
0x65: {  	[tilespmem:$0x638] =	vst v0  }
0x66: {  	[tilespmem:$0x648] =	vst v0  }
0x67: {  	[tilespmem:$0x658] =	vst v0  }
0x68: {  	[tilespmem:$0x668] =	vst v0  }
0x69: {  	[tilespmem:$0x678] =	vst v0  }
0x6a: {  	[tilespmem:$0x688] =	vst v0  }
0x6b: {  	[tilespmem:$0x698] =	vst v0  }
0x6c: {  	[tilespmem:$0x6A8] =	vst v0  }
0x6d: {  	[tilespmem:$0x6B8] =	vst v0  }
0x6e: {  	[tilespmem:$0x6C8] =	vst v0  }
0x6f: {  	[tilespmem:$0x6D8] =	vst v0  }
0x70: {  	[tilespmem:$0x6E8] =	vst v0  }
0x71: {  	[tilespmem:$0x6F8] =	vst v0  }
0x72: {  	[tilespmem:$0x708] =	vst v0  }
0x73: {  	[tilespmem:$0x718] =	vst v0  }
0x74: {  	[tilespmem:$0x728] =	vst v0  }
0x75: {  	[tilespmem:$0x738] =	vst v0  }
0x76: {  	[tilespmem:$0x748] =	vst v0  }
0x77: {  	[tilespmem:$0x758] =	vst v0  }
0x78: {  	[tilespmem:$0x768] =	vst v0  }
0x79: {  	[tilespmem:$0x778] =	vst v0  }
0x7a: {  	[tilespmem:$0x788] =	vst v0  }
0x7b: {  	[tilespmem:$0x798] =	vst v0  }
0x7c: {  	[tilespmem:$0x7A8] =	vst v0  }
0x7d: {  	[tilespmem:$0x7B8] =	vst v0  }
0x7e: {  	[tilespmem:$0x7C8] =	vst v0  }
0x7f: {  	[tilespmem:$0x7D8] =	vst v0  }
0x80: {  	[tilespmem:$0x7E8] =	vst v0  }
0x81: {  	[tilespmem:$0x7F8] =	vst v0  }
0x82: {  	[tilespmem:$0x808] =	vst v0  }
0x83: {  	[tilespmem:$0x818] =	vst v0  }
0x84: {  	[tilespmem:$0x828] =	vst v0  }
0x85: {  	[tilespmem:$0x838] =	vst v0  }
0x86: {  	[tilespmem:$0x848] =	vst v0  }
0x87: {  	[tilespmem:$0x858] =	vst v0  }
0x88: {  	[tilespmem:$0x868] =	vst v0  }
0x89: {  	[tilespmem:$0x878] =	vst v0  }
0x8a: {  	[tilespmem:$0x888] =	vst v0  }
0x8b: {  	[tilespmem:$0x898] =	vst v0  }
0x8c: {  	[tilespmem:$0x8A8] =	vst v0  }
0x8d: {  	[tilespmem:$0x8B8] =	vst v0  }
0x8e: {  	[tilespmem:$0x8C8] =	vst v0  }
0x8f: {  	[tilespmem:$0x8D8] =	vst v0  }
0x90: {  	[tilespmem:$0x8E8] =	vst v0  }
0x91: {  	[tilespmem:$0x8F8] =	vst v0  }
0x92: {  	[tilespmem:$0x908] =	vst v0  }
0x93: {  	[tilespmem:$0x918] =	vst v0  }
0x94: {  	[tilespmem:$0x928] =	vst v0  }
0x95: {  	[tilespmem:$0x938] =	vst v0  }
0x96: {  	[tilespmem:$0x948] =	vst v0  }
0x97: {  	[tilespmem:$0x958] =	vst v0  }
0x98: {  	[tilespmem:$0x968] =	vst v0  }
0x99: {  	[tilespmem:$0x978] =	vst v0  }
0x9a: {  	[tilespmem:$0x988] =	vst v0  }
0x9b: {  	[tilespmem:$0x998] =	vst v0  }
0x9c: {  	[tilespmem:$0x9A8] =	vst v0  }
0x9d: {  	[tilespmem:$0x9B8] =	vst v0  }
0x9e: {  	[tilespmem:$0x9C8] =	vst v0  }
0x9f: {  	[tilespmem:$0x9D8] =	vst v0  }
0xa0: {  	[tilespmem:$0x9E8] =	vst v0  }
0xa1: {  	[tilespmem:$0x9F8] =	vst v0  }
0xa2: {  	[tilespmem:$0xA08] =	vst v0  }
0xa3: {  	[tilespmem:$0xA18] =	vst v0  }
0xa4: {  	[tilespmem:$0xA28] =	vst v0  }
0xa5: {  	[tilespmem:$0xA38] =	vst v0  }
0xa6: {  	[tilespmem:$0xA48] =	vst v0  }
0xa7: {  	[tilespmem:$0xA58] =	vst v0  }
0xa8: {  	[tilespmem:$0xA68] =	vst v0  }
0xa9: {  	[tilespmem:$0xA78] =	vst v0  }
0xaa: {  	[tilespmem:$0xA88] =	vst v0  }
0xab: {  	[tilespmem:$0xA98] =	vst v0  }
0xac: {  	[tilespmem:$0xAA8] =	vst v0  }
0xad: {  	[tilespmem:$0xAB8] =	vst v0  }
0xae: {  	[tilespmem:$0xAC8] =	vst v0  }
0xaf: {  	[tilespmem:$0xAD8] =	vst v0  }
0xb0: {  	[tilespmem:$0xAE8] =	vst v0  }
0xb1: {  	[tilespmem:$0xAF8] =	vst v0  }
0xb2: {  	[tilespmem:$0xB08] =	vst v0  }
0xb3: {  	[tilespmem:$0xB18] =	vst v0  }
0xb4: {  	[tilespmem:$0xB28] =	vst v0  }
0xb5: {  	[tilespmem:$0xB38] =	vst v0  }
0xb6: {  	[tilespmem:$0xB48] =	vst v0  }
0xb7: {  	[tilespmem:$0xB58] =	vst v0  }
0xb8: {  	[tilespmem:$0xB68] =	vst v0  }
0xb9: {  	[tilespmem:$0xB78] =	vst v0  }
0xba: {  	[tilespmem:$0xB88] =	vst v0  }
0xbb: {  	[tilespmem:$0xB98] =	vst v0  }
0xbc: {  	[tilespmem:$0xBA8] =	vst v0  }
0xbd: {  	[tilespmem:$0xBB8] =	vst v0  }
0xbe: {  	[tilespmem:$0xBC8] =	vst v0  }
0xbf: {  	[tilespmem:$0xBD8] =	vst v0  }
0xc0: {  	[tilespmem:$0xBE8] =	vst v0  }
0xc1: {  	[tilespmem:$0xBF8] =	vst v0  }
0xc2: {  	[tilespmem:$0xC08] =	vst v0  }
0xc3: {  	[tilespmem:$0xC18] =	vst v0  }
0xc4: {  	[tilespmem:$0xC28] =	vst v0  }
0xc5: {  	[tilespmem:$0xC38] =	vst v0  }
0xc6: {  	[tilespmem:$0xC48] =	vst v0  }
0xc7: {  	[tilespmem:$0xC58] =	vst v0  }
0xc8: {  	[tilespmem:$0xC68] =	vst v0  }
0xc9: {  	[tilespmem:$0xC78] =	vst v0  }
0xca: {  	[tilespmem:$0xC88] =	vst v0  }
0xcb: {  	[tilespmem:$0xC98] =	vst v0  }
0xcc: {  	[tilespmem:$0xCA8] =	vst v0  }
0xcd: {  	[tilespmem:$0xCB8] =	vst v0  }
0xce: {  	[tilespmem:$0xCC8] =	vst v0  }
0xcf: {  	[tilespmem:$0xCD8] =	vst v0  }
0xd0: {  	[tilespmem:$0xCE8] =	vst v0  }
0xd1: {  	[tilespmem:$0xCF8] =	vst v0  }
0xd2: {  	[tilespmem:$0xD08] =	vst v0  }
0xd3: {  	[tilespmem:$0xD18] =	vst v0  }
0xd4: {  	[tilespmem:$0xD28] =	vst v0  }
0xd5: {  	[tilespmem:$0xD38] =	vst v0  }
0xd6: {  	[tilespmem:$0xD48] =	vst v0  }
0xd7: {  	[tilespmem:$0xD58] =	vst v0  }
0xd8: {  	[tilespmem:$0xD68] =	vst v0  }
0xd9: {  	[tilespmem:$0xD78] =	vst v0  }
0xda: {  	[tilespmem:$0xD88] =	vst v0  }
0xdb: {  	[tilespmem:$0xD98] =	vst v0  }
0xdc: {  	[tilespmem:$0xDA8] =	vst v0  }
0xdd: {  	[tilespmem:$0xDB8] =	vst v0  }
0xde: {  	[tilespmem:$0xDC8] =	vst v0  }
0xdf: {  	[tilespmem:$0xDD8] =	vst v0  }
0xe0: {  	[tilespmem:$0xDE8] =	vst v0  }
0xe1: {  	[tilespmem:$0xDF8] =	vst v0  }
0xe2: {  	[tilespmem:$0xE08] =	vst v0  }
0xe3: {  	[tilespmem:$0xE18] =	vst v0  }
0xe4: {  	[tilespmem:$0xE28] =	vst v0  }
0xe5: {  	[tilespmem:$0xE38] =	vst v0  }
0xe6: {  	[tilespmem:$0xE48] =	vst v0  }
0xe7: {  	[tilespmem:$0xE58] =	vst v0  }
0xe8: {  	[tilespmem:$0xE68] =	vst v0  }
0xe9: {  	[tilespmem:$0xE78] =	vst v0  }
0xea: {  	[tilespmem:$0xE88] =	vst v0  }
0xeb: {  	[tilespmem:$0xE98] =	vst v0  }
0xec: {  	[tilespmem:$0xEA8] =	vst v0  }
0xed: {  	[tilespmem:$0xEB8] =	vst v0  }
0xee: {  	[tilespmem:$0xEC8] =	vst v0  }
0xef: {  	[tilespmem:$0xED8] =	vst v0  }
0xf0: {  	[tilespmem:$0xEE8] =	vst v0  }
0xf1: {  	[tilespmem:$0xEF8] =	vst v0  }
0xf2: {  	[tilespmem:$0xF08] =	vst v0  }
0xf3: {  	[tilespmem:$0xF18] =	vst v0  }
0xf4: {  	[tilespmem:$0xF28] =	vst v0  }
0xf5: {  	[tilespmem:$0xF38] =	vst v0  }
0xf6: {  	[tilespmem:$0xF48] =	vst v0  }
0xf7: {  	[tilespmem:$0xF58] =	vst v0  }
0xf8: {  	[tilespmem:$0xF68] =	vst v0  }
0xf9: {  	[tilespmem:$0xF78] =	vst v0  }
0xfa: {  	[tilespmem:$0xF88] =	vst v0  }
0xfb: {  	[tilespmem:$0xF98] =	vst v0  }
0xfc: {  	[tilespmem:$0xFA8] =	vst v0  }
0xfd: {  	[tilespmem:$0xFB8] =	vst v0  }
0xfe: {  	[tilespmem:$0xFC8] =	vst v0  }
0xff: {  	[tilespmem:$0xFD8] =	vst v0  }
0x100: {  	[tilespmem:$0xFE8] =	vst v0  }
0x101: {  	[tilespmem:$0xFF8] =	vst v0  }
0x102: {  	[tilespmem:$0x1028] =	vst v0  }
0x103: {  	[tilespmem:$0x10E8] =	vst v0  }
0x104: {  	[tilespmem:$0x1068] =	vst v0  }
0x105: {  	[tilespmem:$0x1B28] =	vst v0  }
0x106: {  	[tilespmem:$0x1B18] =	vst v0  }
0x107: {  	[tilespmem:$0x1B08] =	vst v0  }
0x108: {  	[tilespmem:$0x1AF8] =	vst v0  }
0x109: {  	[tilespmem:$0x1AE8] =	vst v0  }
0x10a: {  	[tilespmem:$0x1AD8] =	vst v0  }
0x10b: {  	[tilespmem:$0x1AC8] =	vst v0  }
0x10c: {  	[tilespmem:$0x1AB8] =	vst v0  }
0x10d: {  	[tilespmem:$0x1AA8] =	vst v0  }
0x10e: {  	[tilespmem:$0x1A98] =	vst v0  }
0x10f: {  	[tilespmem:$0x1A88] =	vst v0  }
0x110: {  	[tilespmem:$0x1A78] =	vst v0  }
0x111: {  	[tilespmem:$0x1A68] =	vst v0  }
0x112: {  	[tilespmem:$0x1A58] =	vst v0  }
0x113: {  	[tilespmem:$0x1A48] =	vst v0  }
0x114: {  	[tilespmem:$0x1A38] =	vst v0  }
0x115: {  	[tilespmem:$0x1A28] =	vst v0  }
0x116: {  	[tilespmem:$0x1A18] =	vst v0  }
0x117: {  	[tilespmem:$0x1A08] =	vst v0  }
0x118: {  	[tilespmem:$0x19F8] =	vst v0  }
0x119: {  	[tilespmem:$0x19E8] =	vst v0  }
0x11a: {  	[tilespmem:$0x19D8] =	vst v0  }
0x11b: {  	[tilespmem:$0x19C8] =	vst v0  }
0x11c: {  	[tilespmem:$0x19B8] =	vst v0  }
0x11d: {  	[tilespmem:$0x19A8] =	vst v0  }
0x11e: {  	[tilespmem:$0x1998] =	vst v0  }
0x11f: {  	[tilespmem:$0x1988] =	vst v0  }
0x120: {  	[tilespmem:$0x1978] =	vst v0  }
0x121: {  	[tilespmem:$0x1968] =	vst v0  }
0x122: {  	[tilespmem:$0x1958] =	vst v0  }
0x123: {  	[tilespmem:$0x1948] =	vst v0  }
0x124: {  	[tilespmem:$0x1938] =	vst v0  }
0x125: {  	[tilespmem:$0x1928] =	vst v0  }
0x126: {  	[tilespmem:$0x1918] =	vst v0  }
0x127: {  	[tilespmem:$0x1908] =	vst v0  }
0x128: {  	[tilespmem:$0x18F8] =	vst v0  }
0x129: {  	[tilespmem:$0x18E8] =	vst v0  }
0x12a: {  	[tilespmem:$0x18D8] =	vst v0  }
0x12b: {  	[tilespmem:$0x18C8] =	vst v0  }
0x12c: {  	[tilespmem:$0x18B8] =	vst v0  }
0x12d: {  	[tilespmem:$0x18A8] =	vst v0  }
0x12e: {  	[tilespmem:$0x1898] =	vst v0  }
0x12f: {  	[tilespmem:$0x1888] =	vst v0  }
0x130: {  	[tilespmem:$0x1878] =	vst v0  }
0x131: {  	[tilespmem:$0x1868] =	vst v0  }
0x132: {  	[tilespmem:$0x1858] =	vst v0  }
0x133: {  	[tilespmem:$0x1848] =	vst v0  }
0x134: {  	[tilespmem:$0x1838] =	vst v0  }
0x135: {  	[tilespmem:$0x1828] =	vst v0  }
0x136: {  	[tilespmem:$0x1818] =	vst v0  }
0x137: {  	[tilespmem:$0x1808] =	vst v0  }
0x138: {  	[tilespmem:$0x17F8] =	vst v0  }
0x139: {  	[tilespmem:$0x17E8] =	vst v0  }
0x13a: {  	[tilespmem:$0x17D8] =	vst v0  }
0x13b: {  	[tilespmem:$0x17C8] =	vst v0  }
0x13c: {  	[tilespmem:$0x17B8] =	vst v0  }
0x13d: {  	[tilespmem:$0x17A8] =	vst v0  }
0x13e: {  	[tilespmem:$0x1798] =	vst v0  }
0x13f: {  	[tilespmem:$0x1788] =	vst v0  }
0x140: {  	[tilespmem:$0x1778] =	vst v0  }
0x141: {  	[tilespmem:$0x1768] =	vst v0  }
0x142: {  	[tilespmem:$0x1758] =	vst v0  }
0x143: {  	[tilespmem:$0x1748] =	vst v0  }
0x144: {  	[tilespmem:$0x1738] =	vst v0  }
0x145: {  	[tilespmem:$0x1728] =	vst v0  }
0x146: {  	[tilespmem:$0x1718] =	vst v0  }
0x147: {  	[tilespmem:$0x1708] =	vst v0  }
0x148: {  	[tilespmem:$0x16F8] =	vst v0  }
0x149: {  	[tilespmem:$0x16E8] =	vst v0  }
0x14a: {  	[tilespmem:$0x16D8] =	vst v0  }
0x14b: {  	[tilespmem:$0x16C8] =	vst v0  }
0x14c: {  	[tilespmem:$0x16B8] =	vst v0  }
0x14d: {  	[tilespmem:$0x16A8] =	vst v0  }
0x14e: {  	[tilespmem:$0x1698] =	vst v0  }
0x14f: {  	[tilespmem:$0x1688] =	vst v0  }
0x150: {  	[tilespmem:$0x1678] =	vst v0  }
0x151: {  	[tilespmem:$0x1668] =	vst v0  }
0x152: {  	[tilespmem:$0x1658] =	vst v0  }
0x153: {  	[tilespmem:$0x1648] =	vst v0  }
0x154: {  	[tilespmem:$0x1638] =	vst v0  }
0x155: {  	[tilespmem:$0x1628] =	vst v0  }
0x156: {  	[tilespmem:$0x1618] =	vst v0  }
0x157: {  	[tilespmem:$0x1608] =	vst v0  }
0x158: {  	[tilespmem:$0x15F8] =	vst v0  }
0x159: {  	[tilespmem:$0x15E8] =	vst v0  }
0x15a: {  	[tilespmem:$0x15D8] =	vst v0  }
0x15b: {  	[tilespmem:$0x15C8] =	vst v0  }
0x15c: {  	[tilespmem:$0x15B8] =	vst v0  }
0x15d: {  	[tilespmem:$0x15A8] =	vst v0  }
0x15e: {  	[tilespmem:$0x1598] =	vst v0  }
0x15f: {  	[tilespmem:$0x1588] =	vst v0  }
0x160: {  	[tilespmem:$0x1578] =	vst v0  }
0x161: {  	[tilespmem:$0x1568] =	vst v0  }
0x162: {  	[tilespmem:$0x1558] =	vst v0  }
0x163: {  	[tilespmem:$0x1548] =	vst v0  }
0x164: {  	[tilespmem:$0x1538] =	vst v0  }
0x165: {  	[tilespmem:$0x1528] =	vst v0  }
0x166: {  	[tilespmem:$0x1518] =	vst v0  }
0x167: {  	[tilespmem:$0x1508] =	vst v0  }
0x168: {  	[tilespmem:$0x14F8] =	vst v0  }
0x169: {  	[tilespmem:$0x14E8] =	vst v0  }
0x16a: {  	[tilespmem:$0x14D8] =	vst v0  }
0x16b: {  	[tilespmem:$0x14C8] =	vst v0  }
0x16c: {  	[tilespmem:$0x14B8] =	vst v0  }
0x16d: {  	[tilespmem:$0x14A8] =	vst v0  }
0x16e: {  	[tilespmem:$0x1498] =	vst v0  }
0x16f: {  	[tilespmem:$0x1488] =	vst v0  }
0x170: {  	[tilespmem:$0x1478] =	vst v0  }
0x171: {  	[tilespmem:$0x1468] =	vst v0  }
0x172: {  	[tilespmem:$0x1458] =	vst v0  }
0x173: {  	[tilespmem:$0x1448] =	vst v0  }
0x174: {  	[tilespmem:$0x1438] =	vst v0  }
0x175: {  	[tilespmem:$0x1428] =	vst v0  }
0x176: {  	[tilespmem:$0x1418] =	vst v0  }
0x177: {  	[tilespmem:$0x1408] =	vst v0  }
0x178: {  	[tilespmem:$0x13F8] =	vst v0  }
0x179: {  	[tilespmem:$0x13E8] =	vst v0  }
0x17a: {  	[tilespmem:$0x13D8] =	vst v0  }
0x17b: {  	[tilespmem:$0x13C8] =	vst v0  }
0x17c: {  	[tilespmem:$0x13B8] =	vst v0  }
0x17d: {  	[tilespmem:$0x13A8] =	vst v0  }
0x17e: {  	[tilespmem:$0x1398] =	vst v0  }
0x17f: {  	[tilespmem:$0x1388] =	vst v0  }
0x180: {  	[tilespmem:$0x1378] =	vst v0  }
0x181: {  	[tilespmem:$0x1368] =	vst v0  }
0x182: {  	[tilespmem:$0x1358] =	vst v0  }
0x183: {  	[tilespmem:$0x1348] =	vst v0  }
0x184: {  	[tilespmem:$0x1338] =	vst v0  }
0x185: {  	[tilespmem:$0x1328] =	vst v0  }
0x186: {  	[tilespmem:$0x1318] =	vst v0  }
0x187: {  	[tilespmem:$0x1308] =	vst v0  }
0x188: {  	[tilespmem:$0x12F8] =	vst v0  }
0x189: {  	[tilespmem:$0x12E8] =	vst v0  }
0x18a: {  	[tilespmem:$0x12D8] =	vst v0  }
0x18b: {  	[tilespmem:$0x12C8] =	vst v0  }
0x18c: {  	[tilespmem:$0x12B8] =	vst v0  }
0x18d: {  	[tilespmem:$0x12A8] =	vst v0  }
0x18e: {  	[tilespmem:$0x1298] =	vst v0  }
0x18f: {  	[tilespmem:$0x1288] =	vst v0  }
0x190: {  	[tilespmem:$0x1278] =	vst v0  }
0x191: {  	[tilespmem:$0x1268] =	vst v0  }
0x192: {  	[tilespmem:$0x1258] =	vst v0  }
0x193: {  	[tilespmem:$0x1248] =	vst v0  }
0x194: {  	[tilespmem:$0x1238] =	vst v0  }
0x195: {  	[tilespmem:$0x1228] =	vst v0  }
0x196: {  	[tilespmem:$0x1218] =	vst v0  }
0x197: {  	[tilespmem:$0x1208] =	vst v0  }
0x198: {  	[tilespmem:$0x11F8] =	vst v0  }
0x199: {  	[tilespmem:$0x11E8] =	vst v0  }
0x19a: {  	[tilespmem:$0x11D8] =	vst v0  }
0x19b: {  	[tilespmem:$0x11C8] =	vst v0  }
0x19c: {  	[tilespmem:$0x11B8] =	vst v0  }
0x19d: {  	[tilespmem:$0x11A8] =	vst v0  }
0x19e: {  	[tilespmem:$0x1198] =	vst v0  }
0x19f: {  	[tilespmem:$0x1188] =	vst v0  }
0x1a0: {  	[tilespmem:$0x1178] =	vst v0  }
0x1a1: {  	[tilespmem:$0x1168] =	vst v0  }
0x1a2: {  	[tilespmem:$0x1158] =	vst v0  }
0x1a3: {  	[tilespmem:$0x1148] =	vst v0  }
0x1a4: {  	[tilespmem:$0x1138] =	vst v0  }
0x1a5: {  	[tilespmem:$0x1128] =	vst v0  }
0x1a6: {  	[tilespmem:$0x1118] =	vst v0  }
0x1a7: {  	s4 =	stileid.u32;
	[tilespmem:$0x1108] =	vst v0  }
0x1a8: {  	s0 =	smul.u32 $0x22, s4;
	[tilespmem:$0x10F8] =	vst v0  }
0x1a9: {  	s1 =	smin.u32 s4, $0xC;
	[tilespmem:$0x10C8] =	vst v0  }
0x1aa: {  	[tilespmem:$0x10D8] =	vst v0;
	s0 =	sadd.s32 s1, s0  }
0x1ab: {  	p0 =	slt.u32 s4, $0xC;
	[tilespmem:$0x10B8] =	vst v0;
	s1 =	simm.s32 $0x3B10;
	s6 =	smul.u32 $0x1B0, s0  }
0x1ac: {  	s1 =	simm.s32 @!p0 $0x3960;
	[tilespmem:$0x1038] =	vst v0  }
0x1ad: {  	[tilespmem:$0x10A8] =	vst v0;
	s0 =	sadd.s32 s1, s6  }
0x1ae: {  	s3 =	simm.s32 $0x2;
	s8 =	simm.s32 $0x9;
	[tilespmem:$0x1098] =	vst v0;
	s7 =	smin.u32 s0, $0x3A980  }
0x1af: {  	s10 =	simm.s32 $0xA;
	s30 =	simm.s32 $0xB;
	[tilespmem:$0x1088] =	vst v0;
	s0 =	ssub.s32 s7, s6  }
0x1b0: {  	s16 =	simm.s32 $0x0;
	p4 =	por $0x0, $0x0;
	[tilespmem:$0x1078] =	vst v0;
	p0 =	sgt.s32 s0, $0x0  }
0x1b1: {  	s17 =	simm.s32 $0xC;
	s21 =	simm.s32 $0x0;
	[tilespmem:$0x1058] =	vst v0;
	s0 =	simm.s32 @!p0 $0x0  }
0x1b2: {  	s18 =	simm.s32 $0x0;
	s2 =	sand.u32 $0x1, s2;
	[tilespmem:$0x1048] =	vst v0;
	s29 =	smulhi.u32 $0x4BDA12F7, s0  }
0x1b3: {  	s20 =	simm.s32 $0x0;
	s31 =	sshll.u32 s4, $0x5;
	[tilespmem:$0x1018] =	vst v0;
	[dreg:$0x5] =	wrdreg s2  }
0x1b4: {  	s2 =	smul.u32 $0x7530, s2;
	[tilespmem:$0x1008] =	vst v0;
	[sflag:s3] =	ssyncpa.u1 $0x0;
	s1 =	sshrl.u32 s29, $0x7  }
0x1b5: {  	v0 =	vimm.s32 $0xFFFFFFFF;
	s3 =	sadd.s32 $0xA2E00, s11;
	[dreg:$0x4] =	wrdreg s31;
	s5 =	smul.u32 $0x1B0, s1  }
.Ltmp0:
0x1b6: {  	[tilespmem:$0x3648] =	vst v0;
	[sflag:s8] =	ssyncpa.u1 $0x0;
	s2 =	sadd.s32 s2, s11;
	(pc) =	sbr.rel .LBB2_1-.Ltmp0, $4  }
0x1b7: {  	[sflag:s10] =	ssyncpa.u1 $0x0;
	s11 =	sadd.s32 $0xFE5400, s11;
	p0 =	sne.s32 s0, s5  }
0x1b8: {  	[sflag:s30] =	ssyncpa.u1 $0x0;
	s14 =	sadd.s32 $0x94200, s2;
	s12 =	simm.s32 @!p0 $0x0  }
0x1b9: {  	s15 =	sadd.s32 $0x1400, s2;
	s19 =	smov.u32 s6;
	s12 =	sadd.s32 s12, s1  }
0x1ba: {  	v0 =	vlaneseq.u32;
	[dreg:$0x6] =	wrdreg s6;
	p0 =	por $0x1, $0x1;
	s4 =	sadd.s32 $0x1, s12  }
.LBB2_18:
0x1bb: {  	s0 =	simm.s32 $0x2  }
0x1bc: {  	_ =	swait.ge [sflag:s0], $0x0  }
0x1bd: {  	[sflag:s0] =	ssyncset.done $0x0;
	s0 =	simm.s32 $0x0  }
.LBB2_19:
0x1be: {  	_ =	swait.ge [sflag:s17], s0  }
0x1bf: {  	s31 =	ssub.s32 $0x0, s0;
	v1 =	vmov s23;
	vm0 =	veq.s32 v0, $0x0;
	[sflag:s17] =	ssyncset.done $0x0  }
0x1c0: {  	vm15 =	veq.s32 v0, $0x2;
	v1 =	vsel vm0, s28, v1;
	[sflag:s17] =	ssyncadd.s32 s31  }
0x1c1: {  	v1 =	vsel vm15, s21, v1;
	[sflag:s17] =	ssyncpa.u1 $0x1  }
0x1c2: {  	[tilespmem:$0x3648] =	vst v1  }
.LBB2_20:
0x1c3: {  	s0 =	sadd.s32 $0x1B0, s19  }
0x1c4: {  	s1 =	smov.u32 s6;
	p1 =	slt.s32 s0, s7  }
0x1c5: {  	s1 =	smov.u32 @p1 s0;
	p1 =	sne.s32 s20, s4  }
.Ltmp1:
0x1c6: {  	_ = 	snop;
	(pc) =	sbr.rel @!p1 .LBB2_21-.Ltmp1, $4  }
0x1c7: {  	_ = 	snop  }
0x1c8: {  	s21 =	smov.u32 s18  }
0x1c9: {  	s31 =	sadd.s32 $0x1, s20;
	s18 =	smov.u32 s19;
	p0 =	por !p0, !p0  }
0x1ca: {  	p4 =	por !p4, !p4;
	s20 =	smov.u32 s31;
	s19 =	smov.u32 s1  }
.LBB2_1:
0x1cb: {  	p2 =	sge.u32 s20, s12  }
0x1cc: {  	s0 =	smulhi.u32 @!p2 $0xAAAAAAAB, s20  }
0x1cd: {  	s1 =	smov.u32 s19;
	p3 =	sgt.s32 @!p2 s19, $0x3A7D0  }
0x1ce: {  	s2 =	sshra.s32 @!p2 s19, $0x1F;
	p3 =	por !p3, p2;
	s0 =	sshrl.u32 @!p2 s0, $0x1  }
0x1cf: {  	s2 =	sand.u32 @!p2 s2, s19;
	s1 =	simm.s32 @p3 $0x3A7D0;
	s0 =	smul.u32 @!p2 $0x3, s0  }
0x1d0: {  	s1 =	ssub.s32 @!p2 s1, s2  }
0x1d1: {  	s23 =	sadd.s32 $0xFFFFFFFF, s20;
	s1 =	sadd.s32 @!p2 $0xFFFC5830, s1;
	s0 =	ssub.s32 @!p2 s20, s0  }
0x1d2: {  	s2 =	sshll.u32 @!p2 s1, $0x2;
	p3 =	sgt.s32 @!p2 s1, $0x1AF;
	s0 =	smul.u32 @!p2 $0x6C0, s0  }
0x1d3: {  	s5 =	sand.u32 @!p2 $0x7, s19;
	s1 =	ssub.s32 @!p2 $0x6C0, s2;
	p3 =	por !p3, p2  }
0x1d4: {  	s2 =	sshrl.u32 @!p2 s19, $0x3;
	s1 =	sshrl.u32 @!p2 s1, $0x2;
	s0 =	sshrl.u32 @!p2 s0, $0x2  }
0x1d5: {  	s2 =	sadd.s32 @!p2 s2, s14;
	s1 =	simm.s32 @!p3 $0x0;
	s0 =	sadd.s32 @!p2 $0x3888, s0  }
0x1d6: {  	[tilespmem:s0], [sflag:$0xA] =	stream.linear.gather @!p2 [hbm4b:s2+s5], s1, $0x38;
	[tilespmem:$0x1F0F8] =	vst v63  }
0x1d7: {  	p2 =	sge.u32 s23, s12  }
0x1d8: {  	p3 =	sgt.s32 @!p2 s18, $0x3A7D0  }
0x1d9: {  	s0 =	smov.u32 s18;
	s1 =	sshra.s32 @!p2 s18, $0x1F;
	p3 =	por !p3, p2  }
0x1da: {  	s1 =	sand.u32 @!p2 s1, s18;
	s0 =	simm.s32 @p3 $0x3A7D0  }
0x1db: {  	s0 =	ssub.s32 @!p2 s0, s1  }
0x1dc: {  	s0 =	sadd.s32 @!p2 $0xFFFC5830, s0  }
0x1dd: {  	s1 =	sshll.u32 @!p2 s0, $0x2  }
0x1de: {  	p3 =	sgt.s32 @!p2 s0, $0x1AF;
	s0 =	ssub.s32 @!p2 $0x6C0, s1  }
0x1df: {  	s22 =	ssub.s32 @!p2 $0x3A980, s18;
	p3 =	por !p3, p2;
	s0 =	sshrl.u32 @!p2 s0, $0x2  }
0x1e0: {  	s1 =	sand.u32 @!p2 $0x1, s23;
	s0 =	simm.s32 @!p3 $0x0;
	p3 =	slt.s32 @!p2 s22, $0x1  }
0x1e1: {  	s2 =	simm.s32 @!p2 $0xA;
	s1 =	smul.u32 @!p2 $0x6C0, s1;
	p3 =	por p2, p3  }
.Ltmp2:
0x1e2: {  	_ =	swait.ge @!p2 [sflag:s2], s0;
	(pc) =	sbr.rel @p3 .LBB2_7-.Ltmp2, $4  }
0x1e3: {  	s5 =	ssub.s32 @!p2 $0x0, s0;
	[sflag:s2] =	ssyncset.done @!p2 $0x0  }
0x1e4: {  	s1 =	sshrl.u32 @!p2 s1, $0x2;
	[sflag:s2] =	ssyncadd.s32 @!p2 s5;
	s2 =	sshrl.u32 @!p2 s18, $0x3  }
0x1e5: {  	s1 =	sadd.s32 @!p2 $0x3D98, s1;
	s5 =	sand.u32 @!p2 $0x7, s18;
	s2 =	sadd.s32 @!p2 s2, s15  }
0x1e6: {  	[tilespmem:s1], [sflag:$0xB] =	stream.linear.gather @!p2 [hbm4b:s2+s5], s0, $0x38;
	[tilespmem:$0x1F0F8] =	vst v63  }
0x1e7: {  	s0 =	smulhi.u32 $0xAAAAAAAB, s23;
	_ =	sdelay $0x1  }
0x1e8: {  	s0 =	sshrl.u32 s0, $0x1  }
0x1e9: {  	s0 =	smul.u32 $0x3, s0;
	_ =	sdelay $0x1  }
0x1ea: {  	s0 =	ssub.s32 s23, s0  }
0x1eb: {  	s1 =	simm.s32 $0x1;
	s0 =	smul.u32 $0x6C0, s0  }
.Ltmp3:
0x1ec: {  	s1 =	simm.s32 @!p0 $0x0;
	(pc) =	sbr.rel .LBB2_4-.Ltmp3, $4  }
0x1ed: {  	s1 =	smul.u32 $0x36000, s1  }
0x1ee: {  	p3 =	slt.s32 @!p2 s22, $0x1B0;
	s0 =	sshrl.u32 s0, $0x2  }
0x1ef: {  	p2 =	por !p3, p2;
	s1 =	sshrl.u32 s1, $0x2;
	s0 =	sadd.s32 $0x3888, s0  }
0x1f0: {  	s24 =	simm.s32 $0x0;
	s22 =	simm.s32 @p2 $0x1B0;
	s23 =	sadd.s32 $0x40F8, s1;
	v1 =	vmov s0  }
.LBB2_3:
0x1f1: {  	p2 =	sge.s32 s24, s22  }
.Ltmp4:
0x1f2: {  	_ = 	snop;
	(pc) =	sbr.rel @p2 .LBB2_7-.Ltmp4, $2  }
0x1f3: {  	_ =	sdelay $0x2  }
0x1f4: {  	s23 =	sadd.s32 $0x800, s23  }
.LBB2_4:
0x1f5: {  	p2 =	sle.s32 s22, s24  }
.Ltmp5:
0x1f6: {  	_ = 	snop;
	(pc) =	sbr.rel @p2 .LBB2_3-.Ltmp5, $2  }
0x1f7: {  	_ =	sdelay $0x2  }
0x1f8: {  	s0 =	smov.u32 s24;
	s24 =	sadd.s32 $0x10, s24  }
0x1f9: {  	s1 =	ssub.s32 s22, s0  }
0x1fa: {  	p2 =	slt.s32 s1, $0x10  }
0x1fb: {  	s1 =	simm.s32 @!p2 $0x10  }
0x1fc: {  	v2 =	vmov s1  }
0x1fd: {  	vm0 =	vgt.s32 v2, v0;
	_ =	sdelay $0x5  }
0x1fe: {  	v2 =	vld.idx.msk [tilespmem:v1+s0+$0x0 ss:$0x1], vm0;
	_ =	sdelay $0x2  }
0x1ff: {  	p2 =	slt.s32 s24, s22;
	s1 =	smov.u32 s22  }
0x200: {  	s2 =	smov.u32 s23;
	s25 =	simm.s32 $0x0;
	s1 =	smov.u32 @p2 s24  }
.LBB2_6:
0x201: {  	(v2sf) =	vpush v2, s25;
	_ =	sdelay $0xc  }
0x202: {  	s25 =	sadd.s32 $0x1, s25  }
0x203: {  	s31 =	sadd.s32 s25, s0  }
0x204: {  	p2 =	slt.s32 s31, s1;
	s5 =	spop (v2sf)  }
.Ltmp6:
0x205: {  	s5 =	sshll.u32 s5, $0x4;
	(pc) =	sbr.rel @p2 .LBB2_6-.Ltmp6, $4  }
0x206: {  	s5 =	sand.u32 $0x1FFFFFF0, s5  }
0x207: {  	s5 =	sadd.s32 s11, s5  }
0x208: {  	[tilespmem:s2], [sflag:$0x9] =	stream.linear.gather [hbm4b:s5+s16], $0x8, $0x38;
	[tilespmem:$0x1F0F8] =	vst v63  }
0x209: {  	s2 =	sadd.s32 $0x80, s2  }
.Ltmp7:
0x20a: {  	_ = 	snop;
	(pc) =	sbr.rel .LBB2_3-.Ltmp7, $1  }
0x20b: {  	_ =	sdelay $0x3  }
.LBB2_7:
0x20c: {  	p2 =	slt.u32 s20, $0x2  }
.Ltmp8:
0x20d: {  	_ = 	snop;
	(pc) =	sbr.rel @p2 .LBB2_20-.Ltmp8, $1  }
0x20e: {  	_ =	sdelay $0x3  }
0x20f: {  	p2 =	sgt.s32 s21, $0x3A7D0  }
0x210: {  	s0 =	smov.u32 s21;
	s1 =	sshra.s32 s21, $0x1F;
	s2 =	ssub.s32 $0x3A980, s21  }
0x211: {  	s0 =	simm.s32 @!p2 $0x3A7D0;
	s1 =	sand.u32 s1, s21;
	p2 =	slt.s32 s2, $0x1B0  }
0x212: {  	s0 =	ssub.s32 s0, s1;
	s2 =	simm.s32 @!p2 $0x1B0  }
0x213: {  	s0 =	sadd.s32 $0xFFFC5830, s0;
	s24 =	sshll.u32 s2, $0x3  }
0x214: {  	s28 =	simm.s32 $0x9;
	s25 =	sshll.u32 s0, $0x2;
	s1 =	sand.u32 $0x3FFFFFF8, s24  }
0x215: {  	p2 =	sgt.s32 s0, $0x1AF;
	s26 =	ssub.s32 $0x6C0, s25;
	_ =	swait.ge [sflag:s28], s1  }
0x216: {  	s1 =	ssub.s32 $0x0, s1;
	[sflag:s28] =	ssyncset.done $0x0;
	s0 =	sshrl.u32 s26, $0x2  }
0x217: {  	s30 =	simm.s32 $0xB;
	[sflag:s28] =	ssyncadd.s32 s1;
	s0 =	simm.s32 @p2 $0x0  }
0x218: {  	_ =	swait.ge [sflag:s30], s0  }
0x219: {  	s0 =	ssub.s32 $0x0, s0;
	[sflag:s30] =	ssyncset.done $0x0  }
0x21a: {  	[sflag:s30] =	ssyncadd.s32 s0  }
0x21b: {  	v1 =	vld [tilespmem:$0x3648];
	_ =	sdelay $0x4  }
0x21c: {  	(v2sf) =	vpush v1, $0x0  }
0x21d: {  	(v2sf) =	vpush v1, $0x1  }
0x21e: {  	(v2sf) =	vpush v1, $0x2;
	_ =	sdelay $0x3  }
0x21f: {  	s0 =	sadd.s32 $0x1B0, s21  }
0x220: {  	s1 =	ssub.s32 $0x75300, s21;
	p2 =	slt.s32 s7, s0  }
0x221: {  	s0 =	smov.u32 @p2 s7;
	p2 =	sgt.s32 s1, $0x0  }
0x222: {  	s25 =	ssub.s32 s0, s21;
	s1 =	simm.s32 @!p2 $0x0  }
0x223: {  	p2 =	slt.s32 s1, s25  }
0x224: {  	s25 =	smov.u32 @p2 s1  }
0x225: {  	s24 =	simm.s32 $0x1;
	p2 =	slt.s32 s25, $0x1  }
.Ltmp9:
0x226: {  	s24 =	simm.s32 @!p4 $0x0;
	(pc) =	sbr.rel @p2 .LBB2_12-.Ltmp9, $4  }
0x227: {  	s31 =	smul.u32 $0x6C0, s24  }
0x228: {  	s26 =	spop (v2sf)  }
0x229: {  	s0 =	sshrl.u32 s31, $0x2;
	s29 =	spop (v2sf)  }
0x22a: {  	s22 =	sadd.s32 $0x3D98, s0;
	s21 =	spop (v2sf)  }
0x22b: {  	s0 =	smin.u32 s25, $0x10  }
0x22c: {  	v1 =	vmov s0  }
0x22d: {  	p3 =	sgt.s32 s25, $0x10;
	vm1 =	vgt.u32 v1, v0  }
.Ltmp10:
0x22e: {  	_ = 	snop;
	(pc) =	sbr.rel @!p3 .LBB2_11-.Ltmp10, $2  }
0x22f: {  	_ =	sdelay $0x2  }
0x230: {  	s23 =	simm.s32 $0x10;
	s28 =	sadd.s32 $0xFFFFFFF0, s25;
	s0 =	smov.u32 s22;
	vm0 =	vmmov vm1  }
.LBB2_10:
0x231: {  	s1 =	smin.u32 s28, $0x10;
	s23 =	sadd.s32 $0x10, s23;
	v1 =	vld.msk [tilespmem:s0+$0x0 ss:$0x1], vm1  }
0x232: {  	v2 =	vmov s1;
	p3 =	slt.s32 s23, s25  }
0x233: {  	vm1 =	vgt.u32 v2, v0  }
.Ltmp11:
0x234: {  	(pc) =	sbr.rel @p3 .LBB2_10-.Ltmp11, $3  }
0x235: {  	_ =	sdelay $0x1  }
0x236: {  	v1 =	vshll.u32 v1, $0x4  }
0x237: {  	s28 =	sadd.s32 $0xFFFFFFF0, s28;
	[tilespmem:s0+$0x0] =	vst.msk vm0, v1;
	s0 =	sadd.s32 $0x10, s0;
	vm0 =	vmmov vm1  }
.LBB2_11:
0x238: {  	_ =	sdelay $0x4  }
0x239: {  	v1 =	vld.msk [tilespmem:s0+$0x0 ss:$0x1], vm1;
	_ =	sdelay $0x4  }
0x23a: {  	v1 =	vshll.u32 v1, $0x4  }
0x23b: {  	[tilespmem:s0+$0x0] =	vst.msk vm0, v1  }
.LBB2_12:
0x23c: {  	s0 =	sand.u32 $0x1, s20  }
0x23d: {  	s0 =	smul.u32 $0x1B0, s0  }
0x23e: {  	p3 =	sne.s32 s29, $0xFFFFFFFF  }
0x23f: {  	v1 =	vld.msk @!p3 [tilespmem:s0+$0x3D98], $0x1;
	_ =	sdelay $0x4  }
0x240: {  	(v2sf) =	vpush @!p3 v1, $0x0;
	_ =	sdelay $0xc  }
.Ltmp12:
0x241: {  	_ = 	snop;
	(pc) =	sbr.rel @p2 .LBB2_18-.Ltmp12, $4  }
0x242: {  	_ = 	snop  }
0x243: {  	s28 =	spop @!p3 (v2sf)  }
0x244: {  	s21 =	simm.s32 @!p3 $0x0;
	s23 =	smov.u32 s28  }
0x245: {  	[sflag:s17] =	ssyncpa.u1 $0x0;
	s28 =	smov.u32 @p3 s26;
	s23 =	smov.u32 @p3 s29  }
0x246: {  	v1 =	vld.msk [tilespmem:s22+$0x0], $0x1;
	_ =	sdelay $0x4  }
0x247: {  	(v2sf) =	vpush v1, $0x0;
	_ =	sdelay $0xe  }
0x248: {  	s0 =	simm.s32 @!p4 $0x0;
	s26 =	smul.u32 $0x36000, s24;
	s31 =	spop (v2sf)  }
0x249: {  	s29 =	ssub.s32 $0x0, s25;
	s0 =	simm.s32 @p4 $0x1;
	p2 =	seq.s32 s28, s31  }
0x24a: {  	s1 =	smov.u32 s28;
	[smem:$0x7FD] =	sst s0;
	p3 =	sgt.s32 @!p2 s28, $0x0  }
0x24b: {  	s0 =	sshrl.u32 s26, $0x2;
	s26 =	sadd.s32 $0x1, s29;
	p3 =	por !p3, p2  }
0x24c: {  	s1 =	simm.s32 @p3 $0x0;
	p3 =	seq.s32 s26, $0x0  }
.Ltmp13:
0x24d: {  	_ = 	snop;
	(pc) =	sbr.rel @p3 .LBB2_15-.Ltmp13, $4  }
0x24e: {  	s6 =	smov.u32 s4;
	s25 =	simm.s32 $0x0  }
0x24f: {  	s24 =	sadd.s32 $0x40F8, s0;
	s0 =	simm.s32 @!p2 $0x1;
	s2 =	smin.u32 @!p2 s1, $0x270FF  }
0x250: {  	s30 =	sadd.s32 $0x1, s22;
	s0 =	smov.u32 @p2 s25;
	s5 =	sand.u32 @!p2 $0x3FFF8, s2  }
0x251: {  	s1 =	simm.s32 @!p2 $0x1B38;
	s2 =	sand.u32 @!p2 $0x7, s2;
	s5 =	sadd.s32 @!p2 s3, s5  }
.LBB2_14:
0x252: {  	s4 =	smov.u32 s0  }
0x253: {  	[tilespmem:s1], [sflag:$0x2] =	stream.linear.gather @!p2 [hbm4b:s5+s2], $0x8, $0x38;
	[tilespmem:$0x1F0F8] =	vst v63  }
0x254: {  	s26 =	sadd.s32 $0x1, s26;
	s2 =	smov.u32 s31;
	v1 =	vld.msk [tilespmem:s30+$0x0], $0x1  }
0x255: {  	p3 =	seq.s32 s26, $0x0;
	_ =	sdelay $0x3  }
0x256: {  	(v2sf) =	vpush v1, $0x0;
	_ =	sdelay $0xe  }
0x257: {  	s31 =	spop (v2sf)  }
0x258: {  	p2 =	seq.s32 s2, s31  }
0x259: {  	p4 =	sgt.s32 @!p2 s2, $0x0;
	s1 =	sshll.u32 @!p2 s0, $0x6;
	s0 =	sadd.s32 @!p2 $0x1, s0  }
.Ltmp14:
0x25a: {  	p4 =	por !p4, p2;
	s1 =	sshra.s32 @!p2 s1, $0x2;
	(pc) =	sbr.rel @!p3 .LBB2_14-.Ltmp14, $4  }
0x25b: {  	s0 =	smov.u32 @p2 s4;
	s2 =	simm.s32 @p4 $0x0;
	s1 =	sadd.s32 @!p2 $0x1B38, s1  }
0x25c: {  	s2 =	smin.u32 @!p2 s2, $0x270FF  }
0x25d: {  	s4 =	sand.u32 @!p2 $0x3FFF8, s2;
	s2 =	sand.u32 @!p2 $0x7, s2  }
0x25e: {  	s30 =	sadd.s32 $0x1, s30;
	s5 =	sadd.s32 @!p2 s3, s4  }
.LBB2_15:
0x25f: {  	[tilespmem:s1], [sflag:$0x2] =	stream.linear.gather @!p2 [hbm4b:s5+s2], $0x8, $0x38;
	[tilespmem:$0x1F0F8] =	vst v63  }
0x260: {  	s0 =	sshll.u32 s0, $0x3  }
0x261: {  	s31 =	simm.s32 $0x2;
	s0 =	sand.u32 $0x3FFFFFF8, s0  }
0x262: {  	_ =	swait.ge [sflag:s31], s0  }
0x263: {  	s0 =	ssub.s32 $0x0, s0;
	[sflag:s31] =	ssyncset.done $0x0  }
0x264: {  	[sflag:s31] =	ssyncadd.s32 s0  }
0x265: {  	v1 =	vld.msk [tilespmem:s22+$0x0], $0x1;
	_ =	sdelay $0x4  }
0x266: {  	(v2sf) =	vpush v1, $0x0;
	_ =	sdelay $0xe  }
0x267: {  	s26 =	spop (v2sf)  }
0x268: {  	p2 =	sne.s32 s28, s26  }
0x269: {  	p4 =	sne.s32 @p2 s28, s23  }
0x26a: {  	p3 =	por !p4, !p2  }
0x26b: {  	s0 =	simm.s32 @!p3 $0x0  }
0x26c: {  	v1 =	vld.msk @!p3 [tilespmem:s0+$0x1B38], $0xff  }
0x26d: {  	p5 =	sgt.u32 @!p3 s28, $0x270FF  }
0x26e: {  	s1 =	sshll.u32 @!p3 s21, $0x6;
	p6 =	por @p2 p5, !p4  }
0x26f: {  	s1 =	sshra.s32 @!p3 s1, $0x2;
	p1 =	por p6, !p2;
	p6 =	por p4, !p2  }
0x270: {  	s2 =	sadd.s32 @!p3 $0x28, s1;
	s4 =	sand.u32 @!p1 $0x3FFF8, s28;
	s5 =	sshll.u32 @!p6 s21, $0x6  }
0x271: {  	s28 =	sand.u32 @!p1 $0x7, s28;
	[tilespmem:s1+$0x28] =	vst.add.f32.msk @!p3 $0xff, v1;
	s1 =	sadd.s32 @!p1 s3, s4;
	s4 =	sshra.s32 @!p6 s5, $0x2  }
0x272: {  	[hbm4b:s1+s28] =	stream.linear.scatter @!p1 [tilespmem:s2], [sflag:$0xC], $0x8, $0x38;
	[tilespmem:$0x1F0F8] =	vst v63  }
0x273: {  	s0 =	rddreg [dreg:$0x4];
	s1 =	sadd.s32 @!p6 $0x28, s4;
	s2 =	simm.s32 @!p6 $0x1  }
0x274: {  	[spmem:s0] =	stream.linear.scatter @!p6 [tilespmem:s1], [sflag:$0x1], $0x8, $0x38;
	[tilespmem:$0x1F0F8] =	vst v63  }
0x275: {  	s0 =	sadd.s32 @p2 $0x1, s21;
	_ =	swait.ge @!p6 [sflag:s2], $0x8  }
0x276: {  	s1 =	sshrl.u32 @p2 s0, $0x4;
	[sflag:s2] =	ssyncset.done @!p6 $0x0  }
0x277: {  	s1 =	smulhi.u32 @p2 $0x97B425F, s1;
	[sflag:s2] =	ssyncadd.s32 @!p6 $0xFFFFFFF8  }
0x278: {  	s28 =	sadd.s32 $0x1, s29;
	v1 =	vld.msk @p2 [tilespmem:s24+$0x0], $0xff  }
0x279: {  	p1 =	por @p2 !p5, !p4;
	p4 =	seq.s32 s28, $0x0;
	s1 =	smul.u32 @p2 $0x1B0, s1  }
.Ltmp15:
0x27a: {  	p1 =	por !p1, !p2;
	s2 =	simm.s32 @!p3 $0x0;
	(pc) =	sbr.rel @p4 .LBB2_17-.Ltmp15, $4  }
0x27b: {  	s4 =	sshll.u32 @!p2 s21, $0x6;
	s2 =	simm.s32 @!p1 $0x20;
	s0 =	ssub.s32 @p2 s0, s1  }
0x27c: {  	s29 =	simm.s32 $0x0;
	s2 =	sadd.s32 @!p3 $0x0, s2;
	s5 =	sshll.u32 @p2 s0, $0x4  }
0x27d: {  	s30 =	sshra.s32 @!p2 s4, $0x2;
	s1 =	simm.s32 @p2 $0x1;
	s2 =	smov.u32 @p3 s25;
	[tilespmem:s5+$0x28] =	vst.msk @p2 $0xff, v1  }
0x27e: {  	s21 =	smov.u32 @p2 s0;
	s29 =	smov.u32 @p2 s2;
	s25 =	smov.u32 @p2 s1;
	v1 =	vld.msk @!p2 [tilespmem:s24+$0x0], $0xff  }
.LBB2_16:
0x27f: {  	_ =	sdelay $0x3  }
0x280: {  	s22 =	sadd.s32 $0x1, s22;
	[tilespmem:s30+$0x28] =	vst.add.f32.msk @!p2 $0xff, v1  }
0x281: {  	v1 =	vld.msk [tilespmem:s22+$0x0], $0x1;
	_ =	sdelay $0x4  }
0x282: {  	(v2sf) =	vpush v1, $0x0;
	_ =	sdelay $0xe  }
0x283: {  	s0 =	smov.u32 s26;
	s26 =	spop (v2sf)  }
0x284: {  	p2 =	sne.s32 s0, s26  }
0x285: {  	p5 =	sne.s32 @p2 s0, s23  }
0x286: {  	s4 =	sshll.u32 @!p2 s21, $0x6;
	p4 =	por !p5, !p2  }
0x287: {  	s30 =	sshra.s32 @!p2 s4, $0x2;
	s4 =	sshll.u32 @!p4 s25, $0x6  }
0x288: {  	s4 =	sshra.s32 @!p4 s4, $0x2  }
0x289: {  	p1 =	sgt.u32 @!p4 s0, $0x270FF;
	v1 =	vld.msk @!p4 [tilespmem:s4+$0x1B38], $0xff  }
0x28a: {  	s31 =	sshll.u32 @!p4 s21, $0x6;
	p6 =	por @p2 p1, !p5;
	p1 =	por @p2 !p1, !p5  }
0x28b: {  	s8 =	simm.s32 @!p4 $0x0;
	s31 =	sshra.s32 @!p4 s31, $0x2;
	p1 =	por !p1, !p2  }
0x28c: {  	p5 =	por p5, !p2;
	s8 =	simm.s32 @!p1 $0x20;
	p1 =	por p6, !p2  }
0x28d: {  	s4 =	sadd.s32 @!p4 $0x28, s31;
	s13 =	sshll.u32 @!p5 s21, $0x6;
	s10 =	sand.u32 @!p1 $0x3FFF8, s0  }
0x28e: {  	s13 =	sshra.s32 @!p5 s13, $0x2;
	s0 =	sand.u32 @!p1 $0x7, s0;
	s10 =	sadd.s32 @!p1 s3, s10;
	[tilespmem:s31+$0x28] =	vst.add.f32.msk @!p4 $0xff, v1  }
0x28f: {  	[hbm4b:s10+s0] =	stream.linear.scatter @!p1 [tilespmem:s4], [sflag:$0xC], $0x8, $0x38;
	[tilespmem:$0x1F0F8] =	vst v63  }
0x290: {  	s1 =	rddreg [dreg:$0x4];
	s0 =	sadd.s32 @!p5 $0x28, s13;
	s4 =	simm.s32 @!p5 $0x1  }
0x291: {  	[spmem:s1] =	stream.linear.scatter @!p5 [tilespmem:s0], [sflag:$0x1], $0x8, $0x38;
	[tilespmem:$0x1F0F8] =	vst v63  }
0x292: {  	s2 =	sadd.s32 @p2 $0x1, s21;
	_ =	swait.ge @!p5 [sflag:s4], $0x8  }
0x293: {  	s5 =	sshrl.u32 @p2 s2, $0x4;
	[sflag:s4] =	ssyncset.done @!p5 $0x0  }
0x294: {  	s24 =	sadd.s32 $0x80, s24;
	s5 =	smulhi.u32 @p2 $0x97B425F, s5;
	[sflag:s4] =	ssyncadd.s32 @!p5 $0xFFFFFFF8  }
0x295: {  	s28 =	sadd.s32 $0x1, s28;
	v1 =	vld.msk @p2 [tilespmem:s24+$0x0], $0xff  }
0x296: {  	p3 =	seq.s32 s28, $0x0;
	s5 =	smul.u32 @p2 $0x1B0, s5  }
.Ltmp16:
0x297: {  	_ = 	snop;
	(pc) =	sbr.rel @!p3 .LBB2_16-.Ltmp16, $4  }
0x298: {  	s2 =	ssub.s32 @p2 s2, s5  }
0x299: {  	s8 =	sadd.s32 @!p4 s8, s29;
	s5 =	sshll.u32 @p2 s2, $0x4  }
0x29a: {  	s9 =	sadd.s32 @p2 $0x1, s25;
	s8 =	smov.u32 @p4 s29;
	[tilespmem:s5+$0x28] =	vst.msk @p2 $0xff, v1  }
0x29b: {  	s25 =	smov.u32 @p2 s9;
	s21 =	smov.u32 @p2 s2;
	s29 =	smov.u32 @p2 s8;
	v1 =	vld.msk @!p2 [tilespmem:s24+$0x0], $0xff  }
.LBB2_17:
.Ltmp17:
0x29c: {  	_ = 	snop;
	(pc) =	sbr.rel .LBB2_19-.Ltmp17, $3  }
0x29d: {  	s1 =	sld [smem:$0x7FD];
	_ =	sdelay $0x1  }
0x29e: {  	s0 =	sshrl.u32 s29, $0x2;
	s28 =	smov.u32 s26  }
0x29f: {  	s4 =	smov.u32 s6;
	s6 =	rddreg [dreg:$0x6];
	p4 =	seq.s32 s1, $0x1;
	[tilespmem:s30+$0x28] =	vst.add.f32.msk @!p2 $0xff, v1  }
.LBB2_21:
0x2a0: {  	_ =	sfence.sel $0x180000  }
0x2a1: {  	s0 =	simm.s32 $0x9;
	[bflag:$0x0] =	sbarrier.arrive $0xFFFF  }
0x2a2: {  	s24 =	simm.s32 $0xA;
	[sflag:s0] =	ssyncpa.u1 $0x1  }
0x2a3: {  	s25 =	simm.s32 $0xB;
	[sflag:s24] =	ssyncpa.u1 $0x1  }
0x2a4: {  	s26 =	simm.s32 $0x2;
	[sflag:s25] =	ssyncpa.u1 $0x1  }
0x2a5: {  	[sflag:s26] =	ssyncpa.u1 $0x1  }
0x2a6: {  	v0 =	vld [tilespmem:$0x3648];
	_ =	sdelay $0x4  }
0x2a7: {  	(v2sf) =	vpush v0, $0x0  }
0x2a8: {  	(v2sf) =	vpush v0, $0x1;
	_ =	sdelay $0x1  }
0x2a9: {  	(v2sf) =	vpush v0, $0x2;
	_ =	sdelay $0xb  }
0x2aa: {  	s0 =	spop (v2sf)  }
0x2ab: {  	s1 =	spop (v2sf)  }
0x2ac: {  	s2 =	smov.u32 s0;
	p0 =	sne.s32 s0, s1  }
0x2ad: {  	s4 =	spop (v2sf);
	s2 =	simm.s32 @!p0 $0xFFFFFFFF  }
0x2ae: {  	v2 =	vimm.s32 $0x1;
	v3 =	vlaneseq.u32;
	p0 =	seq.s32 s4, $0xFFFFFFFF;
	v1 =	vmov s2  }
0x2af: {  	s16 =	stileid.u32;
	v0 =	vperm.xlane v0, v2;
	p1 =	sne.s32 @!p0 s0, s1;
	v1 =	vperm.xlane v1, v3  }
0x2b0: {  	vm0 =	vcmask $0x3F04;
	s6 =	simm.s32 $0x3648;
	s0 =	simm.s32 @!p0 $0x1;
	p1 =	por !p1, p0  }
0x2b1: {  	s2 =	sshll.u32 s16, $0x1;
	s1 =	sshll.u32 @!p0 s4, $0x6;
	s0 =	simm.s32 @p1 $0x0;
	v0 =	vsel vm0, v1, v0  }
0x2b2: {  	s5 =	sor.u32 $0x200, s2;
	s1 =	sshra.s32 @!p0 s1, $0x2;
	s0 =	sor.u32 @!p0 s0, s2;
	[tilespmem:$0x3648] =	vst v0  }
0x2b3: {  	[spmem:s5] =	stream.linear.scatter [tilespmem:s6], [sflag:$0x1], $0x2, $0x38;
	[tilespmem:$0x1F0F8] =	vst v63  }
0x2b4: {  	s1 =	sadd.s32 @!p0 $0x28, s1;
	s0 =	sshll.u32 @!p0 s0, $0x4  }
0x2b5: {  	[spmem:s0] =	stream.linear.scatter @!p0 [tilespmem:s1], [sflag:$0x1], $0x10, $0x38;
	[tilespmem:$0x1F0F8] =	vst v63  }
0x2b6: {  	s0 =	simm.s32 @!p0 $0x12  }
0x2b7: {  	s28 =	simm.s32 $0x1;
	s0 =	simm.s32 @p0 $0x2  }
0x2b8: {  	_ =	swait.ge [sflag:s28], s0  }
0x2b9: {  	s0 =	ssub.s32 $0x0, s0;
	[sflag:s28] =	ssyncset.done $0x0  }
0x2ba: {  	p0 =	sne.s32 s16, $0x0;
	[sflag:s28] =	ssyncadd.s32 s0  }
.Ltmp18:
0x2bb: {  	_ =	sfence.stream.spmem;
	(pc) =	sbr.rel @p0 .LBB2_38-.Ltmp18, $4  }
0x2bc: {  	s29 =	simm.s32 $0x3;
	[bflag:$0x0] =	sbarrier.arrive $0xFFFF  }
0x2bd: {  	s30 =	simm.s32 $0x4;
	[sflag:s29] =	ssyncpa.u1 $0x1  }
0x2be: {  	s31 =	simm.s32 $0x3C;
	[sflag:s30] =	ssyncpa.u1 $0x1  }
0x2bf: {  	s17 =	rddreg [dreg:$0x5];
	[sflag:s31] =	ssyncpa.u1 $0x1  }
0x2c0: {  	_ =	sfence.stream.spmem;
	s0 =	simm.s32 $0x5  }
0x2c1: {  	s1 =	simm.s32 $0x200;
	s2 =	simm.s32 $0x3658;
	[sflag:s0] =	ssyncpa.u1 $0x0  }
0x2c2: {  	[tilespmem:s2], [sflag:$0x5] =	stream.linear.gather [spmem:s1], $0x20, $0x38;
	[tilespmem:$0x1F0F8] =	vst v63  }
0x2c3: {  	s26 =	simm.s32 $0x0;
	s28 =	simm.s32 $0x3678  }
0x2c4: {  	[tilespmem:s28], [sflag:$0x5] =	stream.linear.gather [spmem:s26], $0x200, $0x38;
	[tilespmem:$0x1F0F8] =	vst v63  }
0x2c5: {  	_ =	swait.ge [sflag:s0], $0x220  }
0x2c6: {  	[sflag:s0] =	ssyncset.done $0x0  }
0x2c7: {  	s29 =	simm.s32 $0x0;
	[sflag:s0] =	ssyncadd.s32 $0xFFFFFDE0  }
0x2c8: {  	v0 =	vld.msk [tilespmem:s29+$0x3658], $0x1;
	_ =	sdelay $0x1  }
0x2c9: {  	s30 =	simm.s32 $0x1  }
0x2ca: {  	v1 =	vld.msk [tilespmem:s30+$0x3658], $0x1;
	_ =	sdelay $0x1  }
0x2cb: {  	(v2sf) =	vpush v0, $0x0;
	_ =	sdelay $0x2  }
0x2cc: {  	(v2sf) =	vpush v1, $0x0;
	_ =	sdelay $0x2  }
0x2cd: {  	s31 =	simm.s32 $0x2  }
0x2ce: {  	v0 =	vld.msk [tilespmem:s31+$0x3658], $0x1;
	_ =	sdelay $0x2  }
0x2cf: {  	s6 =	simm.s32 $0xFFFFFFFF;
	s1 =	simm.s32 $0xFFFFFFFF;
	s0 =	simm.s32 $0xC  }
.LBB2_23:
0x2d0: {  	s2 =	smov.u32 s6;
	s4 =	smov.u32 s1  }
0x2d1: {  	s1 =	sshra.s32 s0, $0x2;
	p1 =	sne.s32 s0, $0x7C;
	s0 =	sadd.s32 $0x4, s0;
	(v2sf) =	vpush v0, $0x0  }
0x2d2: {  	v0 =	vld.msk [tilespmem:s1+$0x3658], $0x1  }
.Ltmp19:
0x2d3: {  	(pc) =	sbr.rel @p1 .LBB2_23-.Ltmp19, $4  }
0x2d4: {  	s6 =	spop (v2sf)  }
0x2d5: {  	p2 =	sne.s32 s4, $0xFFFFFFFF;
	s1 =	smov.u32 s6  }
0x2d6: {  	p3 =	seq.s32 s6, $0xFFFFFFFF;
	s1 =	smov.u32 @p2 s4  }
0x2d7: {  	s6 =	smov.u32 @p3 s2;
	s1 =	smov.u32 @p3 s4  }
0x2d8: {  	(v2sf) =	vpush v0, $0x0;
	_ =	sdelay $0x8  }
0x2d9: {  	s0 =	spop (v2sf)  }
0x2da: {  	p1 =	sne.s32 s1, $0xFFFFFFFF;
	s2 =	smov.u32 s0  }
0x2db: {  	s9 =	simm.s32 $0x6;
	p2 =	seq.s32 s0, $0xFFFFFFFF;
	s2 =	smov.u32 @p1 s1  }
0x2dc: {  	s10 =	simm.s32 $0x3638;
	s2 =	smov.u32 @p2 s1;
	s1 =	spop (v2sf)  }
0x2dd: {  	s0 =	smov.u32 @p2 s6;
	p1 =	sne.s32 s2, $0xFFFFFFFF;
	s4 =	smov.u32 s1  }
.Ltmp20:
0x2de: {  	p2 =	seq.s32 s1, $0xFFFFFFFF;
	s4 =	smov.u32 @p1 s2;
	(pc) =	sbr.rel .LBB2_25-.Ltmp20, $4  }
0x2df: {  	s11 =	simm.s32 $0x0;
	s4 =	smov.u32 @p2 s2;
	s7 =	spop (v2sf)  }
0x2e0: {  	[sflag:s9] =	ssyncpa.u1 $0x0;
	p1 =	sne.s32 s4, $0xFFFFFFFF;
	s8 =	smov.u32 s7  }
0x2e1: {  	s1 =	smov.u32 @p2 s0;
	p2 =	seq.s32 s7, $0xFFFFFFFF;
	s8 =	smov.u32 @p1 s4  }
0x2e2: {  	s6 =	simm.s32 $0x0;
	s7 =	smov.u32 @p2 s1;
	s8 =	smov.u32 @p2 s4  }
.LBB2_30:
0x2e3: {  	p1 =	sgt.u32 s12, $0x270FF  }
0x2e4: {  	p2 =	seq.s32 @!p1 s12, s8  }
0x2e5: {  	p1 =	por p1, p2  }
0x2e6: {  	p2 =	sne.s32 @!p1 s12, s7  }
0x2e7: {  	p1 =	por p1, !p2  }
0x2e8: {  	s0 =	sshll.u32 @p1 s11, $0x6  }
0x2e9: {  	s0 =	sand.u32 @!p1 $0x3FFF8, s12  }
0x2ea: {  	s1 =	sand.u32 @!p1 $0x7, s12;
	s0 =	sadd.s32 @!p1 s3, s0  }
0x2eb: {  	[tilespmem:s10], [sflag:$0x6] =	stream.linear.gather @!p1 [hbm4b:s0+s1], $0x8, $0x38;
	[tilespmem:$0x1F0F8] =	vst v63  }
0x2ec: {  	_ =	swait.ge @!p1 [sflag:s9], $0x8  }
0x2ed: {  	[sflag:s9] =	ssyncset.done @!p1 $0x0  }
0x2ee: {  	[sflag:s9] =	ssyncadd.s32 @!p1 $0xFFFFFFF8  }
0x2ef: {  	v1 =	vld @!p1 [tilespmem:$0x3638];
	_ =	sdelay $0x2  }
0x2f0: {  	s0 =	sshll.u32 @!p1 s11, $0x6  }
0x2f1: {  	s1 =	sshrl.u32 @!p1 s0, $0x2  }
0x2f2: {  	[tilespmem:s1+$0x3678] =	vst.add.f32.msk @!p1 $0xffff, v1  }
0x2f3: {  	s0 =	sshrl.u32 s0, $0x2;
	[tilespmem:s6+$0x3658] =	vst.msk $0x1, v0  }
0x2f4: {  	v0 =	vld [tilespmem:s0+$0x3678];
	_ =	sdelay $0x2  }
0x2f5: {  	s31 =	sshll.u32 s6, $0x6  }
0x2f6: {  	s0 =	sshra.s32 s31, $0x2  }
0x2f7: {  	s6 =	sadd.s32 $0x1, s6;
	[tilespmem:s0+$0x3678] =	vst v0  }
.LBB2_32:
0x2f8: {  	s11 =	sadd.s32 $0x1, s11  }
0x2f9: {  	p1 =	sne.s32 s11, $0x20  }
.Ltmp21:
0x2fa: {  	_ = 	snop;
	(pc) =	sbr.rel @!p1 .LBB2_33-.Ltmp21, $1  }
0x2fb: {  	_ =	sdelay $0x3  }
.LBB2_25:
0x2fc: {  	v0 =	vld.msk [tilespmem:s11+$0x3658], $0x1;
	_ =	sdelay $0x4  }
0x2fd: {  	(v2sf) =	vpush v0, $0x0;
	_ =	sdelay $0xe  }
0x2fe: {  	s12 =	spop (v2sf)  }
0x2ff: {  	p1 =	seq.s32 s12, $0xFFFFFFFF  }
.Ltmp22:
0x300: {  	_ = 	snop;
	(pc) =	sbr.rel @p1 .LBB2_32-.Ltmp22, $1  }
0x301: {  	_ =	sdelay $0x3  }
0x302: {  	p1 =	slt.s32 s6, $0x1  }
.Ltmp23:
0x303: {  	_ = 	snop;
	(pc) =	sbr.rel @p1 .LBB2_30-.Ltmp23, $1  }
0x304: {  	_ =	sdelay $0x3  }
0x305: {  	s13 =	simm.s32 $0x3658;
	p1 =	por $0x0, $0x0  }
0x306: {  	v1 =	vld.msk @!p1 [tilespmem:s13+$0x0], $0x1;
	_ =	sdelay $0x4  }
0x307: {  	(v2sf) =	vpush @!p1 v1, $0x0;
	_ =	sdelay $0xd  }
0x308: {  	p3 =	sne.s32 s6, $0x1  }
.Ltmp24:
0x309: {  	s0 =	spop @!p1 (v2sf);
	(pc) =	sbr.rel @!p3 .LBB2_29-.Ltmp24, $4  }
0x30a: {  	p2 =	seq.s32 @!p1 s12, s0  }
0x30b: {  	s14 =	simm.s32 $0x0;
	p2 =	por !p2, p1  }
0x30c: {  	s0 =	simm.s32 $0xFFFFFFFF;
	s14 =	simm.s32 @p2 $0xFFFFFFFF  }
0x30d: {  	s15 =	simm.s32 $0x1;
	s14 =	smov.u32 @p1 s0  }
.LBB2_28:
0x30e: {  	s0 =	smov.u32 s14;
	p1 =	sne.s32 s14, $0xFFFFFFFF  }
0x30f: {  	s13 =	sadd.s32 $0x1, s13;
	s14 =	smov.u32 s15;
	s15 =	sadd.s32 $0x1, s15  }
0x310: {  	p2 =	sne.s32 s6, s15;
	v1 =	vld.msk @!p1 [tilespmem:s13+$0x0], $0x1;
	_ =	sdelay $0x4  }
0x311: {  	(v2sf) =	vpush @!p1 v1, $0x0;
	_ =	sdelay $0xe  }
.Ltmp25:
0x312: {  	s1 =	spop @!p1 (v2sf);
	(pc) =	sbr.rel @p2 .LBB2_28-.Ltmp25, $4  }
0x313: {  	p3 =	seq.s32 @!p1 s12, s1  }
0x314: {  	p3 =	por !p3, p1  }
0x315: {  	s14 =	simm.s32 @p3 $0xFFFFFFFF  }
0x316: {  	s14 =	smov.u32 @p1 s0  }
.LBB2_29:
0x317: {  	p1 =	sne.s32 s14, $0xFFFFFFFF  }
.Ltmp26:
0x318: {  	_ = 	snop;
	(pc) =	sbr.rel @!p1 .LBB2_30-.Ltmp26, $1  }
0x319: {  	_ =	sdelay $0x3  }
0x31a: {  	s0 =	sshll.u32 s11, $0x4  }
0x31b: {  	s0 =	sand.u32 $0x3FFFFFF0, s0  }
0x31c: {  	v0 =	vld [tilespmem:s0+$0x3678]  }
.Ltmp27:
0x31d: {  	_ = 	snop;
	(pc) =	sbr.rel .LBB2_32-.Ltmp27, $4  }
0x31e: {  	_ = 	snop  }
0x31f: {  	s31 =	sshll.u32 s14, $0x6  }
0x320: {  	s0 =	sshra.s32 s31, $0x2  }
0x321: {  	[tilespmem:s0+$0x3678] =	vst.add.f32.msk $0xffff, v0  }
.LBB2_33:
0x322: {  	s0 =	simm.s32 $0x6;
	p1 =	seq.s32 s6, $0x0  }
0x323: {  	[sflag:s0] =	ssyncpa.u1 $0x1;
	v0 =	vimm.s32 @p1 $0xFFFFFFFF  }
0x324: {  	s9 =	sadd.s32 $0xFFFFFFFF, s6;
	[tilespmem:$0x3878] =	vst @p1 v0  }
0x325: {  	v0 =	vld.msk @!p1 [tilespmem:s9+$0x3658], $0x1;
	_ =	sdelay $0x1  }
0x326: {  	v1 =	vld.msk @!p1 [tilespmem:$0x3658], $0x1;
	_ =	sdelay $0x2  }
0x327: {  	p2 =	seq.s32 @!p1 s9, $0x0;
	v0 =	vbroadcast @!p1 v0, $0x0  }
0x328: {  	vm0 =	vmmov @!p1 $0x1;
	p2 =	por !p2, p1  }
0x329: {  	v1 =	vnsel @!p1 vm0, $0xFFFFFFFF, v1;
	vm0 =	vcmask @!p1 $0x308;
	v0 =	vpsel !p2, $0xFFFFFFFF, v0  }
0x32a: {  	p2 =	sne.s32 @!p1 s8, s7;
	v0 =	vsel @!p1 vm0, v1, v0  }
0x32b: {  	s0 =	simm.s32 @!p1 $0x3678;
	s1 =	simm.s32 @!p1 $0x0;
	p3 =	por !p2, p1;
	[tilespmem:$0x3878] =	vst @!p1 v0  }
0x32c: {  	[spmem:s1] =	stream.linear.scatter @!p1 [tilespmem:s0], [sflag:$0x1], $0x10, $0x38;
	[tilespmem:$0x1F0F8] =	vst v63  }
0x32d: {  	s0 =	sshll.u32 @!p3 s9, $0x6  }
0x32e: {  	s0 =	sshra.s32 @!p3 s0, $0x2  }
0x32f: {  	s1 =	simm.s32 @!p3 $0x10;
	s0 =	sadd.s32 @!p3 $0x3678, s0  }
0x330: {  	[spmem:s1] =	stream.linear.scatter @!p3 [tilespmem:s0], [sflag:$0x1], $0x10, $0x38;
	[tilespmem:$0x1F0F8] =	vst v63  }
0x331: {  	s0 =	simm.s32 @!p3 $0x1  }
0x332: {  	_ =	swait.ge @!p3 [sflag:s0], $0x20  }
0x333: {  	p1 =	por p2, p1;
	[sflag:s0] =	ssyncset.done @!p3 $0x0  }
0x334: {  	[sflag:s0] =	ssyncadd.s32 @!p3 $0xFFFFFFE0;
	s0 =	simm.s32 @!p1 $0x1  }
0x335: {  	_ =	swait.ge @!p1 [sflag:s0], $0x10  }
0x336: {  	s29 =	simm.s32 $0x3878;
	[sflag:s0] =	ssyncset.done @!p1 $0x0  }
0x337: {  	s30 =	simm.s32 $0x200;
	s31 =	simm.s32 $0x1;
	[sflag:s0] =	ssyncadd.s32 @!p1 $0xFFFFFFF0  }
0x338: {  	[spmem:s30] =	stream.linear.scatter [tilespmem:s29], [sflag:$0x1], $0x10, $0x38;
	[tilespmem:$0x1F0F8] =	vst v63  }
0x339: {  	_ =	swait.ge [sflag:s31], $0x10  }
0x33a: {  	[sflag:s31] =	ssyncset.done $0x0  }
0x33b: {  	p1 =	seq.s32 s17, $0x0;
	s8 =	rddreg [dreg:$0x1];
	[sflag:s31] =	ssyncadd.s32 $0xFFFFFFF0  }
0x33c: {  	s1 =	sshll.u32 @p1 s8, $0xE;
	s7 =	rddreg [dreg:$0x2]  }
0x33d: {  	s0 =	sadd.s32 @p1 $0x15C3C, s1;
	s1 =	sshll.u32 @p1 s7, $0x11  }
0x33e: {  	_ =	sfence.stream.spmem;
	s0 =	sor.u32 @p1 s1, s0  }
0x33f: {  	[sflag:s0] =	ssyncadd.remote.s32 @p1 $0x1;
	s0 =	simm.s32 @p1 $0x4  }
0x340: {  	s2 =	simm.s32 @!p1 $0x3C;
	s1 =	sand.u32 $0xFFFFFFFE, s8;
	_ =	swait.ge @p1 [sflag:s0], $0x6  }
0x341: {  	s4 =	simm.s32 @!p1 $0x0;
	s1 =	sadd.s32 @!p1 $0x4, s1;
	[sflag:s0] =	ssyncset.done @p1 $0x0  }
0x342: {  	s5 =	simm.s32 @!p1 $0x20;
	[sflag:s0] =	ssyncadd.s32 @p1 $0xFFFFFFFA;
	s0 =	sshll.u32 @!p1 s1, $0x1A  }
0x343: {  	s1 =	sshll.u32 @!p1 s1, $0xD;
	s0 =	sor.u32 @!p1 s0, s7;
	_ =	swait.eq @!p1 [sflag:s2], $0x1  }
0x344: {  	s1 =	sor.u32 @!p1 $0x1C04, s1;
	s2 =	simm.s32 @!p1 $0x1C03;
	s0 =	sor.u32 @!p1 $0x80004000, s0  }
0x345: {  	[spmem:s5], [sflag:s1] =	dma.general @!p1 [spmem:s4], [sflag:s2], length:$0x4, [dreg:$0x0], stride_count:$0x0, ici_dest:s0, dma_misc:DstOpCode:WRITE  }
0x346: {  	p2 =	slt.s32 s9, $0x2;
	s4 =	simm.s32 @!p1 $0x40;
	s5 =	simm.s32 @!p1 $0x42  }
0x347: {  	[spmem:s5], [sflag:s1] =	dma.general @!p1 [spmem:s4], [sflag:s2], length:$0x2, [dreg:$0x0], stride_count:$0x0, ici_dest:s0, dma_misc:DstOpCode:WRITE  }
.Ltmp28:
0x348: {  	s0 =	simm.s32 @!p1 $0x3;
	(pc) =	sbr.rel @p2 .LBB2_37-.Ltmp28, $4  }
0x349: {  	s1 =	sshll.u32 @!p1 s8, $0xE;
	_ =	swait.ge @!p1 [sflag:s0], $0x6  }
0x34a: {  	s2 =	sshll.u32 @!p1 s7, $0x11;
	s1 =	sadd.s32 @!p1 $0x11C3C, s1;
	[sflag:s0] =	ssyncset.done @!p1 $0x0  }
0x34b: {  	[sflag:s0] =	ssyncadd.s32 @!p1 $0xFFFFFFFA;
	s0 =	sor.u32 @!p1 s2, s1  }
0x34c: {  	[sflag:s0] =	ssyncadd.remote.s32 @!p1 $0xFFFFFFFF;
	s0 =	simm.s32 $0x0  }
0x34d: {  	s0 =	simm.s32 $0x3659  }
0x34e: {  	v0 =	vld.msk [tilespmem:s0+$0x0], $0x1;
	_ =	sdelay $0x4  }
0x34f: {  	(v2sf) =	vpush v0, $0x0;
	_ =	sdelay $0xd  }
0x350: {  	s2 =	sadd.s32 $0xFFFFFFFE, s6  }
0x351: {  	s2 =	sadd.s32 $0xFFFFFFFF, s2;
	s0 =	spop (v2sf)  }
0x352: {  	p2 =	sne.s32 s2, $0x0;
	p1 =	sgt.u32 s0, $0x270FF  }
.Ltmp29:
0x353: {  	s4 =	sand.u32 @!p1 $0x3FFF8, s0;
	(pc) =	sbr.rel @!p2 .LBB2_36-.Ltmp29, $4  }
0x354: {  	s1 =	simm.s32 $0x3688;
	s0 =	sand.u32 @!p1 $0x7, s0;
	s4 =	sadd.s32 @!p1 s3, s4  }
0x355: {  	[hbm4b:s4+s0] =	stream.linear.scatter @!p1 [tilespmem:s1], [sflag:$0x5], $0x8, $0x38;
	[tilespmem:$0x1F0F8] =	vst v63  }
0x356: {  	s0 =	simm.s32 $0x0  }
0x357: {  	s6 =	simm.s32 $0x0;
	s7 =	simm.s32 $0x365A;
	s0 =	simm.s32 @!p1 $0x20  }
.LBB2_35:
0x358: {  	v0 =	vld.msk [tilespmem:s7+$0x0], $0x1;
	s2 =	sadd.s32 $0xFFFFFFFF, s2;
	s6 =	sadd.s32 s6, s0  }
0x359: {  	p1 =	sne.s32 s2, $0x0;
	_ =	sdelay $0x3  }
0x35a: {  	(v2sf) =	vpush v0, $0x0;
	_ =	sdelay $0xe  }
.Ltmp30:
0x35b: {  	s4 =	spop (v2sf);
	(pc) =	sbr.rel @p1 .LBB2_35-.Ltmp30, $4  }
0x35c: {  	s0 =	simm.s32 $0x0;
	p2 =	sgt.u32 s4, $0x270FF  }
0x35d: {  	s1 =	sadd.s32 $0x10, s1;
	s0 =	simm.s32 @!p2 $0x20;
	s5 =	sand.u32 @!p2 $0x3FFF8, s4  }
0x35e: {  	s7 =	sadd.s32 $0x1, s7;
	s4 =	sand.u32 @!p2 $0x7, s4;
	s5 =	sadd.s32 @!p2 s3, s5  }
0x35f: {  	[hbm4b:s5+s4] =	stream.linear.scatter @!p2 [tilespmem:s1], [sflag:$0x5], $0x8, $0x38;
	[tilespmem:$0x1F0F8] =	vst v63  }
.LBB2_36:
0x360: {  	s0 =	sadd.s32 s6, s0  }
0x361: {  	s0 =	sshrl.u32 s0, $0x2  }
.LBB2_37:
0x362: {  	s1 =	simm.s32 $0x5  }
0x363: {  	_ =	swait.ge [sflag:s1], s0  }
0x364: {  	s31 =	ssub.s32 $0x0, s0;
	[sflag:s1] =	ssyncset.done $0x0  }
0x365: {  	[sflag:s1] =	ssyncadd.s32 s31  }
0x366: {  	[sflag:s1] =	ssyncpa.u1 $0x1  }
.LBB2_38:
0x367: {  	s0 =	sor.u32 s17, s16  }
0x368: {  	p1 =	sne.s32 s0, $0x0  }
.Ltmp31:
0x369: {  	_ = 	snop;
	(pc) =	sbr.rel @p1 .LBB2_53-.Ltmp31, $3  }
0x36a: {  	_ =	sdelay $0x1  }
0x36b: {  	[bflag:$0x0] =	sbarrier.arrive $0xFFFF  }
0x36c: {  	_ =	sfence  }
0x36d: {  	s0 =	simm.s32 $0x7  }
0x36e: {  	s1 =	simm.s32 $0x200;
	s2 =	simm.s32 $0x3658;
	[sflag:s0] =	ssyncpa.u1 $0x0  }
0x36f: {  	[tilespmem:s2], [sflag:$0x7] =	stream.linear.gather [spmem:s1], $0x20, $0x38;
	[tilespmem:$0x1F0F8] =	vst v63  }
0x370: {  	s30 =	simm.s32 $0x3678;
	s1 =	simm.s32 $0x0  }
0x371: {  	[tilespmem:s30], [sflag:$0x7] =	stream.linear.gather [spmem:s1], $0x200, $0x38;
	[tilespmem:$0x1F0F8] =	vst v63  }
.Ltmp32:
0x372: {  	_ = 	snop;
	(pc) =	sbr.rel .LBB2_40-.Ltmp32, $4  }
0x373: {  	_ =	swait.ge [sflag:s0], $0x220  }
0x374: {  	[sflag:s0] =	ssyncset.done $0x0  }
0x375: {  	s31 =	simm.s32 $0x8;
	[sflag:s0] =	ssyncadd.s32 $0xFFFFFDE0  }
0x376: {  	s2 =	simm.s32 $0x0;
	[sflag:s31] =	ssyncpa.u1 $0x0  }
.LBB2_45:
0x377: {  	p1 =	slt.u32 s4, $0x27100  }
0x378: {  	s0 =	sand.u32 @p1 $0x3FFF8, s4  }
0x379: {  	s4 =	sand.u32 @p1 $0x7, s4;
	s5 =	simm.s32 @p1 $0x3638;
	s0 =	sadd.s32 @p1 s3, s0  }
0x37a: {  	[tilespmem:s5], [sflag:$0x8] =	stream.linear.gather @p1 [hbm4b:s0+s4], $0x8, $0x38;
	[tilespmem:$0x1F0F8] =	vst v63  }
0x37b: {  	s0 =	simm.s32 @p1 $0x8  }
0x37c: {  	_ =	swait.ge @p1 [sflag:s0], $0x8  }
0x37d: {  	[sflag:s0] =	ssyncset.done @p1 $0x0  }
0x37e: {  	[sflag:s0] =	ssyncadd.s32 @p1 $0xFFFFFFF8  }
0x37f: {  	v1 =	vld @p1 [tilespmem:$0x3638];
	_ =	sdelay $0x2  }
0x380: {  	s0 =	sshll.u32 @p1 s2, $0x6  }
0x381: {  	s5 =	sshll.u32 @!p1 s2, $0x6;
	s4 =	sshrl.u32 @p1 s0, $0x2  }
0x382: {  	s5 =	smov.u32 @p1 s0;
	[tilespmem:s4+$0x3678] =	vst.add.f32.msk @p1 $0xffff, v1  }
0x383: {  	s0 =	sshrl.u32 s5, $0x2;
	[tilespmem:s1+$0x3658] =	vst.msk $0x1, v0  }
0x384: {  	v0 =	vld [tilespmem:s0+$0x3678];
	_ =	sdelay $0x2  }
0x385: {  	s31 =	sshll.u32 s1, $0x6  }
0x386: {  	s0 =	sshra.s32 s31, $0x2  }
0x387: {  	s1 =	sadd.s32 $0x1, s1;
	[tilespmem:s0+$0x3678] =	vst v0  }
.LBB2_47:
0x388: {  	s2 =	sadd.s32 $0x1, s2  }
0x389: {  	p1 =	sne.s32 s2, $0x20  }
.Ltmp33:
0x38a: {  	_ = 	snop;
	(pc) =	sbr.rel @!p1 .LBB2_48-.Ltmp33, $1  }
0x38b: {  	_ =	sdelay $0x3  }
.LBB2_40:
0x38c: {  	v0 =	vld.msk [tilespmem:s2+$0x3658], $0x1;
	_ =	sdelay $0x4  }
0x38d: {  	(v2sf) =	vpush v0, $0x0;
	_ =	sdelay $0xe  }
0x38e: {  	s4 =	spop (v2sf)  }
0x38f: {  	p1 =	seq.s32 s4, $0xFFFFFFFF  }
.Ltmp34:
0x390: {  	_ = 	snop;
	(pc) =	sbr.rel @p1 .LBB2_47-.Ltmp34, $1  }
0x391: {  	_ =	sdelay $0x3  }
0x392: {  	p1 =	slt.s32 s1, $0x1  }
.Ltmp35:
0x393: {  	_ = 	snop;
	(pc) =	sbr.rel @p1 .LBB2_45-.Ltmp35, $1  }
0x394: {  	_ =	sdelay $0x3  }
0x395: {  	s5 =	simm.s32 $0x3658;
	p1 =	por $0x0, $0x0  }
0x396: {  	v1 =	vld.msk @!p1 [tilespmem:s5+$0x0], $0x1;
	_ =	sdelay $0x4  }
0x397: {  	(v2sf) =	vpush @!p1 v1, $0x0;
	_ =	sdelay $0xd  }
0x398: {  	p3 =	sne.s32 s1, $0x1  }
.Ltmp36:
0x399: {  	s0 =	spop @!p1 (v2sf);
	(pc) =	sbr.rel @!p3 .LBB2_44-.Ltmp36, $4  }
0x39a: {  	p2 =	seq.s32 @!p1 s4, s0  }
0x39b: {  	s6 =	simm.s32 $0x0;
	p2 =	por !p2, p1  }
0x39c: {  	s0 =	simm.s32 $0xFFFFFFFF;
	s6 =	simm.s32 @p2 $0xFFFFFFFF  }
0x39d: {  	s7 =	simm.s32 $0x1;
	s6 =	smov.u32 @p1 s0  }
.LBB2_43:
0x39e: {  	s0 =	smov.u32 s6;
	p1 =	sne.s32 s6, $0xFFFFFFFF  }
0x39f: {  	s5 =	sadd.s32 $0x1, s5;
	s6 =	smov.u32 s7;
	s7 =	sadd.s32 $0x1, s7  }
0x3a0: {  	p2 =	sne.s32 s1, s7;
	v1 =	vld.msk @!p1 [tilespmem:s5+$0x0], $0x1;
	_ =	sdelay $0x4  }
0x3a1: {  	(v2sf) =	vpush @!p1 v1, $0x0;
	_ =	sdelay $0xe  }
.Ltmp37:
0x3a2: {  	s8 =	spop @!p1 (v2sf);
	(pc) =	sbr.rel @p2 .LBB2_43-.Ltmp37, $4  }
0x3a3: {  	p3 =	seq.s32 @!p1 s4, s8  }
0x3a4: {  	p3 =	por !p3, p1  }
0x3a5: {  	s6 =	simm.s32 @p3 $0xFFFFFFFF  }
0x3a6: {  	s6 =	smov.u32 @p1 s0  }
.LBB2_44:
0x3a7: {  	p1 =	sne.s32 s6, $0xFFFFFFFF  }
.Ltmp38:
0x3a8: {  	_ = 	snop;
	(pc) =	sbr.rel @!p1 .LBB2_45-.Ltmp38, $1  }
0x3a9: {  	_ =	sdelay $0x3  }
0x3aa: {  	s0 =	sshll.u32 s2, $0x4  }
0x3ab: {  	s0 =	sand.u32 $0x3FFFFFF0, s0  }
0x3ac: {  	v0 =	vld [tilespmem:s0+$0x3678]  }
.Ltmp39:
0x3ad: {  	_ = 	snop;
	(pc) =	sbr.rel .LBB2_47-.Ltmp39, $4  }
0x3ae: {  	_ = 	snop  }
0x3af: {  	s31 =	sshll.u32 s6, $0x6  }
0x3b0: {  	s0 =	sshra.s32 s31, $0x2  }
0x3b1: {  	[tilespmem:s0+$0x3678] =	vst.add.f32.msk $0xffff, v0  }
.LBB2_48:
0x3b2: {  	p1 =	slt.s32 s1, $0x1  }
.Ltmp40:
0x3b3: {  	_ = 	snop;
	(pc) =	sbr.rel @p1 .LBB2_52-.Ltmp40, $3  }
0x3b4: {  	_ =	sdelay $0x1  }
0x3b5: {  	s0 =	simm.s32 $0x8  }
0x3b6: {  	s2 =	simm.s32 $0x0;
	[sflag:s0] =	ssyncpa.u1 $0x1  }
0x3b7: {  	s0 =	simm.s32 $0x3658  }
0x3b8: {  	v0 =	vld.msk [tilespmem:s0+$0x0], $0x1;
	_ =	sdelay $0x4  }
0x3b9: {  	(v2sf) =	vpush v0, $0x0;
	_ =	sdelay $0xe  }
0x3ba: {  	s1 =	sadd.s32 $0xFFFFFFFF, s1;
	s0 =	spop (v2sf)  }
0x3bb: {  	p2 =	sne.s32 s1, $0x0;
	p1 =	sgt.u32 s0, $0x270FF  }
.Ltmp41:
0x3bc: {  	s5 =	sand.u32 @!p1 $0x3FFF8, s0;
	(pc) =	sbr.rel @!p2 .LBB2_51-.Ltmp41, $4  }
0x3bd: {  	s4 =	simm.s32 $0x3678;
	s0 =	sand.u32 @!p1 $0x7, s0;
	s5 =	sadd.s32 @!p1 s3, s5  }
0x3be: {  	[hbm4b:s5+s0] =	stream.linear.scatter @!p1 [tilespmem:s4], [sflag:$0x7], $0x8, $0x38;
	[tilespmem:$0x1F0F8] =	vst v63  }
0x3bf: {  	s0 =	simm.s32 $0x0  }
0x3c0: {  	s5 =	simm.s32 $0x3659;
	s0 =	simm.s32 @!p1 $0x20  }
.LBB2_50:
0x3c1: {  	v0 =	vld.msk [tilespmem:s5+$0x0], $0x1;
	s1 =	sadd.s32 $0xFFFFFFFF, s1;
	s2 =	sadd.s32 s2, s0  }
0x3c2: {  	p1 =	sne.s32 s1, $0x0;
	_ =	sdelay $0x3  }
0x3c3: {  	(v2sf) =	vpush v0, $0x0;
	_ =	sdelay $0xe  }
.Ltmp42:
0x3c4: {  	s6 =	spop (v2sf);
	(pc) =	sbr.rel @p1 .LBB2_50-.Ltmp42, $4  }
0x3c5: {  	s0 =	simm.s32 $0x0;
	p2 =	sgt.u32 s6, $0x270FF  }
0x3c6: {  	s4 =	sadd.s32 $0x10, s4;
	s0 =	simm.s32 @!p2 $0x20;
	s7 =	sand.u32 @!p2 $0x3FFF8, s6  }
0x3c7: {  	s5 =	sadd.s32 $0x1, s5;
	s6 =	sand.u32 @!p2 $0x7, s6;
	s7 =	sadd.s32 @!p2 s3, s7  }
0x3c8: {  	[hbm4b:s7+s6] =	stream.linear.scatter @!p2 [tilespmem:s4], [sflag:$0x7], $0x8, $0x38;
	[tilespmem:$0x1F0F8] =	vst v63  }
.LBB2_51:
0x3c9: {  	s0 =	sadd.s32 s2, s0  }
0x3ca: {  	s2 =	sshrl.u32 s0, $0x2  }
.LBB2_52:
0x3cb: {  	s0 =	simm.s32 $0x7  }
0x3cc: {  	_ =	swait.ge [sflag:s0], s2  }
0x3cd: {  	s1 =	ssub.s32 $0x0, s2;
	[sflag:s0] =	ssyncset.done $0x0  }
0x3ce: {  	[sflag:s0] =	ssyncadd.s32 s1  }
0x3cf: {  	[sflag:s0] =	ssyncpa.u1 $0x1  }
.LBB2_53:
0x3d0: {  	_ =	sfence;
	s0 =	simm.s32 $0x1  }
0x3d1: {  	[sflag:s0] =	ssyncpa.u1 $0x1  }
0x3d2: {  	_ =	strace $0x9000004D  }
0x3d3: {  	[bflag:$0x2] =	sbarrier.arrive $0xFFFF  }
0x3d4: {  	s0 =	rddreg [dreg:$0x3]  }
0x3d5: {  	s0 =	sadd.s32 @!p0 $0x100000, s0  }
0x3d6: {  	[sflag:s0] =	ssyncadd.tile.s32 @!p0 $0x1;
	_ =	shalt  }
.Lfunc_end2:
_tile_overlayer_lowered:
.L_overlay_start_2:
0x3d7: {  	(tag) =	ssettag $0x2  }
0x3d8: {  	s0 =	rddreg [dreg:$0x0];
	s2 =	stileid.u32  }
0x3d9: {  	s1 =	rddreg [dreg:$0x1];
	p0 =	sne.s32 s2, $0x0  }
0x3da: {  	s3 =	rddreg [dreg:$0x2];
	[bflag:$0x3] =	sbarrier.arrive $0xFFFF;
	s2 =	simm.s32 @!p0 $0x1C01  }
0x3db: {  	[timem:s3], [sflag:s2] =	dma.local @!p0 [hbm:s0], s1  }
0x3dc: {  	s0 =	simm.s32 @!p0 $0x1  }
0x3dd: {  	_ =	swait.ge @!p0 [sflag:s0], s1  }
0x3de: {  	s1 =	ssub.s32 @!p0 $0x0, s1;
	[sflag:s0] =	ssyncset.done @!p0 $0x0  }
0x3df: {  	[sflag:s0] =	ssyncadd.s32 @!p0 s1  }
0x3e0: {  	[bflag:$0x3] =	sbarrier.arrive $0xFFFF  }
0x3e1: {  	_ =	shalt  }

// kernel: sparse-core-data-format-call.1.cloned.1.call-start
scs
called_computation.3_lowered:
.L_overlay_start_0:
0x0: {  	s1 =	sld [smem:$0x3FD9]  }
0x1: {  	s2 =	sld [smem:$0x3FFE];
	_ =	sdelay $0x1  }
0x2: {  	s3 =	srdreg.scid  }
0x3: {  	s0 =	sand.u32 $0x1, s3  }
0x4: {  	s17 =	sshll.u32 s0, $0xA;
	s1 =	sadd.s32 s2, s1  }
0x5: {  	s1 =	sadd.s32 s1, s17  }
0x6: {  	[smem:$0x3FB3] =	sst s1  }
0x7: {  	_ = 	snop  }
0x8: {  	(tm) =	ssettm $0x1  }
0x9: {  	s18 =	sld [smem:$0x3FFB];
	_ =	sdelay $0x3  }
0xa: {  	_ =	strace s18  }
0xb: {  	s1 =	sld [smem:$0x3FFC];
	_ =	sdelay $0x3  }
0xc: {  	_ =	strace s1  }
0xd: {  	s1 =	sld [smem:$0x3FFD];
	_ =	sdelay $0x3  }
0xe: {  	_ =	strace s1  }
0xf: {  	_ =	strace $0x8FFFFFFF  }
0x10: {  	s19 =	sld [smem:$0x3FDB];
	_ =	sdelay $0x1  }
0x11: {  	s20 =	simm.s32 $_scs_section_size  }
0x12: {  	s4 =	simm.s32 $_size__tile_overlayer_lowered;
	s5 =	simm.s32 $_tile_overlayer_lowered  }
0x13: {  	s23 =	simm.s32 $0x1BFF;
	s22 =	sshll.u32 s5, $0x1;
	s1 =	sadd.s32 s20, s19  }
0x14: {  	s6 =	simm.s32 $0x0;
	s21 =	sshll.u32 s4, $0x1;
	s4 =	sadd.s32 s22, s1  }
0x15: {  	[timem:s6], [sflag:s23] =	dma.local [hbm:s4], s21  }
0x16: {  	_ =	swait.ge [sflag:s23], s21  }
0x17: {  	s2 =	ssub.s32 $0x0, s21;
	[sflag:s23] =	ssyncset.done $0x0  }
0x18: {  	[sflag:s23] =	ssyncadd.s32 s2;
	_ =	sdelay $0x1  }
0x19: {  	s24 =	simm.s32 $0x1B8B  }
0x1a: {  	_ =	swait.ge [sflag:s24], $0x1  }
0x1b: {  	[sflag:s24] =	ssyncset.done $0x0  }
0x1c: {  	s26 =	simm.s32 $0x1B8E;
	s25 =	sld [smem:$0x3FFE];
	[sflag:s24] =	ssyncadd.s32 $0xFFFFFFFF  }
0x1d: {  	s27 =	simm.s32 $execute0_lowered;
	[smem:$0x3FD2] =	sst s26  }
0x1e: {  	s4 =	sshll.u32 s27, $0x1;
	_ =	strace $0x80000046;
	[dreg:$0x1] =	wrdreg $0xFFFFFFFF  }
0x1f: {  	s28 =	simm.s32 $_size_execute0_lowered;
	s1 =	sadd.s32 s1, s4;
	[dreg:$0x0] =	wrdreg $0x0  }
0x20: {  	s4 =	sshll.u32 s28, $0x1;
	[dreg:$0x2] =	wrdreg s1  }
0x21: {  	[dreg:$0x3] =	wrdreg s4  }
0x22: {  	[dreg:$0x4] =	wrdreg $0xC0  }
0x23: {  	_ =	task [dreg:s6], $0x5FFFF  }
0x24: {  	[dreg:$0x1] =	wrdreg $0xFFFFFFFF  }
0x25: {  	[dreg:$0x0] =	wrdreg $0x60  }
0x26: {  	[dreg:$0x2] =	wrdreg s25  }
0x27: {  	[dreg:$0x3] =	wrdreg $0x9  }
0x28: {  	_ =	task.clear_ibuf [dreg:s6], $0x4FFFF;
	_ =	strace $0x90000046  }
0x29: {  	s29 =	simm.s32 $0x9;
	_ =	strace $0x80000048  }
0x2a: {  	_ =	swait.ge [sflag:s29], $0x1  }
0x2b: {  	[sflag:s29] =	ssyncadd.s32 $0xFFFFFFFF  }
0x2c: {  	_ =	strace $0x90000048  }
0x2d: {  	_ =	sfence  }
0x2e: {  	s30 =	sld [smem:$0x0];
	_ =	sdelay $0x2  }
0x2f: {  	s31 =	sshll.u32 s3, $0xD;
	s3 =	sshrl.u32 s3, $0x2  }
0x30: {  	s2 =	sand.u32 $0x4000, s31;
	s1 =	sadd.s32 s3, s30  }
0x31: {  	s0 =	sor.u32 s2, s0;
	s1 =	sshll.u32 s1, $0x11  }
0x32: {  	s0 =	sor.u32 s1, s0  }
0x33: {  	s0 =	sadd.s32 $0x8F2B, s0  }
0x34: {  	[sflag:s0] =	ssyncadd.remote.s32 $0x1  }
0x35: {  	_ =	sfence.sel $0xFFFF  }
0x36: {  	[dreg:$0x0] =	wrdreg $0xFFFFFFFF;
	(pc) =	sbr.abs _section_cstart, $3  }
0x37: {  	[dreg:$0x1] =	wrdreg $0xFFFFFFFF  }
0x38: {  	_ =	task.clear_ibuf [dreg:s6], $0x2FFFF;
	_ =	strace $0x9FFFFFFF  }
0x39: {  	(tm) =	ssettm $0x7FFFFFFF  }
tec
execute0_lowered:
.L_overlay_start_1:
0x0: {  	(tag) =	ssettag $0x1  }
0x1: {  	s0 =	srdreg.scid  }
0x2: {  	s1 =	sshll.u32 s0, $0x4  }
0x3: {  	s4 =	rddreg [dreg:$0x0];
	s0 =	stileid.u32;
	s1 =	sand.u32 $0x10, s1  }
0x4: {  	s7 =	simm.s32 $0x1;
	s8 =	simm.s32 $0x2;
	s2 =	sor.u32 s0, s1  }
0x5: {  	s11 =	simm.s32 $0x0;
	s3 =	sadd.s32 $0x892400, s4;
	s2 =	sshll.u32 s2, $0x7  }
0x6: {  	s10 =	simm.s32 $0x0;
	s4 =	sadd.s32 $0x13F400, s4;
	s6 =	ssub.s32 $0x75300, s2  }
.Ltmp0:
0x7: {  	s1 =	rddreg [dreg:$0x1];
	s5 =	sand.u32 $0xF80, s6;
	(pc) =	sbr.rel .LBB1_1-.Ltmp0, $4  }
0x8: {  	_ =	strace $0x80000047;
	s9 =	smov.u32 s2;
	p0 =	sne.s32 s5, $0x0  }
0x9: {  	s6 =	sshrl.u32 s6, $0xC;
	s5 =	simm.s32 $0x1;
	s7 =	simm.s32 @!p0 $0x0  }
0xa: {  	[sflag:s5] =	ssyncpa.u1 $0x0;
	p0 =	por $0x0, $0x0;
	s6 =	sadd.s32 s7, s6  }
0xb: {  	[sflag:s8] =	ssyncpa.u1 $0x0;
	s8 =	simm.s32 $0x3A9800;
	s7 =	sadd.s32 $0x1, s6  }
.LBB1_4:
0xc: {  	v5 =	vld [tilespmem:s15+$0xFFFFFFD0];
	[tilespmem:s14+$0x2040 ss:$0x81] =	vst.msk $0xffff, v3;
	s17 =	sshll.u32 s11, $0x3  }
0xd: {  	v58 =	vld [tilespmem:s15+$0xFFFFFFE0];
	[tilespmem:s14+$0x2850 ss:$0x81] =	vst.msk $0xffff, v4;
	s25 =	sand.u32 $0x7F, s11;
	s17 =	sand.u32 $0xFFFFFC00, s17  }
0xe: {  	s16 =	sshra.s32 s16, $0x2;
	v59 =	vld [tilespmem:s15+$0xFFFFFFF0];
	[tilespmem:s14+$0x3060 ss:$0x81] =	vst.msk $0xffff, v2;
	s11 =	sor.u32 s25, s17  }
0xf: {  	v60 =	vld [tilespmem:s15+$0x0];
	[tilespmem:s14+$0x0 ss:$0x81] =	vst.msk $0xffff, v0;
	s13 =	sadd.s32 s16, s13;
	s26 =	smulhi.u32 $0x45E7B273, s11  }
0x10: {  	v61 =	vld [tilespmem:s15+$0x10];
	[tilespmem:s13+$0x3870 ss:$0x81] =	vst.msk $0xffff, v1  }
0x11: {  	v62 =	vld [tilespmem:s15+$0x20];
	s27 =	smulhi.u32 $0x45E7B273, s17;
	[tilespmem:s13+$0x810 ss:$0x81] =	vst.msk $0xffff, v5;
	s14 =	sshrl.u32 s26, $0x11  }
0x12: {  	v63 =	vld [tilespmem:s15+$0xFFFFFFC0];
	[tilespmem:s13+$0x1020 ss:$0x81] =	vst.msk $0xffff, v58;
	s14 =	smul.u32 $0x75300, s14  }
0x13: {  	s28 =	sshrl.u32 s27, $0x11;
	[tilespmem:s13+$0x1830 ss:$0x81] =	vst.msk $0xffff, v59  }
0x14: {  	[tilespmem:s13+$0x2040 ss:$0x81] =	vst.msk $0xffff, v60;
	s29 =	sand.u32 $0x7F, s28;
	s11 =	ssub.s32 s11, s14  }
0x15: {  	[tilespmem:s13+$0x2850 ss:$0x81] =	vst.msk $0xffff, v61;
	s14 =	smul.u32 $0xEA60, s29;
	s30 =	sshrl.u32 s11, $0x3;
	s11 =	sand.u32 $0x7, s11  }
0x16: {  	[tilespmem:s13+$0x3060 ss:$0x81] =	vst.msk $0xffff, v62;
	s15 =	sadd.s32 s4, s30;
	s11 =	sshll.u32 s11, $0x12  }
0x17: {  	[tilespmem:s13+$0x0 ss:$0x81] =	vst.msk $0xffff, v63;
	s31 =	sadd.s32 s14, s15;
	s11 =	sor.u32 $0x400, s11  }
0x18: {  	[hbm4b:s31+s11] =	stream.strided.scatter [tilespmem:s12], [sflag:$0x2], $0x4000, s8, s11, $0x20;
	[tilespmem:$0x10100] =	vst v63  }
.LBB1_5:
0x19: {  	s13 =	sadd.s32 $0x1000, s9  }
0x1a: {  	p2 =	sgt.s32 s13, $0x752FF  }
0x1b: {  	s13 =	smov.u32 @p2 s2;
	p2 =	sne.s32 s10, s7  }
.Ltmp1:
0x1c: {  	p1 =	slt.u32 s10, $0x2;
	(pc) =	sbr.rel @!p2 .LBB1_6-.Ltmp1, $4  }
0x1d: {  	s12 =	simm.s32 @!p1 $0x2  }
0x1e: {  	s14 =	sadd.s32 $0x1, s10;
	_ =	swait.ge @!p1 [sflag:s12], $0x4000  }
0x1f: {  	s11 =	smov.u32 s9;
	p0 =	por !p0, !p0;
	[sflag:s12] =	ssyncset.done @!p1 $0x0  }
0x20: {  	s10 =	smov.u32 s14;
	s9 =	smov.u32 s13;
	[sflag:s12] =	ssyncadd.s32 @!p1 $0xFFFFC000  }
.LBB1_1:
0x21: {  	p1 =	sge.u32 s10, s6  }
0x22: {  	s12 =	sand.u32 @!p1 $0x1FFFFFF, s9  }
0x23: {  	s13 =	smulhi.u32 @!p1 $0x8BCF65, s12;
	_ =	sdelay $0x1  }
0x24: {  	s13 =	sshrl.u32 @!p1 s13, $0xA  }
0x25: {  	s13 =	smul.u32 @!p1 $0x75300, s13;
	_ =	sdelay $0x1  }
0x26: {  	s14 =	sxor.u32 @!p1 $0xFFFFFFFF, s10;
	s12 =	ssub.s32 @!p1 s12, s13  }
0x27: {  	s31 =	sadd.s32 $0xFFFFFFFF, s10;
	s13 =	sshll.u32 @!p1 s14, $0xE;
	s12 =	sshll.u32 @!p1 s12, $0x4  }
0x28: {  	s14 =	simm.s32 @!p1 $0x0;
	s13 =	sand.u32 @!p1 $0x4000, s13;
	s12 =	sadd.s32 @!p1 s3, s12  }
0x29: {  	[tilespmem:s13], [sflag:$0x1] =	stream.linear.gather @!p1 [hbm4b:s12+s14], $0x4000, $0x38;
	[tilespmem:$0x10100] =	vst v63  }
0x2a: {  	p1 =	sge.u32 s31, s6  }
.Ltmp2:
0x2b: {  	_ = 	snop;
	(pc) =	sbr.rel @p1 .LBB1_5-.Ltmp2, $1  }
0x2c: {  	_ =	sdelay $0x3  }
0x2d: {  	s12 =	simm.s32 $0x1  }
0x2e: {  	_ =	swait.ge [sflag:s5], $0x4000;
	s12 =	simm.s32 @!p0 $0x0  }
0x2f: {  	[sflag:s5] =	ssyncset.done $0x0;
	s13 =	sshll.u32 s12, $0xE  }
0x30: {  	[sflag:s5] =	ssyncadd.s32 $0xFFFFC000;
	s15 =	sor.u32 $0x40, s13  }
0x31: {  	s12 =	smul.u32 $0x10200, s12;
	v0 =	vld [tilespmem:s15+$0x30]  }
0x32: {  	v1 =	vld [tilespmem:s15+$0xFFFFFFD0]  }
0x33: {  	s12 =	sshrl.u32 s12, $0x2;
	v5 =	vld [tilespmem:s15+$0xFFFFFFE0]  }
0x34: {  	v6 =	vld [tilespmem:s15+$0xFFFFFFF0];
	s13 =	sor.u32 $0x8000, s12  }
0x35: {  	s31 =	sand.u32 $0x1, s10;
	v3 =	vld [tilespmem:s15+$0x0];
	s14 =	sadd.s32 $0x0, s13  }
0x36: {  	v4 =	vld [tilespmem:s15+$0x10];
	s12 =	smul.u32 $0x10200, s31;
	[tilespmem:s14+$0x3870 ss:$0x81] =	vst.msk $0xffff, v0  }
0x37: {  	v2 =	vld [tilespmem:s15+$0x20];
	[tilespmem:s14+$0x810 ss:$0x81] =	vst.msk $0xffff, v1  }
0x38: {  	s12 =	sshrl.u32 s12, $0x2;
	v0 =	vld [tilespmem:s15+$0xFFFFFFC0];
	[tilespmem:s14+$0x1020 ss:$0x81] =	vst.msk $0xffff, v5;
	s15 =	sadd.s32 $0x80, s15  }
0x39: {  	s16 =	simm.s32 $0x4;
	s17 =	simm.s32 $0x8;
	s12 =	sor.u32 $0x8000, s12;
	[tilespmem:s14+$0x1830 ss:$0x81] =	vst.msk $0xffff, v6;
	v1 =	vld [tilespmem:s15+$0x30]  }
.LBB1_3:
0x3a: {  	p1 =	sne.s32 s17, $0x1FC;
	v5 =	vld [tilespmem:s15+$0xFFFFFFD0];
	[tilespmem:s14+$0x2040 ss:$0x81] =	vst.msk $0xffff, v3  }
0x3b: {  	v6 =	vld [tilespmem:s15+$0xFFFFFFE0];
	[tilespmem:s14+$0x2850 ss:$0x81] =	vst.msk $0xffff, v4  }
0x3c: {  	s18 =	sshra.s32 s16, $0x2;
	s16 =	smov.u32 s17;
	v7 =	vld [tilespmem:s15+$0xFFFFFFF0];
	[tilespmem:s14+$0x3060 ss:$0x81] =	vst.msk $0xffff, v2  }
.Ltmp3:
0x3d: {  	v3 =	vld [tilespmem:s15+$0x0];
	[tilespmem:s14+$0x0 ss:$0x81] =	vst.msk $0xffff, v0;
	s14 =	sadd.s32 s18, s13;
	(pc) =	sbr.rel @p1 .LBB1_3-.Ltmp3, $4  }
0x3e: {  	v4 =	vld [tilespmem:s15+$0x10];
	[tilespmem:s14+$0x3870 ss:$0x81] =	vst.msk $0xffff, v1  }
0x3f: {  	[tilespmem:s14+$0x810 ss:$0x81] =	vst.msk $0xffff, v5;
	v2 =	vld [tilespmem:s15+$0x20]  }
0x40: {  	v0 =	vld [tilespmem:s15+$0xFFFFFFC0];
	[tilespmem:s14+$0x1020 ss:$0x81] =	vst.msk $0xffff, v6;
	s15 =	sadd.s32 $0x80, s15  }
0x41: {  	s17 =	sadd.s32 $0x4, s17;
	v1 =	vld [tilespmem:s15+$0x30];
	[tilespmem:s14+$0x1830 ss:$0x81] =	vst.msk $0xffff, v7  }
.Ltmp4:
0x42: {  	_ = 	snop;
	(pc) =	sbr.rel .LBB1_4-.Ltmp4, $1  }
0x43: {  	_ =	sdelay $0x3  }
.LBB1_6:
0x44: {  	_ =	sfence.sel $0x180000  }
0x45: {  	s2 =	simm.s32 $0x1;
	[bflag:$0x0] =	sbarrier.arrive $0xFFFF  }
0x46: {  	s31 =	simm.s32 $0x2;
	[sflag:s2] =	ssyncpa.u1 $0x1  }
0x47: {  	[sflag:s31] =	ssyncpa.u1 $0x1  }
0x48: {  	p0 =	sne.s32 s0, $0x0;
	_ =	strace $0x90000047  }
0x49: {  	s0 =	sadd.s32 @!p0 $0x100000, s1;
	[bflag:$0x2] =	sbarrier.arrive $0xFFFF  }
0x4a: {  	[sflag:s0] =	ssyncadd.tile.s32 @!p0 $0x1;
	_ =	shalt  }
.Lfunc_end1:
_tile_overlayer_lowered:
.L_overlay_start_2:
0x4b: {  	(tag) =	ssettag $0x2  }
0x4c: {  	s0 =	rddreg [dreg:$0x0];
	s2 =	stileid.u32  }
0x4d: {  	s1 =	rddreg [dreg:$0x1];
	p0 =	sne.s32 s2, $0x0  }
0x4e: {  	s3 =	rddreg [dreg:$0x2];
	[bflag:$0x3] =	sbarrier.arrive $0xFFFF;
	s2 =	simm.s32 @!p0 $0x1C01  }
0x4f: {  	[timem:s3], [sflag:s2] =	dma.local @!p0 [hbm:s0], s1  }
0x50: {  	s0 =	simm.s32 @!p0 $0x1  }
0x51: {  	_ =	swait.ge @!p0 [sflag:s0], s1  }
0x52: {  	s1 =	ssub.s32 @!p0 $0x0, s1;
	[sflag:s0] =	ssyncset.done @!p0 $0x0  }
0x53: {  	[sflag:s0] =	ssyncadd.s32 @!p0 s1  }
0x54: {  	[bflag:$0x3] =	sbarrier.arrive $0xFFFF  }
0x55: {  	_ =	shalt  }

// kernel: sparse-core-data-format-call.cloned.1.call-start
scs
called_computation.2_lowered:
.L_overlay_start_0:
0x0: {  	s1 =	sld [smem:$0x3FD9]  }
0x1: {  	s2 =	sld [smem:$0x3FFE];
	_ =	sdelay $0x1  }
0x2: {  	s3 =	srdreg.scid  }
0x3: {  	s0 =	sand.u32 $0x1, s3  }
0x4: {  	s17 =	sshll.u32 s0, $0xA;
	s1 =	sadd.s32 s2, s1  }
0x5: {  	s1 =	sadd.s32 s1, s17  }
0x6: {  	[smem:$0x3FB3] =	sst s1  }
0x7: {  	_ = 	snop  }
0x8: {  	(tm) =	ssettm $0x1  }
0x9: {  	s18 =	sld [smem:$0x3FFB];
	_ =	sdelay $0x3  }
0xa: {  	_ =	strace s18  }
0xb: {  	s1 =	sld [smem:$0x3FFC];
	_ =	sdelay $0x3  }
0xc: {  	_ =	strace s1  }
0xd: {  	s1 =	sld [smem:$0x3FFD];
	_ =	sdelay $0x3  }
0xe: {  	_ =	strace s1  }
0xf: {  	_ =	strace $0x8FFFFFFF  }
0x10: {  	s19 =	sld [smem:$0x3FDB];
	_ =	sdelay $0x1  }
0x11: {  	s20 =	simm.s32 $_scs_section_size  }
0x12: {  	s4 =	simm.s32 $_size__tile_overlayer_lowered;
	s5 =	simm.s32 $_tile_overlayer_lowered  }
0x13: {  	s23 =	simm.s32 $0x1BFF;
	s22 =	sshll.u32 s5, $0x1;
	s1 =	sadd.s32 s20, s19  }
0x14: {  	s6 =	simm.s32 $0x0;
	s21 =	sshll.u32 s4, $0x1;
	s4 =	sadd.s32 s22, s1  }
0x15: {  	[timem:s6], [sflag:s23] =	dma.local [hbm:s4], s21  }
0x16: {  	_ =	swait.ge [sflag:s23], s21  }
0x17: {  	s2 =	ssub.s32 $0x0, s21;
	[sflag:s23] =	ssyncset.done $0x0  }
0x18: {  	[sflag:s23] =	ssyncadd.s32 s2;
	_ =	sdelay $0x1  }
0x19: {  	s24 =	simm.s32 $0x1B8B  }
0x1a: {  	_ =	swait.ge [sflag:s24], $0x1  }
0x1b: {  	[sflag:s24] =	ssyncset.done $0x0  }
0x1c: {  	s26 =	simm.s32 $0x1B8E;
	s25 =	sld [smem:$0x3FFE];
	[sflag:s24] =	ssyncadd.s32 $0xFFFFFFFF  }
0x1d: {  	s27 =	simm.s32 $execute0_lowered;
	[smem:$0x3FD2] =	sst s26  }
0x1e: {  	s4 =	sshll.u32 s27, $0x1;
	_ =	strace $0x80000049;
	[dreg:$0x1] =	wrdreg $0xFFFFFFFF  }
0x1f: {  	s28 =	simm.s32 $_size_execute0_lowered;
	s1 =	sadd.s32 s1, s4;
	[dreg:$0x0] =	wrdreg $0x0  }
0x20: {  	s4 =	sshll.u32 s28, $0x1;
	[dreg:$0x2] =	wrdreg s1  }
0x21: {  	[dreg:$0x3] =	wrdreg s4  }
0x22: {  	[dreg:$0x4] =	wrdreg $0xC0  }
0x23: {  	_ =	task [dreg:s6], $0x5FFFF  }
0x24: {  	[dreg:$0x1] =	wrdreg $0xFFFFFFFF  }
0x25: {  	[dreg:$0x0] =	wrdreg $0x60  }
0x26: {  	[dreg:$0x2] =	wrdreg s25  }
0x27: {  	[dreg:$0x3] =	wrdreg $0xA  }
0x28: {  	_ =	task.clear_ibuf [dreg:s6], $0x4FFFF;
	_ =	strace $0x90000049  }
0x29: {  	s29 =	simm.s32 $0xA;
	_ =	strace $0x8000004B  }
0x2a: {  	_ =	swait.ge [sflag:s29], $0x1  }
0x2b: {  	[sflag:s29] =	ssyncadd.s32 $0xFFFFFFFF  }
0x2c: {  	_ =	strace $0x9000004B  }
0x2d: {  	_ =	sfence  }
0x2e: {  	s30 =	sld [smem:$0x0];
	_ =	sdelay $0x2  }
0x2f: {  	s31 =	sshll.u32 s3, $0xD;
	s3 =	sshrl.u32 s3, $0x2  }
0x30: {  	s2 =	sand.u32 $0x4000, s31;
	s1 =	sadd.s32 s3, s30  }
0x31: {  	s0 =	sor.u32 s2, s0;
	s1 =	sshll.u32 s1, $0x11  }
0x32: {  	s0 =	sor.u32 s1, s0  }
0x33: {  	s0 =	sadd.s32 $0x8F2B, s0  }
0x34: {  	[sflag:s0] =	ssyncadd.remote.s32 $0x1  }
0x35: {  	_ =	sfence.sel $0xFFFF  }
0x36: {  	[dreg:$0x0] =	wrdreg $0xFFFFFFFF;
	(pc) =	sbr.abs _section_cstart, $3  }
0x37: {  	[dreg:$0x1] =	wrdreg $0xFFFFFFFF  }
0x38: {  	_ =	task.clear_ibuf [dreg:s6], $0x2FFFF;
	_ =	strace $0x9FFFFFFF  }
0x39: {  	(tm) =	ssettm $0x7FFFFFFF  }
tec
execute0_lowered:
.L_overlay_start_1:
0x0: {  	(tag) =	ssettag $0x1  }
0x1: {  	s0 =	srdreg.scid  }
0x2: {  	s5 =	rddreg [dreg:$0x0];
	s1 =	sshll.u32 s0, $0x4  }
0x3: {  	s4 =	simm.s32 $0x1;
	s0 =	stileid.u32;
	s1 =	sand.u32 $0x10, s1  }
0x4: {  	s8 =	simm.s32 $0x2;
	s12 =	simm.s32 $0x0;
	s2 =	sor.u32 s0, s1  }
0x5: {  	s11 =	simm.s32 $0x0;
	s9 =	simm.s32 $0x0;
	s2 =	sshll.u32 s2, $0x7  }
0x6: {  	s10 =	simm.s32 $0x0;
	s3 =	sadd.s32 $0x13F400, s5;
	s6 =	ssub.s32 $0x75300, s2  }
.Ltmp0:
0x7: {  	s1 =	rddreg [dreg:$0x1];
	s7 =	sand.u32 $0xF80, s6;
	(pc) =	sbr.rel .LBB1_1-.Ltmp0, $4  }
0x8: {  	_ =	strace $0x8000004A;
	p0 =	sne.s32 s7, $0x0;
	s7 =	simm.s32 $0x1  }
0x9: {  	[sflag:s4] =	ssyncpa.u1 $0x0;
	s6 =	sshrl.u32 s6, $0xC;
	s7 =	simm.s32 @!p0 $0x0  }
0xa: {  	s5 =	sadd.s32 $0x892400, s5;
	[sflag:s8] =	ssyncpa.u1 $0x0;
	s6 =	sadd.s32 s7, s6  }
0xb: {  	s8 =	smov.u32 s2;
	p0 =	por $0x0, $0x0;
	s7 =	sadd.s32 $0x1, s6  }
.LBB1_4:
0xc: {  	s12 =	sshll.u32 s12, $0x7;
	s18 =	sshll.u32 s11, $0x3  }
0xd: {  	v5 =	vld [tilespmem:s16+$0xFFFFFFD0];
	[tilespmem:s15+$0x2040 ss:$0x81] =	vst.msk $0xffff, v4;
	s19 =	sand.u32 $0xFFFFFC00, s12;
	s18 =	sand.u32 $0xFFFFFC00, s18  }
0xe: {  	v58 =	vld [tilespmem:s16+$0xFFFFFFE0];
	[tilespmem:s15+$0x2850 ss:$0x81] =	vst.msk $0xffff, v3;
	s12 =	sand.u32 $0x380, s12;
	s18 =	sadd.s32 s18, s19  }
0xf: {  	s17 =	sshra.s32 s17, $0x2;
	v59 =	vld [tilespmem:s16+$0xFFFFFFF0];
	[tilespmem:s15+$0x3060 ss:$0x81] =	vst.msk $0xffff, v2;
	s12 =	sor.u32 s12, s18  }
0x10: {  	v60 =	vld [tilespmem:s16+$0x0];
	[tilespmem:s15+$0x0 ss:$0x81] =	vst.msk $0xffff, v0;
	s14 =	sadd.s32 s17, s14;
	s12 =	sshrl.u32 s12, $0x7  }
0x11: {  	v61 =	vld [tilespmem:s16+$0x10];
	[tilespmem:s14+$0x3870 ss:$0x81] =	vst.msk $0xffff, v1;
	s28 =	smulhi.u32 $0x8BCF65, s12  }
0x12: {  	v62 =	vld [tilespmem:s16+$0x20];
	[tilespmem:s14+$0x810 ss:$0x81] =	vst.msk $0xffff, v5  }
0x13: {  	v63 =	vld [tilespmem:s16+$0xFFFFFFC0];
	[tilespmem:s14+$0x1020 ss:$0x81] =	vst.msk $0xffff, v58;
	s15 =	sshrl.u32 s28, $0xA  }
0x14: {  	[tilespmem:s14+$0x1830 ss:$0x81] =	vst.msk $0xffff, v59;
	s15 =	smul.u32 $0x75300, s15  }
0x15: {  	s29 =	sshrl.u32 s11, $0x3;
	[tilespmem:s14+$0x2040 ss:$0x81] =	vst.msk $0xffff, v60  }
0x16: {  	s30 =	sand.u32 $0xF, s29;
	[tilespmem:s14+$0x2850 ss:$0x81] =	vst.msk $0xffff, v61;
	s12 =	ssub.s32 s12, s15  }
0x17: {  	[tilespmem:s14+$0x3060 ss:$0x81] =	vst.msk $0xffff, v62;
	s15 =	sadd.s32 s5, s30;
	s12 =	sshll.u32 s12, $0x4  }
0x18: {  	s31 =	sand.u32 $0x7, s11;
	[tilespmem:s14+$0x0 ss:$0x81] =	vst.msk $0xffff, v63;
	s12 =	sadd.s32 s12, s15  }
0x19: {  	[hbm4b:s12+s31] =	stream.linear.scatter [tilespmem:s13], [sflag:$0x2], $0x4000, $0x20;
	[tilespmem:$0x10100] =	vst v63  }
.LBB1_5:
0x1a: {  	s13 =	sadd.s32 $0x1000, s8  }
0x1b: {  	s11 =	sadd.s32 $0x80, s9;
	s15 =	smov.u32 s9;
	p2 =	sgt.s32 s13, $0x752FF  }
0x1c: {  	s15 =	smov.u32 @p2 s11  }
0x1d: {  	s13 =	smov.u32 @p2 s2;
	p2 =	sgt.s32 s15, $0x7F  }
0x1e: {  	s15 =	simm.s32 @p2 $0x0;
	p2 =	sne.s32 s10, s7  }
.Ltmp1:
0x1f: {  	p1 =	slt.u32 s10, $0x2;
	(pc) =	sbr.rel @!p2 .LBB1_6-.Ltmp1, $4  }
0x20: {  	s14 =	simm.s32 @!p1 $0x2  }
0x21: {  	s12 =	smov.u32 s8;
	p0 =	por !p0, !p0;
	_ =	swait.ge @!p1 [sflag:s14], $0x4000  }
0x22: {  	s11 =	smov.u32 s9;
	[sflag:s14] =	ssyncset.done @!p1 $0x0;
	s8 =	smov.u32 s13  }
0x23: {  	s10 =	sadd.s32 $0x1, s10;
	[sflag:s14] =	ssyncadd.s32 @!p1 $0xFFFFC000;
	s9 =	smov.u32 s15  }
.LBB1_1:
0x24: {  	p1 =	sge.u32 s10, s6  }
0x25: {  	s13 =	sshrl.u32 @!p1 s9, $0x3  }
0x26: {  	s14 =	sshll.u32 @!p1 s8, $0x3;
	s13 =	smul.u32 @!p1 $0x3A9800, s13  }
0x27: {  	s15 =	sshll.u32 @!p1 s9, $0x7;
	s14 =	sand.u32 @!p1 $0xFFFFFC00, s14  }
0x28: {  	s13 =	sadd.s32 @!p1 s13, s14;
	s14 =	sand.u32 @!p1 $0x380, s15  }
0x29: {  	s15 =	sand.u32 @!p1 $0x7F, s8;
	s13 =	sor.u32 @!p1 s14, s13  }
0x2a: {  	s14 =	sor.u32 @!p1 s15, s13  }
0x2b: {  	s15 =	smulhi.u32 @!p1 $0x45E7B273, s14;
	_ =	sdelay $0x1  }
0x2c: {  	s13 =	smulhi.u32 @!p1 $0x45E7B273, s13;
	s15 =	sshrl.u32 @!p1 s15, $0x11  }
0x2d: {  	s15 =	smul.u32 @!p1 $0x75300, s15  }
0x2e: {  	s31 =	sadd.s32 $0xFFFFFFFF, s10;
	s16 =	sxor.u32 @!p1 $0xFFFFFFFF, s10;
	s13 =	sshrl.u32 @!p1 s13, $0x11  }
0x2f: {  	s16 =	sshll.u32 @!p1 s16, $0xE;
	s13 =	sand.u32 @!p1 $0x7F, s13;
	s14 =	ssub.s32 @!p1 s14, s15  }
0x30: {  	s13 =	smul.u32 @!p1 $0xEA60, s13;
	s15 =	sshrl.u32 @!p1 s14, $0x3;
	s14 =	sand.u32 @!p1 $0x7, s14  }
0x31: {  	s16 =	sand.u32 @!p1 $0x4000, s16;
	s15 =	sadd.s32 @!p1 s3, s15;
	s14 =	sshll.u32 @!p1 s14, $0x12  }
0x32: {  	s13 =	sadd.s32 @!p1 s13, s15;
	s14 =	sor.u32 @!p1 $0x400, s14;
	s15 =	simm.s32 @!p1 $0x3A9800  }
0x33: {  	[tilespmem:s16], [sflag:$0x1] =	stream.strided.gather @!p1 [hbm4b:s13+s14], $0x4000, s15, s14, $0x38;
	[tilespmem:$0x10100] =	vst v63  }
0x34: {  	p1 =	sge.u32 s31, s6  }
.Ltmp2:
0x35: {  	_ = 	snop;
	(pc) =	sbr.rel @p1 .LBB1_5-.Ltmp2, $1  }
0x36: {  	_ =	sdelay $0x3  }
0x37: {  	s13 =	simm.s32 $0x1  }
0x38: {  	_ =	swait.ge [sflag:s4], $0x4000;
	s13 =	simm.s32 @!p0 $0x0  }
0x39: {  	[sflag:s4] =	ssyncset.done $0x0;
	s14 =	sshll.u32 s13, $0xE  }
0x3a: {  	[sflag:s4] =	ssyncadd.s32 $0xFFFFC000;
	s16 =	sor.u32 $0x40, s14  }
0x3b: {  	s13 =	smul.u32 $0x10200, s13;
	v0 =	vld [tilespmem:s16+$0x30]  }
0x3c: {  	v1 =	vld [tilespmem:s16+$0xFFFFFFD0]  }
0x3d: {  	s13 =	sshrl.u32 s13, $0x2;
	v5 =	vld [tilespmem:s16+$0xFFFFFFE0]  }
0x3e: {  	v6 =	vld [tilespmem:s16+$0xFFFFFFF0];
	s14 =	sor.u32 $0x8000, s13  }
0x3f: {  	s31 =	sand.u32 $0x1, s10;
	v4 =	vld [tilespmem:s16+$0x0];
	s15 =	sadd.s32 $0x0, s14  }
0x40: {  	v3 =	vld [tilespmem:s16+$0x10];
	s13 =	smul.u32 $0x10200, s31;
	[tilespmem:s15+$0x3870 ss:$0x81] =	vst.msk $0xffff, v0  }
0x41: {  	v2 =	vld [tilespmem:s16+$0x20];
	[tilespmem:s15+$0x810 ss:$0x81] =	vst.msk $0xffff, v1  }
0x42: {  	s13 =	sshrl.u32 s13, $0x2;
	v0 =	vld [tilespmem:s16+$0xFFFFFFC0];
	[tilespmem:s15+$0x1020 ss:$0x81] =	vst.msk $0xffff, v5;
	s16 =	sadd.s32 $0x80, s16  }
0x43: {  	s17 =	simm.s32 $0x4;
	s18 =	simm.s32 $0x8;
	s13 =	sor.u32 $0x8000, s13;
	[tilespmem:s15+$0x1830 ss:$0x81] =	vst.msk $0xffff, v6;
	v1 =	vld [tilespmem:s16+$0x30]  }
.LBB1_3:
0x44: {  	p1 =	sne.s32 s18, $0x1FC;
	v5 =	vld [tilespmem:s16+$0xFFFFFFD0];
	[tilespmem:s15+$0x2040 ss:$0x81] =	vst.msk $0xffff, v4  }
0x45: {  	v6 =	vld [tilespmem:s16+$0xFFFFFFE0];
	[tilespmem:s15+$0x2850 ss:$0x81] =	vst.msk $0xffff, v3  }
0x46: {  	s19 =	sshra.s32 s17, $0x2;
	s17 =	smov.u32 s18;
	v7 =	vld [tilespmem:s16+$0xFFFFFFF0];
	[tilespmem:s15+$0x3060 ss:$0x81] =	vst.msk $0xffff, v2  }
.Ltmp3:
0x47: {  	v4 =	vld [tilespmem:s16+$0x0];
	[tilespmem:s15+$0x0 ss:$0x81] =	vst.msk $0xffff, v0;
	s15 =	sadd.s32 s19, s14;
	(pc) =	sbr.rel @p1 .LBB1_3-.Ltmp3, $4  }
0x48: {  	v3 =	vld [tilespmem:s16+$0x10];
	[tilespmem:s15+$0x3870 ss:$0x81] =	vst.msk $0xffff, v1  }
0x49: {  	[tilespmem:s15+$0x810 ss:$0x81] =	vst.msk $0xffff, v5;
	v2 =	vld [tilespmem:s16+$0x20]  }
0x4a: {  	v0 =	vld [tilespmem:s16+$0xFFFFFFC0];
	[tilespmem:s15+$0x1020 ss:$0x81] =	vst.msk $0xffff, v6;
	s16 =	sadd.s32 $0x80, s16  }
0x4b: {  	s18 =	sadd.s32 $0x4, s18;
	v1 =	vld [tilespmem:s16+$0x30];
	[tilespmem:s15+$0x1830 ss:$0x81] =	vst.msk $0xffff, v7  }
.Ltmp4:
0x4c: {  	_ = 	snop;
	(pc) =	sbr.rel .LBB1_4-.Ltmp4, $1  }
0x4d: {  	_ =	sdelay $0x3  }
.LBB1_6:
0x4e: {  	_ =	sfence.sel $0x180000  }
0x4f: {  	s2 =	simm.s32 $0x1;
	[bflag:$0x0] =	sbarrier.arrive $0xFFFF  }
0x50: {  	s31 =	simm.s32 $0x2;
	[sflag:s2] =	ssyncpa.u1 $0x1  }
0x51: {  	[sflag:s31] =	ssyncpa.u1 $0x1  }
0x52: {  	p0 =	sne.s32 s0, $0x0;
	_ =	strace $0x9000004A  }
0x53: {  	s0 =	sadd.s32 @!p0 $0x100000, s1;
	[bflag:$0x2] =	sbarrier.arrive $0xFFFF  }
0x54: {  	[sflag:s0] =	ssyncadd.tile.s32 @!p0 $0x1;
	_ =	shalt  }
.Lfunc_end1:
_tile_overlayer_lowered:
.L_overlay_start_2:
0x55: {  	(tag) =	ssettag $0x2  }
0x56: {  	s0 =	rddreg [dreg:$0x0];
	s2 =	stileid.u32  }
0x57: {  	s1 =	rddreg [dreg:$0x1];
	p0 =	sne.s32 s2, $0x0  }
0x58: {  	s3 =	rddreg [dreg:$0x2];
	[bflag:$0x3] =	sbarrier.arrive $0xFFFF;
	s2 =	simm.s32 @!p0 $0x1C01  }
0x59: {  	[timem:s3], [sflag:s2] =	dma.local @!p0 [hbm:s0], s1  }
0x5a: {  	s0 =	simm.s32 @!p0 $0x1  }
0x5b: {  	_ =	swait.ge @!p0 [sflag:s0], s1  }
0x5c: {  	s1 =	ssub.s32 @!p0 $0x0, s1;
	[sflag:s0] =	ssyncset.done @!p0 $0x0  }
0x5d: {  	[sflag:s0] =	ssyncadd.s32 @!p0 s1  }
0x5e: {  	[bflag:$0x3] =	sbarrier.arrive $0xFFFF  }
0x5f: {  	_ =	shalt  }

</sc_bundles>
